<compile_context>
chip_gen: v7x
topology: tpu7x:2x2x1
jax: 0.10.2.dev20260603
libtpu: 0.0.44.dev20260713+nightly
codegen_flags: <defaults>
</compile_context>

<pallas_src>
import functools

import jax
import jax.numpy as jnp
from jax import lax
from jax.experimental import pallas as pl
from jax.experimental.pallas import tpu as pltpu
from jax.experimental.pallas import tpu_sc as plsc

_NUM_CORES = 2
_NUM_SUBCORES = 16
_NUM_WORKERS = _NUM_CORES * _NUM_SUBCORES
_NROW = 4
_NIDX = 2


@jax.jit
def _embed(x3, token_table, pos_table):
    B, nchunk, half = x3.shape
    L = nchunk * half
    V, D = token_table.shape
    nrows = B // _NUM_WORKERS
    nout = nrows // _NROW

    mesh = plsc.VectorSubcoreMesh(core_axis_name="c", subcore_axis_name="s")

    @functools.partial(
        pl.kernel,
        mesh=mesh,
        compiler_params=pltpu.CompilerParams(use_tc_tiling_on_sc=False),
        out_type=jax.ShapeDtypeStruct((B, L, D), jnp.float32),
        scratch_types=(
            [pltpu.VMEM((nchunk, half), jnp.int32) for _ in range(_NIDX)]
            + [pltpu.VMEM((L, D), jnp.float32) for _ in range(_NROW)]
            + [
                pltpu.VMEM_SHARED((L, D), jnp.float32),
                pltpu.SemaphoreType.DMA((14,)),
            ]
        ),
    )
    def k(x_hbm, tok_hbm, pos_hbm, out_hbm,
          idx0, idx1, rows0, rows1, rows2, rows3, pos_sh, sem):
        idx_v = [idx0, idx1]
        rows_v = [rows0, rows1, rows2, rows3]
        wid = lax.axis_index("s") * _NUM_CORES + lax.axis_index("c")
        base = wid * nrows

        def idx_copy(s, b):
            return pltpu.make_async_copy(
                x_hbm.at[base + s], idx_v[b % _NIDX], sem.at[b % _NIDX])

        def pre_copy(s, b):
            del s
            return pltpu.make_async_copy(
                pos_sh, rows_v[b % _NROW], sem.at[2 + b % _NROW])

        def gather_copies(b):
            return [
                pltpu.make_async_copy(
                    tok_hbm.at[idx_v[b % _NIDX].at[c]],
                    rows_v[b % _NROW].at[pl.ds(c * half, half)],
                    sem.at[6 + b % _NROW],
                )
                for c in range(nchunk)
            ]

        def issue_gathers(b):
            for c in range(nchunk):
                pltpu.async_copy(
                    tok_hbm.at[idx_v[b % _NIDX].at[c]],
                    rows_v[b % _NROW].at[pl.ds(c * half, half)],
                    sem.at[6 + b % _NROW],
                    add=True,
                )

        def wait_gathers(b):
            for d in gather_copies(b):
                d.wait()

        def out_copy(s, b):
            return pltpu.make_async_copy(
                rows_v[b % _NROW], out_hbm.at[base + s], sem.at[10 + b % _NROW])

        def step(s, b, first, last):
            idx_copy(s, b).wait()
            pre_copy(s, b).wait()
            issue_gathers(b)
            if not (first and b == 0):
                wait_gathers(b - 1)
                out_copy(s - 1, b - 1).start()
            if not (last and b == _NROW - 1):
                idx_copy(s + 1, b + 1).start()
            if not (first and b in (0, 1)):
                out_copy(s - 2, b + 2).wait()
            if not (last and b in (_NROW - 2, _NROW - 1)):
                pre_copy(s + 2, b + 2).start()

        @pl.when(lax.axis_index("s") == 0)
        def _init():
            pltpu.sync_copy(pos_hbm, rows0)
            pltpu.sync_copy(rows0, pos_sh)

        plsc.subcore_barrier()

        idx_copy(0, 0).start()
        pre_copy(0, 0).start()
        pre_copy(1, 1).start()

        for b in range(_NROW):
            step(b, b, True, False)

        def body(gi, carry):
            for b in range(_NROW):
                step(gi * _NROW + b, b, False, False)
            return carry

        lax.fori_loop(1, nout - 1, body, 0)

        for b in range(_NROW):
            step((nout - 1) * _NROW + b, b, False, True)

        wait_gathers(_NROW - 1)
        out_copy(nrows - 1, _NROW - 1).start()
        out_copy(nrows - 2, _NROW - 2).wait()
        out_copy(nrows - 1, _NROW - 1).wait()

    return k(x3, token_table, pos_table)


def kernel(x, token_table, pos_table):
    B, L = x.shape
    half = L // 2
    x3 = x.astype(jnp.int32).reshape(B, 2, half)
    return _embed(x3, token_table, pos_table)

# --- scband reference (transcript-rebuilt; emitter-appended) ---
"""Pipeline reference for scband-token-and-position-embedding-4638564680107 (READ-ONLY COPY).

The authoritative reference and input builder live on the scoring server;
editing this copy changes nothing except your own understanding.
"""

import jax, jax.numpy as jnp
import numpy as np

VOCAB = 1000000
MAXLEN = 200
EMBED = 64
BATCH = 4096

def setup_inputs(seed: int = 0) -> dict:
    key = jax.random.key(seed)
    k1, k2, k3 = jax.random.split(key, 3)
    x = jax.random.randint(k1, (BATCH, MAXLEN), 0, VOCAB, dtype=jnp.int64 if jax.config.read('jax_enable_x64') else jnp.int32)
    token_table = jax.random.normal(k2, (VOCAB, EMBED), dtype=jnp.float32) * 0.02
    pos_table = jax.random.normal(k3, (MAXLEN, EMBED), dtype=jnp.float32) * 0.02
    return {"x": x, "token_table": token_table, "pos_table": pos_table}

def reference(x, token_table, pos_table):
    # token embedding lookup: gather rows from the token table
    tok = jnp.take(token_table, x, axis=0)  # [B, L, D]
    # position embedding lookup for positions 0..L-1
    seqlen = x.shape[-1]
    positions = jnp.arange(seqlen)
    pos = jnp.take(pos_table, positions, axis=0)  # [L, D]
    return tok + pos[None, :, :]

if __name__ == "__main__":
    import jax
    _d = setup_inputs()
    print(jax.jit(kernel)(*tuple(_d.values())))

</pallas_src>

<mosaic_0001>
#map = affine_map<(d0, d1) -> (0, 0, 0)>
#map1 = affine_map<(d0, d1) -> (0, 0)>
module attributes {stable_mosaic.version = 14 : i64} {
  func.func @k(%arg0: i32, %arg1: i32, %arg2: memref<4096x2x100xi32, #tpu.memory_space<hbm>>, %arg3: memref<1000000x64xf32, #tpu.memory_space<hbm>>, %arg4: memref<200x64xf32, #tpu.memory_space<hbm>>, %arg5: memref<4096x200x64xf32, #tpu.memory_space<hbm>>, %arg6: memref<2x100xi32, #tpu.memory_space<vmem>>, %arg7: memref<2x100xi32, #tpu.memory_space<vmem>>, %arg8: memref<200x64xf32, #tpu.memory_space<vmem>>, %arg9: memref<200x64xf32, #tpu.memory_space<vmem>>, %arg10: memref<200x64xf32, #tpu.memory_space<vmem>>, %arg11: memref<200x64xf32, #tpu.memory_space<vmem>>, %arg12: memref<200x64xf32, #tpu.memory_space<vmem_shared>>, %arg13: memref<14x!tpu.dma_semaphore, #tpu.memory_space<semaphore_mem>>) attributes {dimension_semantics = [#tpu.dimension_semantics<core_parallel>, #tpu.dimension_semantics<subcore_parallel>], iteration_bounds = array<i64: 2, 16>, scalar_prefetch = 0 : i64, scratch_operands = 8 : i64, tpu.core_type = #tpu.core_type<sc_vector_subcore>, window_params = [{transform_indices = #map}, {transform_indices = #map1}, {transform_indices = #map1}, {transform_indices = #map}]} {
    %mul3A = arith.constant 2 : i32
    %mul3A_0 = arith.muli %arg1, %mul3A : i32
    %add3A = arith.addi %mul3A_0, %arg0 : i32
    %mul3A_1 = arith.constant 128 : i32
    %mul3A_2 = arith.muli %add3A, %mul3A_1 : i32
    %eq3A = arith.constant 0 : i32
    %eq3A_3 = arith.cmpi eq, %arg1, %eq3A : i32
    %convert_element_type3A = arith.extui %eq3A_3 : i1 to i32
    %cond3A = arith.constant 0 : i32
    %cond3A_4 = arith.cmpi ne, %convert_element_type3A, %cond3A : i32
    scf.if %cond3A_4 {
      "tpu.region"() ({
        %run_scoped3A = tpu.sem_alloc : memref<!tpu.dma_semaphore, #tpu.memory_space<semaphore_mem>>
        tpu.enqueue_dma source(%arg4 : memref<200x64xf32, #tpu.memory_space<hbm>>) target(%arg8 : memref<200x64xf32, #tpu.memory_space<vmem>>) target_semaphore(%run_scoped3A : memref<!tpu.dma_semaphore, #tpu.memory_space<semaphore_mem>>)
        tpu.wait_dma2 semaphore(%run_scoped3A : memref<!tpu.dma_semaphore, #tpu.memory_space<semaphore_mem>>) src(%arg4 : memref<200x64xf32, #tpu.memory_space<hbm>>) dst(%arg8 : memref<200x64xf32, #tpu.memory_space<vmem>>)
        tpu.yield
      }) : () -> ()
      "tpu.region"() ({
        %run_scoped3A = tpu.sem_alloc : memref<!tpu.dma_semaphore, #tpu.memory_space<semaphore_mem>>
        tpu.enqueue_dma source(%arg8 : memref<200x64xf32, #tpu.memory_space<vmem>>) target(%arg12 : memref<200x64xf32, #tpu.memory_space<vmem_shared>>) target_semaphore(%run_scoped3A : memref<!tpu.dma_semaphore, #tpu.memory_space<semaphore_mem>>)
        tpu.wait_dma2 semaphore(%run_scoped3A : memref<!tpu.dma_semaphore, #tpu.memory_space<semaphore_mem>>) src(%arg8 : memref<200x64xf32, #tpu.memory_space<vmem>>) dst(%arg12 : memref<200x64xf32, #tpu.memory_space<vmem_shared>>)
        tpu.yield
      }) : () -> ()
    } else {
    }
    %barrier3A = arith.constant 0 : index
    tpu.barrier barrier_id(%barrier3A)
    %add3A_5 = arith.constant 0 : i32
    %add3A_6 = arith.addi %mul3A_2, %add3A_5 : i32
    %dma_start3A = arith.constant 0 : i32
    %dma_start3A_7 = arith.constant 0 : i32
    %dma_start3A_8 = arith.constant 0 : i32
    %dma_start3A_9 = tpu.memref_slice %arg2[%add3A_6, %dma_start3A_7, %dma_start3A_8] : memref<4096x2x100xi32, #tpu.memory_space<hbm>> -> memref<1x2x100xi32, #tpu.memory_space<hbm>>
    %dma_start3A_10 = tpu.memref_squeeze %dma_start3A_9 : memref<1x2x100xi32, #tpu.memory_space<hbm>> -> memref<2x100xi32, #tpu.memory_space<hbm>>
    %dma_start3A_11 = tpu.memref_slice %arg13[%dma_start3A] : memref<14x!tpu.dma_semaphore, #tpu.memory_space<semaphore_mem>> -> memref<1x!tpu.dma_semaphore, #tpu.memory_space<semaphore_mem>>
    %dma_start3A_12 = tpu.memref_squeeze %dma_start3A_11 : memref<1x!tpu.dma_semaphore, #tpu.memory_space<semaphore_mem>> -> memref<!tpu.dma_semaphore, #tpu.memory_space<semaphore_mem>>
    %dma_start3A_13 = arith.constant 0 : i32
    %dma_start3A_14 = arith.constant 0 : i32
    %dma_start3A_15 = tpu.memref_slice %arg2[%add3A_6, %dma_start3A_13, %dma_start3A_14] : memref<4096x2x100xi32, #tpu.memory_space<hbm>> -> memref<1x2x100xi32, #tpu.memory_space<hbm>>
    %dma_start3A_16 = tpu.memref_squeeze %dma_start3A_15 : memref<1x2x100xi32, #tpu.memory_space<hbm>> -> memref<2x100xi32, #tpu.memory_space<hbm>>
    tpu.enqueue_dma source(%dma_start3A_16 : memref<2x100xi32, #tpu.memory_space<hbm>>) target(%arg6 : memref<2x100xi32, #tpu.memory_space<vmem>>) target_semaphore(%dma_start3A_12 : memref<!tpu.dma_semaphore, #tpu.memory_space<semaphore_mem>>)
    %dma_start3A_17 = arith.constant 2 : i32
    %dma_start3A_18 = tpu.memref_slice %arg13[%dma_start3A_17] : memref<14x!tpu.dma_semaphore, #tpu.memory_space<semaphore_mem>> -> memref<1x!tpu.dma_semaphore, #tpu.memory_space<semaphore_mem>>
    %dma_start3A_19 = tpu.memref_squeeze %dma_start3A_18 : memref<1x!tpu.dma_semaphore, #tpu.memory_space<semaphore_mem>> -> memref<!tpu.dma_semaphore, #tpu.memory_space<semaphore_mem>>
    tpu.enqueue_dma source(%arg12 : memref<200x64xf32, #tpu.memory_space<vmem_shared>>) target(%arg8 : memref<200x64xf32, #tpu.memory_space<vmem>>) target_semaphore(%dma_start3A_19 : memref<!tpu.dma_semaphore, #tpu.memory_space<semaphore_mem>>)
    %dma_start3A_20 = arith.constant 3 : i32
    %dma_start3A_21 = tpu.memref_slice %arg13[%dma_start3A_20] : memref<14x!tpu.dma_semaphore, #tpu.memory_space<semaphore_mem>> -> memref<1x!tpu.dma_semaphore, #tpu.memory_space<semaphore_mem>>
    %dma_start3A_22 = tpu.memref_squeeze %dma_start3A_21 : memref<1x!tpu.dma_semaphore, #tpu.memory_space<semaphore_mem>> -> memref<!tpu.dma_semaphore, #tpu.memory_space<semaphore_mem>>
    tpu.enqueue_dma source(%arg12 : memref<200x64xf32, #tpu.memory_space<vmem_shared>>) target(%arg9 : memref<200x64xf32, #tpu.memory_space<vmem>>) target_semaphore(%dma_start3A_22 : memref<!tpu.dma_semaphore, #tpu.memory_space<semaphore_mem>>)
    %add3A_23 = arith.constant 0 : i32
    %add3A_24 = arith.addi %mul3A_2, %add3A_23 : i32
    %dma_wait3A = arith.constant 0 : i32
    %dma_wait3A_25 = arith.constant 0 : i32
    %dma_wait3A_26 = arith.constant 0 : i32
    %dma_wait3A_27 = tpu.memref_slice %arg2[%add3A_24, %dma_wait3A_25, %dma_wait3A_26] : memref<4096x2x100xi32, #tpu.memory_space<hbm>> -> memref<1x2x100xi32, #tpu.memory_space<hbm>>
    %dma_wait3A_28 = tpu.memref_squeeze %dma_wait3A_27 : memref<1x2x100xi32, #tpu.memory_space<hbm>> -> memref<2x100xi32, #tpu.memory_space<hbm>>
    %dma_wait3A_29 = tpu.memref_slice %arg13[%dma_wait3A] : memref<14x!tpu.dma_semaphore, #tpu.memory_space<semaphore_mem>> -> memref<1x!tpu.dma_semaphore, #tpu.memory_space<semaphore_mem>>
    %dma_wait3A_30 = tpu.memref_squeeze %dma_wait3A_29 : memref<1x!tpu.dma_semaphore, #tpu.memory_space<semaphore_mem>> -> memref<!tpu.dma_semaphore, #tpu.memory_space<semaphore_mem>>
    %dma_wait3A_31 = arith.constant 0 : i32
    %dma_wait3A_32 = arith.constant 0 : i32
    %dma_wait3A_33 = tpu.memref_slice %arg2[%add3A_24, %dma_wait3A_31, %dma_wait3A_32] : memref<4096x2x100xi32, #tpu.memory_space<hbm>> -> memref<1x2x100xi32, #tpu.memory_space<hbm>>
    %dma_wait3A_34 = tpu.memref_squeeze %dma_wait3A_33 : memref<1x2x100xi32, #tpu.memory_space<hbm>> -> memref<2x100xi32, #tpu.memory_space<hbm>>
    tpu.wait_dma2 semaphore(%dma_wait3A_30 : memref<!tpu.dma_semaphore, #tpu.memory_space<semaphore_mem>>) src(%dma_wait3A_34 : memref<2x100xi32, #tpu.memory_space<hbm>>) dst(%arg6 : memref<2x100xi32, #tpu.memory_space<vmem>>)
    %dma_wait3A_35 = arith.constant 2 : i32
    %dma_wait3A_36 = tpu.memref_slice %arg13[%dma_wait3A_35] : memref<14x!tpu.dma_semaphore, #tpu.memory_space<semaphore_mem>> -> memref<1x!tpu.dma_semaphore, #tpu.memory_space<semaphore_mem>>
    %dma_wait3A_37 = tpu.memref_squeeze %dma_wait3A_36 : memref<1x!tpu.dma_semaphore, #tpu.memory_space<semaphore_mem>> -> memref<!tpu.dma_semaphore, #tpu.memory_space<semaphore_mem>>
    tpu.wait_dma2 semaphore(%dma_wait3A_37 : memref<!tpu.dma_semaphore, #tpu.memory_space<semaphore_mem>>) src(%arg12 : memref<200x64xf32, #tpu.memory_space<vmem_shared>>) dst(%arg8 : memref<200x64xf32, #tpu.memory_space<vmem>>)
    %dma_start3A_38 = arith.constant 0 : i32
    %dma_start3A_39 = arith.constant 6 : i32
    %dma_start3A_40 = arith.constant 0 : i32
    %dma_start3A_41 = arith.constant 0 : i32
    %dma_start3A_42 = tpu.memref_slice %arg8[%dma_start3A_40, %dma_start3A_41] : memref<200x64xf32, #tpu.memory_space<vmem>> -> memref<100x64xf32, #tpu.memory_space<vmem>>
    %dma_start3A_43 = arith.constant 0 : i32
    %dma_start3A_44 = tpu.memref_slice %arg6[%dma_start3A_38, %dma_start3A_43] : memref<2x100xi32, #tpu.memory_space<vmem>> -> memref<1x100xi32, #tpu.memory_space<vmem>>
    %dma_start3A_45 = tpu.memref_squeeze %dma_start3A_44 : memref<1x100xi32, #tpu.memory_space<vmem>> -> memref<100xi32, #tpu.memory_space<vmem>>
    %dma_start3A_46 = arith.constant 0 : i32
    %dma_start3A_47 = arith.constant 0 : i32
    %dma_start3A_48 = tpu.memref_slice %arg3[%dma_start3A_46, %dma_start3A_47] : memref<1000000x64xf32, #tpu.memory_space<hbm>> -> memref<1000000x64xf32, #tpu.memory_space<hbm>>
    %dma_start3A_49 = tpu.memref_slice %arg13[%dma_start3A_39] : memref<14x!tpu.dma_semaphore, #tpu.memory_space<semaphore_mem>> -> memref<1x!tpu.dma_semaphore, #tpu.memory_space<semaphore_mem>>
    %dma_start3A_50 = tpu.memref_squeeze %dma_start3A_49 : memref<1x!tpu.dma_semaphore, #tpu.memory_space<semaphore_mem>> -> memref<!tpu.dma_semaphore, #tpu.memory_space<semaphore_mem>>
    tpu.enqueue_indirect_dma source(%dma_start3A_48 : memref<1000000x64xf32, #tpu.memory_space<hbm>>) target(%dma_start3A_42 : memref<100x64xf32, #tpu.memory_space<vmem>>) offsets(%dma_start3A_45 : memref<100xi32, #tpu.memory_space<vmem>>) semaphore(%dma_start3A_50 : memref<!tpu.dma_semaphore, #tpu.memory_space<semaphore_mem>>) {add = true}
    %dma_start3A_51 = arith.constant 1 : i32
    %dma_start3A_52 = arith.constant 6 : i32
    %dma_start3A_53 = arith.constant 100 : i32
    %dma_start3A_54 = arith.constant 0 : i32
    %dma_start3A_55 = tpu.memref_slice %arg8[%dma_start3A_53, %dma_start3A_54] : memref<200x64xf32, #tpu.memory_space<vmem>> -> memref<100x64xf32, #tpu.memory_space<vmem>>
    %dma_start3A_56 = arith.constant 0 : i32
    %dma_start3A_57 = tpu.memref_slice %arg6[%dma_start3A_51, %dma_start3A_56] : memref<2x100xi32, #tpu.memory_space<vmem>> -> memref<1x100xi32, #tpu.memory_space<vmem>>
    %dma_start3A_58 = tpu.memref_squeeze %dma_start3A_57 : memref<1x100xi32, #tpu.memory_space<vmem>> -> memref<100xi32, #tpu.memory_space<vmem>>
    %dma_start3A_59 = arith.constant 0 : i32
    %dma_start3A_60 = arith.constant 0 : i32
    %dma_start3A_61 = tpu.memref_slice %arg3[%dma_start3A_59, %dma_start3A_60] : memref<1000000x64xf32, #tpu.memory_space<hbm>> -> memref<1000000x64xf32, #tpu.memory_space<hbm>>
    %dma_start3A_62 = tpu.memref_slice %arg13[%dma_start3A_52] : memref<14x!tpu.dma_semaphore, #tpu.memory_space<semaphore_mem>> -> memref<1x!tpu.dma_semaphore, #tpu.memory_space<semaphore_mem>>
    %dma_start3A_63 = tpu.memref_squeeze %dma_start3A_62 : memref<1x!tpu.dma_semaphore, #tpu.memory_space<semaphore_mem>> -> memref<!tpu.dma_semaphore, #tpu.memory_space<semaphore_mem>>
    tpu.enqueue_indirect_dma source(%dma_start3A_61 : memref<1000000x64xf32, #tpu.memory_space<hbm>>) target(%dma_start3A_55 : memref<100x64xf32, #tpu.memory_space<vmem>>) offsets(%dma_start3A_58 : memref<100xi32, #tpu.memory_space<vmem>>) semaphore(%dma_start3A_63 : memref<!tpu.dma_semaphore, #tpu.memory_space<semaphore_mem>>) {add = true}
    %add3A_64 = arith.constant 1 : i32
    %add3A_65 = arith.addi %mul3A_2, %add3A_64 : i32
    %dma_start3A_66 = arith.constant 1 : i32
    %dma_start3A_67 = arith.constant 0 : i32
    %dma_start3A_68 = arith.constant 0 : i32
    %dma_start3A_69 = tpu.memref_slice %arg2[%add3A_65, %dma_start3A_67, %dma_start3A_68] : memref<4096x2x100xi32, #tpu.memory_space<hbm>> -> memref<1x2x100xi32, #tpu.memory_space<hbm>>
    %dma_start3A_70 = tpu.memref_squeeze %dma_start3A_69 : memref<1x2x100xi32, #tpu.memory_space<hbm>> -> memref<2x100xi32, #tpu.memory_space<hbm>>
    %dma_start3A_71 = tpu.memref_slice %arg13[%dma_start3A_66] : memref<14x!tpu.dma_semaphore, #tpu.memory_space<semaphore_mem>> -> memref<1x!tpu.dma_semaphore, #tpu.memory_space<semaphore_mem>>
    %dma_start3A_72 = tpu.memref_squeeze %dma_start3A_71 : memref<1x!tpu.dma_semaphore, #tpu.memory_space<semaphore_mem>> -> memref<!tpu.dma_semaphore, #tpu.memory_space<semaphore_mem>>
    %dma_start3A_73 = arith.constant 0 : i32
    %dma_start3A_74 = arith.constant 0 : i32
    %dma_start3A_75 = tpu.memref_slice %arg2[%add3A_65, %dma_start3A_73, %dma_start3A_74] : memref<4096x2x100xi32, #tpu.memory_space<hbm>> -> memref<1x2x100xi32, #tpu.memory_space<hbm>>
    %dma_start3A_76 = tpu.memref_squeeze %dma_start3A_75 : memref<1x2x100xi32, #tpu.memory_space<hbm>> -> memref<2x100xi32, #tpu.memory_space<hbm>>
    tpu.enqueue_dma source(%dma_start3A_76 : memref<2x100xi32, #tpu.memory_space<hbm>>) target(%arg7 : memref<2x100xi32, #tpu.memory_space<vmem>>) target_semaphore(%dma_start3A_72 : memref<!tpu.dma_semaphore, #tpu.memory_space<semaphore_mem>>)
    %dma_start3A_77 = arith.constant 4 : i32
    %dma_start3A_78 = tpu.memref_slice %arg13[%dma_start3A_77] : memref<14x!tpu.dma_semaphore, #tpu.memory_space<semaphore_mem>> -> memref<1x!tpu.dma_semaphore, #tpu.memory_space<semaphore_mem>>
    %dma_start3A_79 = tpu.memref_squeeze %dma_start3A_78 : memref<1x!tpu.dma_semaphore, #tpu.memory_space<semaphore_mem>> -> memref<!tpu.dma_semaphore, #tpu.memory_space<semaphore_mem>>
    tpu.enqueue_dma source(%arg12 : memref<200x64xf32, #tpu.memory_space<vmem_shared>>) target(%arg10 : memref<200x64xf32, #tpu.memory_space<vmem>>) target_semaphore(%dma_start3A_79 : memref<!tpu.dma_semaphore, #tpu.memory_space<semaphore_mem>>)
    %add3A_80 = arith.constant 1 : i32
    %add3A_81 = arith.addi %mul3A_2, %add3A_80 : i32
    %dma_wait3A_82 = arith.constant 1 : i32
    %dma_wait3A_83 = arith.constant 0 : i32
    %dma_wait3A_84 = arith.constant 0 : i32
    %dma_wait3A_85 = tpu.memref_slice %arg2[%add3A_81, %dma_wait3A_83, %dma_wait3A_84] : memref<4096x2x100xi32, #tpu.memory_space<hbm>> -> memref<1x2x100xi32, #tpu.memory_space<hbm>>
    %dma_wait3A_86 = tpu.memref_squeeze %dma_wait3A_85 : memref<1x2x100xi32, #tpu.memory_space<hbm>> -> memref<2x100xi32, #tpu.memory_space<hbm>>
    %dma_wait3A_87 = tpu.memref_slice %arg13[%dma_wait3A_82] : memref<14x!tpu.dma_semaphore, #tpu.memory_space<semaphore_mem>> -> memref<1x!tpu.dma_semaphore, #tpu.memory_space<semaphore_mem>>
    %dma_wait3A_88 = tpu.memref_squeeze %dma_wait3A_87 : memref<1x!tpu.dma_semaphore, #tpu.memory_space<semaphore_mem>> -> memref<!tpu.dma_semaphore, #tpu.memory_space<semaphore_mem>>
    %dma_wait3A_89 = arith.constant 0 : i32
    %dma_wait3A_90 = arith.constant 0 : i32
    %dma_wait3A_91 = tpu.memref_slice %arg2[%add3A_81, %dma_wait3A_89, %dma_wait3A_90] : memref<4096x2x100xi32, #tpu.memory_space<hbm>> -> memref<1x2x100xi32, #tpu.memory_space<hbm>>
    %dma_wait3A_92 = tpu.memref_squeeze %dma_wait3A_91 : memref<1x2x100xi32, #tpu.memory_space<hbm>> -> memref<2x100xi32, #tpu.memory_space<hbm>>
    tpu.wait_dma2 semaphore(%dma_wait3A_88 : memref<!tpu.dma_semaphore, #tpu.memory_space<semaphore_mem>>) src(%dma_wait3A_92 : memref<2x100xi32, #tpu.memory_space<hbm>>) dst(%arg7 : memref<2x100xi32, #tpu.memory_space<vmem>>)
    %dma_wait3A_93 = arith.constant 3 : i32
    %dma_wait3A_94 = tpu.memref_slice %arg13[%dma_wait3A_93] : memref<14x!tpu.dma_semaphore, #tpu.memory_space<semaphore_mem>> -> memref<1x!tpu.dma_semaphore, #tpu.memory_space<semaphore_mem>>
    %dma_wait3A_95 = tpu.memref_squeeze %dma_wait3A_94 : memref<1x!tpu.dma_semaphore, #tpu.memory_space<semaphore_mem>> -> memref<!tpu.dma_semaphore, #tpu.memory_space<semaphore_mem>>
    tpu.wait_dma2 semaphore(%dma_wait3A_95 : memref<!tpu.dma_semaphore, #tpu.memory_space<semaphore_mem>>) src(%arg12 : memref<200x64xf32, #tpu.memory_space<vmem_shared>>) dst(%arg9 : memref<200x64xf32, #tpu.memory_space<vmem>>)
    %dma_start3A_96 = arith.constant 0 : i32
    %dma_start3A_97 = arith.constant 7 : i32
    %dma_start3A_98 = arith.constant 0 : i32
    %dma_start3A_99 = arith.constant 0 : i32
    %dma_start3A_100 = tpu.memref_slice %arg9[%dma_start3A_98, %dma_start3A_99] : memref<200x64xf32, #tpu.memory_space<vmem>> -> memref<100x64xf32, #tpu.memory_space<vmem>>
    %dma_start3A_101 = arith.constant 0 : i32
    %dma_start3A_102 = tpu.memref_slice %arg7[%dma_start3A_96, %dma_start3A_101] : memref<2x100xi32, #tpu.memory_space<vmem>> -> memref<1x100xi32, #tpu.memory_space<vmem>>
    %dma_start3A_103 = tpu.memref_squeeze %dma_start3A_102 : memref<1x100xi32, #tpu.memory_space<vmem>> -> memref<100xi32, #tpu.memory_space<vmem>>
    %dma_start3A_104 = arith.constant 0 : i32
    %dma_start3A_105 = arith.constant 0 : i32
    %dma_start3A_106 = tpu.memref_slice %arg3[%dma_start3A_104, %dma_start3A_105] : memref<1000000x64xf32, #tpu.memory_space<hbm>> -> memref<1000000x64xf32, #tpu.memory_space<hbm>>
    %dma_start3A_107 = tpu.memref_slice %arg13[%dma_start3A_97] : memref<14x!tpu.dma_semaphore, #tpu.memory_space<semaphore_mem>> -> memref<1x!tpu.dma_semaphore, #tpu.memory_space<semaphore_mem>>
    %dma_start3A_108 = tpu.memref_squeeze %dma_start3A_107 : memref<1x!tpu.dma_semaphore, #tpu.memory_space<semaphore_mem>> -> memref<!tpu.dma_semaphore, #tpu.memory_space<semaphore_mem>>
    tpu.enqueue_indirect_dma source(%dma_start3A_106 : memref<1000000x64xf32, #tpu.memory_space<hbm>>) target(%dma_start3A_100 : memref<100x64xf32, #tpu.memory_space<vmem>>) offsets(%dma_start3A_103 : memref<100xi32, #tpu.memory_space<vmem>>) semaphore(%dma_start3A_108 : memref<!tpu.dma_semaphore, #tpu.memory_space<semaphore_mem>>) {add = true}
    %dma_start3A_109 = arith.constant 1 : i32
    %dma_start3A_110 = arith.constant 7 : i32
    %dma_start3A_111 = arith.constant 100 : i32
    %dma_start3A_112 = arith.constant 0 : i32
    %dma_start3A_113 = tpu.memref_slice %arg9[%dma_start3A_111, %dma_start3A_112] : memref<200x64xf32, #tpu.memory_space<vmem>> -> memref<100x64xf32, #tpu.memory_space<vmem>>
    %dma_start3A_114 = arith.constant 0 : i32
    %dma_start3A_115 = tpu.memref_slice %arg7[%dma_start3A_109, %dma_start3A_114] : memref<2x100xi32, #tpu.memory_space<vmem>> -> memref<1x100xi32, #tpu.memory_space<vmem>>
    %dma_start3A_116 = tpu.memref_squeeze %dma_start3A_115 : memref<1x100xi32, #tpu.memory_space<vmem>> -> memref<100xi32, #tpu.memory_space<vmem>>
    %dma_start3A_117 = arith.constant 0 : i32
    %dma_start3A_118 = arith.constant 0 : i32
    %dma_start3A_119 = tpu.memref_slice %arg3[%dma_start3A_117, %dma_start3A_118] : memref<1000000x64xf32, #tpu.memory_space<hbm>> -> memref<1000000x64xf32, #tpu.memory_space<hbm>>
    %dma_start3A_120 = tpu.memref_slice %arg13[%dma_start3A_110] : memref<14x!tpu.dma_semaphore, #tpu.memory_space<semaphore_mem>> -> memref<1x!tpu.dma_semaphore, #tpu.memory_space<semaphore_mem>>
    %dma_start3A_121 = tpu.memref_squeeze %dma_start3A_120 : memref<1x!tpu.dma_semaphore, #tpu.memory_space<semaphore_mem>> -> memref<!tpu.dma_semaphore, #tpu.memory_space<semaphore_mem>>
    tpu.enqueue_indirect_dma source(%dma_start3A_119 : memref<1000000x64xf32, #tpu.memory_space<hbm>>) target(%dma_start3A_113 : memref<100x64xf32, #tpu.memory_space<vmem>>) offsets(%dma_start3A_116 : memref<100xi32, #tpu.memory_space<vmem>>) semaphore(%dma_start3A_121 : memref<!tpu.dma_semaphore, #tpu.memory_space<semaphore_mem>>) {add = true}
    %dma_wait3A_122 = arith.constant 0 : i32
    %dma_wait3A_123 = arith.constant 6 : i32
    %dma_wait3A_124 = arith.constant 0 : i32
    %dma_wait3A_125 = arith.constant 0 : i32
    %dma_wait3A_126 = tpu.memref_slice %arg8[%dma_wait3A_124, %dma_wait3A_125] : memref<200x64xf32, #tpu.memory_space<vmem>> -> memref<100x64xf32, #tpu.memory_space<vmem>>
    %dma_wait3A_127 = arith.constant 0 : i32
    %dma_wait3A_128 = tpu.memref_slice %arg6[%dma_wait3A_122, %dma_wait3A_127] : memref<2x100xi32, #tpu.memory_space<vmem>> -> memref<1x100xi32, #tpu.memory_space<vmem>>
    %dma_wait3A_129 = tpu.memref_squeeze %dma_wait3A_128 : memref<1x100xi32, #tpu.memory_space<vmem>> -> memref<100xi32, #tpu.memory_space<vmem>>
    %dma_wait3A_130 = arith.constant 0 : i32
    %dma_wait3A_131 = arith.constant 0 : i32
    %dma_wait3A_132 = tpu.memref_slice %arg3[%dma_wait3A_130, %dma_wait3A_131] : memref<1000000x64xf32, #tpu.memory_space<hbm>> -> memref<1000000x64xf32, #tpu.memory_space<hbm>>
    %dma_wait3A_133 = tpu.memref_slice %arg13[%dma_wait3A_123] : memref<14x!tpu.dma_semaphore, #tpu.memory_space<semaphore_mem>> -> memref<1x!tpu.dma_semaphore, #tpu.memory_space<semaphore_mem>>
    %dma_wait3A_134 = tpu.memref_squeeze %dma_wait3A_133 : memref<1x!tpu.dma_semaphore, #tpu.memory_space<semaphore_mem>> -> memref<!tpu.dma_semaphore, #tpu.memory_space<semaphore_mem>>
    tpu.wait_indirect_dma semaphore(%dma_wait3A_134 : memref<!tpu.dma_semaphore, #tpu.memory_space<semaphore_mem>>) src(%dma_wait3A_132 : memref<1000000x64xf32, #tpu.memory_space<hbm>>) dst(%dma_wait3A_126 : memref<100x64xf32, #tpu.memory_space<vmem>>)
    %dma_wait3A_135 = arith.constant 1 : i32
    %dma_wait3A_136 = arith.constant 6 : i32
    %dma_wait3A_137 = arith.constant 100 : i32
    %dma_wait3A_138 = arith.constant 0 : i32
    %dma_wait3A_139 = tpu.memref_slice %arg8[%dma_wait3A_137, %dma_wait3A_138] : memref<200x64xf32, #tpu.memory_space<vmem>> -> memref<100x64xf32, #tpu.memory_space<vmem>>
    %dma_wait3A_140 = arith.constant 0 : i32
    %dma_wait3A_141 = tpu.memref_slice %arg6[%dma_wait3A_135, %dma_wait3A_140] : memref<2x100xi32, #tpu.memory_space<vmem>> -> memref<1x100xi32, #tpu.memory_space<vmem>>
    %dma_wait3A_142 = tpu.memref_squeeze %dma_wait3A_141 : memref<1x100xi32, #tpu.memory_space<vmem>> -> memref<100xi32, #tpu.memory_space<vmem>>
    %dma_wait3A_143 = arith.constant 0 : i32
    %dma_wait3A_144 = arith.constant 0 : i32
    %dma_wait3A_145 = tpu.memref_slice %arg3[%dma_wait3A_143, %dma_wait3A_144] : memref<1000000x64xf32, #tpu.memory_space<hbm>> -> memref<1000000x64xf32, #tpu.memory_space<hbm>>
    %dma_wait3A_146 = tpu.memref_slice %arg13[%dma_wait3A_136] : memref<14x!tpu.dma_semaphore, #tpu.memory_space<semaphore_mem>> -> memref<1x!tpu.dma_semaphore, #tpu.memory_space<semaphore_mem>>
    %dma_wait3A_147 = tpu.memref_squeeze %dma_wait3A_146 : memref<1x!tpu.dma_semaphore, #tpu.memory_space<semaphore_mem>> -> memref<!tpu.dma_semaphore, #tpu.memory_space<semaphore_mem>>
    tpu.wait_indirect_dma semaphore(%dma_wait3A_147 : memref<!tpu.dma_semaphore, #tpu.memory_space<semaphore_mem>>) src(%dma_wait3A_145 : memref<1000000x64xf32, #tpu.memory_space<hbm>>) dst(%dma_wait3A_139 : memref<100x64xf32, #tpu.memory_space<vmem>>)
    %add3A_148 = arith.constant 0 : i32
    %add3A_149 = arith.addi %mul3A_2, %add3A_148 : i32
    %dma_start3A_150 = arith.constant 10 : i32
    %dma_start3A_151 = arith.constant 0 : i32
    %dma_start3A_152 = arith.constant 0 : i32
    %dma_start3A_153 = tpu.memref_slice %arg5[%add3A_149, %dma_start3A_151, %dma_start3A_152] : memref<4096x200x64xf32, #tpu.memory_space<hbm>> -> memref<1x200x64xf32, #tpu.memory_space<hbm>>
    %dma_start3A_154 = tpu.memref_squeeze %dma_start3A_153 : memref<1x200x64xf32, #tpu.memory_space<hbm>> -> memref<200x64xf32, #tpu.memory_space<hbm>>
    %dma_start3A_155 = tpu.memref_slice %arg13[%dma_start3A_150] : memref<14x!tpu.dma_semaphore, #tpu.memory_space<semaphore_mem>> -> memref<1x!tpu.dma_semaphore, #tpu.memory_space<semaphore_mem>>
    %dma_start3A_156 = tpu.memref_squeeze %dma_start3A_155 : memref<1x!tpu.dma_semaphore, #tpu.memory_space<semaphore_mem>> -> memref<!tpu.dma_semaphore, #tpu.memory_space<semaphore_mem>>
    %dma_start3A_157 = arith.constant 0 : i32
    %dma_start3A_158 = arith.constant 0 : i32
    %dma_start3A_159 = tpu.memref_slice %arg5[%add3A_149, %dma_start3A_157, %dma_start3A_158] : memref<4096x200x64xf32, #tpu.memory_space<hbm>> -> memref<1x200x64xf32, #tpu.memory_space<hbm>>
    %dma_start3A_160 = tpu.memref_squeeze %dma_start3A_159 : memref<1x200x64xf32, #tpu.memory_space<hbm>> -> memref<200x64xf32, #tpu.memory_space<hbm>>
    tpu.enqueue_dma source(%arg8 : memref<200x64xf32, #tpu.memory_space<vmem>>) target(%dma_start3A_160 : memref<200x64xf32, #tpu.memory_space<hbm>>) target_semaphore(%dma_start3A_156 : memref<!tpu.dma_semaphore, #tpu.memory_space<semaphore_mem>>)
    %add3A_161 = arith.constant 2 : i32
    %add3A_162 = arith.addi %mul3A_2, %add3A_161 : i32
    %dma_start3A_163 = arith.constant 0 : i32
    %dma_start3A_164 = arith.constant 0 : i32
    %dma_start3A_165 = arith.constant 0 : i32
    %dma_start3A_166 = tpu.memref_slice %arg2[%add3A_162, %dma_start3A_164, %dma_start3A_165] : memref<4096x2x100xi32, #tpu.memory_space<hbm>> -> memref<1x2x100xi32, #tpu.memory_space<hbm>>
    %dma_start3A_167 = tpu.memref_squeeze %dma_start3A_166 : memref<1x2x100xi32, #tpu.memory_space<hbm>> -> memref<2x100xi32, #tpu.memory_space<hbm>>
    %dma_start3A_168 = tpu.memref_slice %arg13[%dma_start3A_163] : memref<14x!tpu.dma_semaphore, #tpu.memory_space<semaphore_mem>> -> memref<1x!tpu.dma_semaphore, #tpu.memory_space<semaphore_mem>>
    %dma_start3A_169 = tpu.memref_squeeze %dma_start3A_168 : memref<1x!tpu.dma_semaphore, #tpu.memory_space<semaphore_mem>> -> memref<!tpu.dma_semaphore, #tpu.memory_space<semaphore_mem>>
    %dma_start3A_170 = arith.constant 0 : i32
    %dma_start3A_171 = arith.constant 0 : i32
    %dma_start3A_172 = tpu.memref_slice %arg2[%add3A_162, %dma_start3A_170, %dma_start3A_171] : memref<4096x2x100xi32, #tpu.memory_space<hbm>> -> memref<1x2x100xi32, #tpu.memory_space<hbm>>
    %dma_start3A_173 = tpu.memref_squeeze %dma_start3A_172 : memref<1x2x100xi32, #tpu.memory_space<hbm>> -> memref<2x100xi32, #tpu.memory_space<hbm>>
    tpu.enqueue_dma source(%dma_start3A_173 : memref<2x100xi32, #tpu.memory_space<hbm>>) target(%arg6 : memref<2x100xi32, #tpu.memory_space<vmem>>) target_semaphore(%dma_start3A_169 : memref<!tpu.dma_semaphore, #tpu.memory_space<semaphore_mem>>)
    %dma_start3A_174 = arith.constant 5 : i32
    %dma_start3A_175 = tpu.memref_slice %arg13[%dma_start3A_174] : memref<14x!tpu.dma_semaphore, #tpu.memory_space<semaphore_mem>> -> memref<1x!tpu.dma_semaphore, #tpu.memory_space<semaphore_mem>>
    %dma_start3A_176 = tpu.memref_squeeze %dma_start3A_175 : memref<1x!tpu.dma_semaphore, #tpu.memory_space<semaphore_mem>> -> memref<!tpu.dma_semaphore, #tpu.memory_space<semaphore_mem>>
    tpu.enqueue_dma source(%arg12 : memref<200x64xf32, #tpu.memory_space<vmem_shared>>) target(%arg11 : memref<200x64xf32, #tpu.memory_space<vmem>>) target_semaphore(%dma_start3A_176 : memref<!tpu.dma_semaphore, #tpu.memory_space<semaphore_mem>>)
    %add3A_177 = arith.constant 2 : i32
    %add3A_178 = arith.addi %mul3A_2, %add3A_177 : i32
    %dma_wait3A_179 = arith.constant 0 : i32
    %dma_wait3A_180 = arith.constant 0 : i32
    %dma_wait3A_181 = arith.constant 0 : i32
    %dma_wait3A_182 = tpu.memref_slice %arg2[%add3A_178, %dma_wait3A_180, %dma_wait3A_181] : memref<4096x2x100xi32, #tpu.memory_space<hbm>> -> memref<1x2x100xi32, #tpu.memory_space<hbm>>
    %dma_wait3A_183 = tpu.memref_squeeze %dma_wait3A_182 : memref<1x2x100xi32, #tpu.memory_space<hbm>> -> memref<2x100xi32, #tpu.memory_space<hbm>>
    %dma_wait3A_184 = tpu.memref_slice %arg13[%dma_wait3A_179] : memref<14x!tpu.dma_semaphore, #tpu.memory_space<semaphore_mem>> -> memref<1x!tpu.dma_semaphore, #tpu.memory_space<semaphore_mem>>
    %dma_wait3A_185 = tpu.memref_squeeze %dma_wait3A_184 : memref<1x!tpu.dma_semaphore, #tpu.memory_space<semaphore_mem>> -> memref<!tpu.dma_semaphore, #tpu.memory_space<semaphore_mem>>
    %dma_wait3A_186 = arith.constant 0 : i32
    %dma_wait3A_187 = arith.constant 0 : i32
    %dma_wait3A_188 = tpu.memref_slice %arg2[%add3A_178, %dma_wait3A_186, %dma_wait3A_187] : memref<4096x2x100xi32, #tpu.memory_space<hbm>> -> memref<1x2x100xi32, #tpu.memory_space<hbm>>
    %dma_wait3A_189 = tpu.memref_squeeze %dma_wait3A_188 : memref<1x2x100xi32, #tpu.memory_space<hbm>> -> memref<2x100xi32, #tpu.memory_space<hbm>>
    tpu.wait_dma2 semaphore(%dma_wait3A_185 : memref<!tpu.dma_semaphore, #tpu.memory_space<semaphore_mem>>) src(%dma_wait3A_189 : memref<2x100xi32, #tpu.memory_space<hbm>>) dst(%arg6 : memref<2x100xi32, #tpu.memory_space<vmem>>)
    %dma_wait3A_190 = arith.constant 4 : i32
    %dma_wait3A_191 = tpu.memref_slice %arg13[%dma_wait3A_190] : memref<14x!tpu.dma_semaphore, #tpu.memory_space<semaphore_mem>> -> memref<1x!tpu.dma_semaphore, #tpu.memory_space<semaphore_mem>>
    %dma_wait3A_192 = tpu.memref_squeeze %dma_wait3A_191 : memref<1x!tpu.dma_semaphore, #tpu.memory_space<semaphore_mem>> -> memref<!tpu.dma_semaphore, #tpu.memory_space<semaphore_mem>>
    tpu.wait_dma2 semaphore(%dma_wait3A_192 : memref<!tpu.dma_semaphore, #tpu.memory_space<semaphore_mem>>) src(%arg12 : memref<200x64xf32, #tpu.memory_space<vmem_shared>>) dst(%arg10 : memref<200x64xf32, #tpu.memory_space<vmem>>)
    %dma_start3A_193 = arith.constant 0 : i32
    %dma_start3A_194 = arith.constant 8 : i32
    %dma_start3A_195 = arith.constant 0 : i32
    %dma_start3A_196 = arith.constant 0 : i32
    %dma_start3A_197 = tpu.memref_slice %arg10[%dma_start3A_195, %dma_start3A_196] : memref<200x64xf32, #tpu.memory_space<vmem>> -> memref<100x64xf32, #tpu.memory_space<vmem>>
    %dma_start3A_198 = arith.constant 0 : i32
    %dma_start3A_199 = tpu.memref_slice %arg6[%dma_start3A_193, %dma_start3A_198] : memref<2x100xi32, #tpu.memory_space<vmem>> -> memref<1x100xi32, #tpu.memory_space<vmem>>
    %dma_start3A_200 = tpu.memref_squeeze %dma_start3A_199 : memref<1x100xi32, #tpu.memory_space<vmem>> -> memref<100xi32, #tpu.memory_space<vmem>>
    %dma_start3A_201 = arith.constant 0 : i32
    %dma_start3A_202 = arith.constant 0 : i32
    %dma_start3A_203 = tpu.memref_slice %arg3[%dma_start3A_201, %dma_start3A_202] : memref<1000000x64xf32, #tpu.memory_space<hbm>> -> memref<1000000x64xf32, #tpu.memory_space<hbm>>
    %dma_start3A_204 = tpu.memref_slice %arg13[%dma_start3A_194] : memref<14x!tpu.dma_semaphore, #tpu.memory_space<semaphore_mem>> -> memref<1x!tpu.dma_semaphore, #tpu.memory_space<semaphore_mem>>
    %dma_start3A_205 = tpu.memref_squeeze %dma_start3A_204 : memref<1x!tpu.dma_semaphore, #tpu.memory_space<semaphore_mem>> -> memref<!tpu.dma_semaphore, #tpu.memory_space<semaphore_mem>>
    tpu.enqueue_indirect_dma source(%dma_start3A_203 : memref<1000000x64xf32, #tpu.memory_space<hbm>>) target(%dma_start3A_197 : memref<100x64xf32, #tpu.memory_space<vmem>>) offsets(%dma_start3A_200 : memref<100xi32, #tpu.memory_space<vmem>>) semaphore(%dma_start3A_205 : memref<!tpu.dma_semaphore, #tpu.memory_space<semaphore_mem>>) {add = true}
    %dma_start3A_206 = arith.constant 1 : i32
    %dma_start3A_207 = arith.constant 8 : i32
    %dma_start3A_208 = arith.constant 100 : i32
    %dma_start3A_209 = arith.constant 0 : i32
    %dma_start3A_210 = tpu.memref_slice %arg10[%dma_start3A_208, %dma_start3A_209] : memref<200x64xf32, #tpu.memory_space<vmem>> -> memref<100x64xf32, #tpu.memory_space<vmem>>
    %dma_start3A_211 = arith.constant 0 : i32
    %dma_start3A_212 = tpu.memref_slice %arg6[%dma_start3A_206, %dma_start3A_211] : memref<2x100xi32, #tpu.memory_space<vmem>> -> memref<1x100xi32, #tpu.memory_space<vmem>>
    %dma_start3A_213 = tpu.memref_squeeze %dma_start3A_212 : memref<1x100xi32, #tpu.memory_space<vmem>> -> memref<100xi32, #tpu.memory_space<vmem>>
    %dma_start3A_214 = arith.constant 0 : i32
    %dma_start3A_215 = arith.constant 0 : i32
    %dma_start3A_216 = tpu.memref_slice %arg3[%dma_start3A_214, %dma_start3A_215] : memref<1000000x64xf32, #tpu.memory_space<hbm>> -> memref<1000000x64xf32, #tpu.memory_space<hbm>>
    %dma_start3A_217 = tpu.memref_slice %arg13[%dma_start3A_207] : memref<14x!tpu.dma_semaphore, #tpu.memory_space<semaphore_mem>> -> memref<1x!tpu.dma_semaphore, #tpu.memory_space<semaphore_mem>>
    %dma_start3A_218 = tpu.memref_squeeze %dma_start3A_217 : memref<1x!tpu.dma_semaphore, #tpu.memory_space<semaphore_mem>> -> memref<!tpu.dma_semaphore, #tpu.memory_space<semaphore_mem>>
    tpu.enqueue_indirect_dma source(%dma_start3A_216 : memref<1000000x64xf32, #tpu.memory_space<hbm>>) target(%dma_start3A_210 : memref<100x64xf32, #tpu.memory_space<vmem>>) offsets(%dma_start3A_213 : memref<100xi32, #tpu.memory_space<vmem>>) semaphore(%dma_start3A_218 : memref<!tpu.dma_semaphore, #tpu.memory_space<semaphore_mem>>) {add = true}
    %dma_wait3A_219 = arith.constant 0 : i32
    %dma_wait3A_220 = arith.constant 7 : i32
    %dma_wait3A_221 = arith.constant 0 : i32
    %dma_wait3A_222 = arith.constant 0 : i32
    %dma_wait3A_223 = tpu.memref_slice %arg9[%dma_wait3A_221, %dma_wait3A_222] : memref<200x64xf32, #tpu.memory_space<vmem>> -> memref<100x64xf32, #tpu.memory_space<vmem>>
    %dma_wait3A_224 = arith.constant 0 : i32
    %dma_wait3A_225 = tpu.memref_slice %arg7[%dma_wait3A_219, %dma_wait3A_224] : memref<2x100xi32, #tpu.memory_space<vmem>> -> memref<1x100xi32, #tpu.memory_space<vmem>>
    %dma_wait3A_226 = tpu.memref_squeeze %dma_wait3A_225 : memref<1x100xi32, #tpu.memory_space<vmem>> -> memref<100xi32, #tpu.memory_space<vmem>>
    %dma_wait3A_227 = arith.constant 0 : i32
    %dma_wait3A_228 = arith.constant 0 : i32
    %dma_wait3A_229 = tpu.memref_slice %arg3[%dma_wait3A_227, %dma_wait3A_228] : memref<1000000x64xf32, #tpu.memory_space<hbm>> -> memref<1000000x64xf32, #tpu.memory_space<hbm>>
    %dma_wait3A_230 = tpu.memref_slice %arg13[%dma_wait3A_220] : memref<14x!tpu.dma_semaphore, #tpu.memory_space<semaphore_mem>> -> memref<1x!tpu.dma_semaphore, #tpu.memory_space<semaphore_mem>>
    %dma_wait3A_231 = tpu.memref_squeeze %dma_wait3A_230 : memref<1x!tpu.dma_semaphore, #tpu.memory_space<semaphore_mem>> -> memref<!tpu.dma_semaphore, #tpu.memory_space<semaphore_mem>>
    tpu.wait_indirect_dma semaphore(%dma_wait3A_231 : memref<!tpu.dma_semaphore, #tpu.memory_space<semaphore_mem>>) src(%dma_wait3A_229 : memref<1000000x64xf32, #tpu.memory_space<hbm>>) dst(%dma_wait3A_223 : memref<100x64xf32, #tpu.memory_space<vmem>>)
    %dma_wait3A_232 = arith.constant 1 : i32
    %dma_wait3A_233 = arith.constant 7 : i32
    %dma_wait3A_234 = arith.constant 100 : i32
    %dma_wait3A_235 = arith.constant 0 : i32
    %dma_wait3A_236 = tpu.memref_slice %arg9[%dma_wait3A_234, %dma_wait3A_235] : memref<200x64xf32, #tpu.memory_space<vmem>> -> memref<100x64xf32, #tpu.memory_space<vmem>>
    %dma_wait3A_237 = arith.constant 0 : i32
    %dma_wait3A_238 = tpu.memref_slice %arg7[%dma_wait3A_232, %dma_wait3A_237] : memref<2x100xi32, #tpu.memory_space<vmem>> -> memref<1x100xi32, #tpu.memory_space<vmem>>
    %dma_wait3A_239 = tpu.memref_squeeze %dma_wait3A_238 : memref<1x100xi32, #tpu.memory_space<vmem>> -> memref<100xi32, #tpu.memory_space<vmem>>
    %dma_wait3A_240 = arith.constant 0 : i32
    %dma_wait3A_241 = arith.constant 0 : i32
    %dma_wait3A_242 = tpu.memref_slice %arg3[%dma_wait3A_240, %dma_wait3A_241] : memref<1000000x64xf32, #tpu.memory_space<hbm>> -> memref<1000000x64xf32, #tpu.memory_space<hbm>>
    %dma_wait3A_243 = tpu.memref_slice %arg13[%dma_wait3A_233] : memref<14x!tpu.dma_semaphore, #tpu.memory_space<semaphore_mem>> -> memref<1x!tpu.dma_semaphore, #tpu.memory_space<semaphore_mem>>
    %dma_wait3A_244 = tpu.memref_squeeze %dma_wait3A_243 : memref<1x!tpu.dma_semaphore, #tpu.memory_space<semaphore_mem>> -> memref<!tpu.dma_semaphore, #tpu.memory_space<semaphore_mem>>
    tpu.wait_indirect_dma semaphore(%dma_wait3A_244 : memref<!tpu.dma_semaphore, #tpu.memory_space<semaphore_mem>>) src(%dma_wait3A_242 : memref<1000000x64xf32, #tpu.memory_space<hbm>>) dst(%dma_wait3A_236 : memref<100x64xf32, #tpu.memory_space<vmem>>)
    %add3A_245 = arith.constant 1 : i32
    %add3A_246 = arith.addi %mul3A_2, %add3A_245 : i32
    %dma_start3A_247 = arith.constant 11 : i32
    %dma_start3A_248 = arith.constant 0 : i32
    %dma_start3A_249 = arith.constant 0 : i32
    %dma_start3A_250 = tpu.memref_slice %arg5[%add3A_246, %dma_start3A_248, %dma_start3A_249] : memref<4096x200x64xf32, #tpu.memory_space<hbm>> -> memref<1x200x64xf32, #tpu.memory_space<hbm>>
    %dma_start3A_251 = tpu.memref_squeeze %dma_start3A_250 : memref<1x200x64xf32, #tpu.memory_space<hbm>> -> memref<200x64xf32, #tpu.memory_space<hbm>>
    %dma_start3A_252 = tpu.memref_slice %arg13[%dma_start3A_247] : memref<14x!tpu.dma_semaphore, #tpu.memory_space<semaphore_mem>> -> memref<1x!tpu.dma_semaphore, #tpu.memory_space<semaphore_mem>>
    %dma_start3A_253 = tpu.memref_squeeze %dma_start3A_252 : memref<1x!tpu.dma_semaphore, #tpu.memory_space<semaphore_mem>> -> memref<!tpu.dma_semaphore, #tpu.memory_space<semaphore_mem>>
    %dma_start3A_254 = arith.constant 0 : i32
    %dma_start3A_255 = arith.constant 0 : i32
    %dma_start3A_256 = tpu.memref_slice %arg5[%add3A_246, %dma_start3A_254, %dma_start3A_255] : memref<4096x200x64xf32, #tpu.memory_space<hbm>> -> memref<1x200x64xf32, #tpu.memory_space<hbm>>
    %dma_start3A_257 = tpu.memref_squeeze %dma_start3A_256 : memref<1x200x64xf32, #tpu.memory_space<hbm>> -> memref<200x64xf32, #tpu.memory_space<hbm>>
    tpu.enqueue_dma source(%arg9 : memref<200x64xf32, #tpu.memory_space<vmem>>) target(%dma_start3A_257 : memref<200x64xf32, #tpu.memory_space<hbm>>) target_semaphore(%dma_start3A_253 : memref<!tpu.dma_semaphore, #tpu.memory_space<semaphore_mem>>)
    %add3A_258 = arith.constant 3 : i32
    %add3A_259 = arith.addi %mul3A_2, %add3A_258 : i32
    %dma_start3A_260 = arith.constant 1 : i32
    %dma_start3A_261 = arith.constant 0 : i32
    %dma_start3A_262 = arith.constant 0 : i32
    %dma_start3A_263 = tpu.memref_slice %arg2[%add3A_259, %dma_start3A_261, %dma_start3A_262] : memref<4096x2x100xi32, #tpu.memory_space<hbm>> -> memref<1x2x100xi32, #tpu.memory_space<hbm>>
    %dma_start3A_264 = tpu.memref_squeeze %dma_start3A_263 : memref<1x2x100xi32, #tpu.memory_space<hbm>> -> memref<2x100xi32, #tpu.memory_space<hbm>>
    %dma_start3A_265 = tpu.memref_slice %arg13[%dma_start3A_260] : memref<14x!tpu.dma_semaphore, #tpu.memory_space<semaphore_mem>> -> memref<1x!tpu.dma_semaphore, #tpu.memory_space<semaphore_mem>>
    %dma_start3A_266 = tpu.memref_squeeze %dma_start3A_265 : memref<1x!tpu.dma_semaphore, #tpu.memory_space<semaphore_mem>> -> memref<!tpu.dma_semaphore, #tpu.memory_space<semaphore_mem>>
    %dma_start3A_267 = arith.constant 0 : i32
    %dma_start3A_268 = arith.constant 0 : i32
    %dma_start3A_269 = tpu.memref_slice %arg2[%add3A_259, %dma_start3A_267, %dma_start3A_268] : memref<4096x2x100xi32, #tpu.memory_space<hbm>> -> memref<1x2x100xi32, #tpu.memory_space<hbm>>
    %dma_start3A_270 = tpu.memref_squeeze %dma_start3A_269 : memref<1x2x100xi32, #tpu.memory_space<hbm>> -> memref<2x100xi32, #tpu.memory_space<hbm>>
    tpu.enqueue_dma source(%dma_start3A_270 : memref<2x100xi32, #tpu.memory_space<hbm>>) target(%arg7 : memref<2x100xi32, #tpu.memory_space<vmem>>) target_semaphore(%dma_start3A_266 : memref<!tpu.dma_semaphore, #tpu.memory_space<semaphore_mem>>)
    %add3A_271 = arith.constant 0 : i32
    %add3A_272 = arith.addi %mul3A_2, %add3A_271 : i32
    %dma_wait3A_273 = arith.constant 10 : i32
    %dma_wait3A_274 = arith.constant 0 : i32
    %dma_wait3A_275 = arith.constant 0 : i32
    %dma_wait3A_276 = tpu.memref_slice %arg5[%add3A_272, %dma_wait3A_274, %dma_wait3A_275] : memref<4096x200x64xf32, #tpu.memory_space<hbm>> -> memref<1x200x64xf32, #tpu.memory_space<hbm>>
    %dma_wait3A_277 = tpu.memref_squeeze %dma_wait3A_276 : memref<1x200x64xf32, #tpu.memory_space<hbm>> -> memref<200x64xf32, #tpu.memory_space<hbm>>
    %dma_wait3A_278 = tpu.memref_slice %arg13[%dma_wait3A_273] : memref<14x!tpu.dma_semaphore, #tpu.memory_space<semaphore_mem>> -> memref<1x!tpu.dma_semaphore, #tpu.memory_space<semaphore_mem>>
    %dma_wait3A_279 = tpu.memref_squeeze %dma_wait3A_278 : memref<1x!tpu.dma_semaphore, #tpu.memory_space<semaphore_mem>> -> memref<!tpu.dma_semaphore, #tpu.memory_space<semaphore_mem>>
    %dma_wait3A_280 = arith.constant 0 : i32
    %dma_wait3A_281 = arith.constant 0 : i32
    %dma_wait3A_282 = tpu.memref_slice %arg5[%add3A_272, %dma_wait3A_280, %dma_wait3A_281] : memref<4096x200x64xf32, #tpu.memory_space<hbm>> -> memref<1x200x64xf32, #tpu.memory_space<hbm>>
    %dma_wait3A_283 = tpu.memref_squeeze %dma_wait3A_282 : memref<1x200x64xf32, #tpu.memory_space<hbm>> -> memref<200x64xf32, #tpu.memory_space<hbm>>
    tpu.wait_dma2 semaphore(%dma_wait3A_279 : memref<!tpu.dma_semaphore, #tpu.memory_space<semaphore_mem>>) src(%arg8 : memref<200x64xf32, #tpu.memory_space<vmem>>) dst(%dma_wait3A_283 : memref<200x64xf32, #tpu.memory_space<hbm>>)
    %dma_start3A_284 = arith.constant 2 : i32
    %dma_start3A_285 = tpu.memref_slice %arg13[%dma_start3A_284] : memref<14x!tpu.dma_semaphore, #tpu.memory_space<semaphore_mem>> -> memref<1x!tpu.dma_semaphore, #tpu.memory_space<semaphore_mem>>
    %dma_start3A_286 = tpu.memref_squeeze %dma_start3A_285 : memref<1x!tpu.dma_semaphore, #tpu.memory_space<semaphore_mem>> -> memref<!tpu.dma_semaphore, #tpu.memory_space<semaphore_mem>>
    tpu.enqueue_dma source(%arg12 : memref<200x64xf32, #tpu.memory_space<vmem_shared>>) target(%arg8 : memref<200x64xf32, #tpu.memory_space<vmem>>) target_semaphore(%dma_start3A_286 : memref<!tpu.dma_semaphore, #tpu.memory_space<semaphore_mem>>)
    %add3A_287 = arith.constant 3 : i32
    %add3A_288 = arith.addi %mul3A_2, %add3A_287 : i32
    %dma_wait3A_289 = arith.constant 1 : i32
    %dma_wait3A_290 = arith.constant 0 : i32
    %dma_wait3A_291 = arith.constant 0 : i32
    %dma_wait3A_292 = tpu.memref_slice %arg2[%add3A_288, %dma_wait3A_290, %dma_wait3A_291] : memref<4096x2x100xi32, #tpu.memory_space<hbm>> -> memref<1x2x100xi32, #tpu.memory_space<hbm>>
    %dma_wait3A_293 = tpu.memref_squeeze %dma_wait3A_292 : memref<1x2x100xi32, #tpu.memory_space<hbm>> -> memref<2x100xi32, #tpu.memory_space<hbm>>
    %dma_wait3A_294 = tpu.memref_slice %arg13[%dma_wait3A_289] : memref<14x!tpu.dma_semaphore, #tpu.memory_space<semaphore_mem>> -> memref<1x!tpu.dma_semaphore, #tpu.memory_space<semaphore_mem>>
    %dma_wait3A_295 = tpu.memref_squeeze %dma_wait3A_294 : memref<1x!tpu.dma_semaphore, #tpu.memory_space<semaphore_mem>> -> memref<!tpu.dma_semaphore, #tpu.memory_space<semaphore_mem>>
    %dma_wait3A_296 = arith.constant 0 : i32
    %dma_wait3A_297 = arith.constant 0 : i32
    %dma_wait3A_298 = tpu.memref_slice %arg2[%add3A_288, %dma_wait3A_296, %dma_wait3A_297] : memref<4096x2x100xi32, #tpu.memory_space<hbm>> -> memref<1x2x100xi32, #tpu.memory_space<hbm>>
    %dma_wait3A_299 = tpu.memref_squeeze %dma_wait3A_298 : memref<1x2x100xi32, #tpu.memory_space<hbm>> -> memref<2x100xi32, #tpu.memory_space<hbm>>
    tpu.wait_dma2 semaphore(%dma_wait3A_295 : memref<!tpu.dma_semaphore, #tpu.memory_space<semaphore_mem>>) src(%dma_wait3A_299 : memref<2x100xi32, #tpu.memory_space<hbm>>) dst(%arg7 : memref<2x100xi32, #tpu.memory_space<vmem>>)
    %dma_wait3A_300 = arith.constant 5 : i32
    %dma_wait3A_301 = tpu.memref_slice %arg13[%dma_wait3A_300] : memref<14x!tpu.dma_semaphore, #tpu.memory_space<semaphore_mem>> -> memref<1x!tpu.dma_semaphore, #tpu.memory_space<semaphore_mem>>
    %dma_wait3A_302 = tpu.memref_squeeze %dma_wait3A_301 : memref<1x!tpu.dma_semaphore, #tpu.memory_space<semaphore_mem>> -> memref<!tpu.dma_semaphore, #tpu.memory_space<semaphore_mem>>
    tpu.wait_dma2 semaphore(%dma_wait3A_302 : memref<!tpu.dma_semaphore, #tpu.memory_space<semaphore_mem>>) src(%arg12 : memref<200x64xf32, #tpu.memory_space<vmem_shared>>) dst(%arg11 : memref<200x64xf32, #tpu.memory_space<vmem>>)
    %dma_start3A_303 = arith.constant 0 : i32
    %dma_start3A_304 = arith.constant 9 : i32
    %dma_start3A_305 = arith.constant 0 : i32
    %dma_start3A_306 = arith.constant 0 : i32
    %dma_start3A_307 = tpu.memref_slice %arg11[%dma_start3A_305, %dma_start3A_306] : memref<200x64xf32, #tpu.memory_space<vmem>> -> memref<100x64xf32, #tpu.memory_space<vmem>>
    %dma_start3A_308 = arith.constant 0 : i32
    %dma_start3A_309 = tpu.memref_slice %arg7[%dma_start3A_303, %dma_start3A_308] : memref<2x100xi32, #tpu.memory_space<vmem>> -> memref<1x100xi32, #tpu.memory_space<vmem>>
    %dma_start3A_310 = tpu.memref_squeeze %dma_start3A_309 : memref<1x100xi32, #tpu.memory_space<vmem>> -> memref<100xi32, #tpu.memory_space<vmem>>
    %dma_start3A_311 = arith.constant 0 : i32
    %dma_start3A_312 = arith.constant 0 : i32
    %dma_start3A_313 = tpu.memref_slice %arg3[%dma_start3A_311, %dma_start3A_312] : memref<1000000x64xf32, #tpu.memory_space<hbm>> -> memref<1000000x64xf32, #tpu.memory_space<hbm>>
    %dma_start3A_314 = tpu.memref_slice %arg13[%dma_start3A_304] : memref<14x!tpu.dma_semaphore, #tpu.memory_space<semaphore_mem>> -> memref<1x!tpu.dma_semaphore, #tpu.memory_space<semaphore_mem>>
    %dma_start3A_315 = tpu.memref_squeeze %dma_start3A_314 : memref<1x!tpu.dma_semaphore, #tpu.memory_space<semaphore_mem>> -> memref<!tpu.dma_semaphore, #tpu.memory_space<semaphore_mem>>
    tpu.enqueue_indirect_dma source(%dma_start3A_313 : memref<1000000x64xf32, #tpu.memory_space<hbm>>) target(%dma_start3A_307 : memref<100x64xf32, #tpu.memory_space<vmem>>) offsets(%dma_start3A_310 : memref<100xi32, #tpu.memory_space<vmem>>) semaphore(%dma_start3A_315 : memref<!tpu.dma_semaphore, #tpu.memory_space<semaphore_mem>>) {add = true}
    %dma_start3A_316 = arith.constant 1 : i32
    %dma_start3A_317 = arith.constant 9 : i32
    %dma_start3A_318 = arith.constant 100 : i32
    %dma_start3A_319 = arith.constant 0 : i32
    %dma_start3A_320 = tpu.memref_slice %arg11[%dma_start3A_318, %dma_start3A_319] : memref<200x64xf32, #tpu.memory_space<vmem>> -> memref<100x64xf32, #tpu.memory_space<vmem>>
    %dma_start3A_321 = arith.constant 0 : i32
    %dma_start3A_322 = tpu.memref_slice %arg7[%dma_start3A_316, %dma_start3A_321] : memref<2x100xi32, #tpu.memory_space<vmem>> -> memref<1x100xi32, #tpu.memory_space<vmem>>
    %dma_start3A_323 = tpu.memref_squeeze %dma_start3A_322 : memref<1x100xi32, #tpu.memory_space<vmem>> -> memref<100xi32, #tpu.memory_space<vmem>>
    %dma_start3A_324 = arith.constant 0 : i32
    %dma_start3A_325 = arith.constant 0 : i32
    %dma_start3A_326 = tpu.memref_slice %arg3[%dma_start3A_324, %dma_start3A_325] : memref<1000000x64xf32, #tpu.memory_space<hbm>> -> memref<1000000x64xf32, #tpu.memory_space<hbm>>
    %dma_start3A_327 = tpu.memref_slice %arg13[%dma_start3A_317] : memref<14x!tpu.dma_semaphore, #tpu.memory_space<semaphore_mem>> -> memref<1x!tpu.dma_semaphore, #tpu.memory_space<semaphore_mem>>
    %dma_start3A_328 = tpu.memref_squeeze %dma_start3A_327 : memref<1x!tpu.dma_semaphore, #tpu.memory_space<semaphore_mem>> -> memref<!tpu.dma_semaphore, #tpu.memory_space<semaphore_mem>>
    tpu.enqueue_indirect_dma source(%dma_start3A_326 : memref<1000000x64xf32, #tpu.memory_space<hbm>>) target(%dma_start3A_320 : memref<100x64xf32, #tpu.memory_space<vmem>>) offsets(%dma_start3A_323 : memref<100xi32, #tpu.memory_space<vmem>>) semaphore(%dma_start3A_328 : memref<!tpu.dma_semaphore, #tpu.memory_space<semaphore_mem>>) {add = true}
    %dma_wait3A_329 = arith.constant 0 : i32
    %dma_wait3A_330 = arith.constant 8 : i32
    %dma_wait3A_331 = arith.constant 0 : i32
    %dma_wait3A_332 = arith.constant 0 : i32
    %dma_wait3A_333 = tpu.memref_slice %arg10[%dma_wait3A_331, %dma_wait3A_332] : memref<200x64xf32, #tpu.memory_space<vmem>> -> memref<100x64xf32, #tpu.memory_space<vmem>>
    %dma_wait3A_334 = arith.constant 0 : i32
    %dma_wait3A_335 = tpu.memref_slice %arg6[%dma_wait3A_329, %dma_wait3A_334] : memref<2x100xi32, #tpu.memory_space<vmem>> -> memref<1x100xi32, #tpu.memory_space<vmem>>
    %dma_wait3A_336 = tpu.memref_squeeze %dma_wait3A_335 : memref<1x100xi32, #tpu.memory_space<vmem>> -> memref<100xi32, #tpu.memory_space<vmem>>
    %dma_wait3A_337 = arith.constant 0 : i32
    %dma_wait3A_338 = arith.constant 0 : i32
    %dma_wait3A_339 = tpu.memref_slice %arg3[%dma_wait3A_337, %dma_wait3A_338] : memref<1000000x64xf32, #tpu.memory_space<hbm>> -> memref<1000000x64xf32, #tpu.memory_space<hbm>>
    %dma_wait3A_340 = tpu.memref_slice %arg13[%dma_wait3A_330] : memref<14x!tpu.dma_semaphore, #tpu.memory_space<semaphore_mem>> -> memref<1x!tpu.dma_semaphore, #tpu.memory_space<semaphore_mem>>
    %dma_wait3A_341 = tpu.memref_squeeze %dma_wait3A_340 : memref<1x!tpu.dma_semaphore, #tpu.memory_space<semaphore_mem>> -> memref<!tpu.dma_semaphore, #tpu.memory_space<semaphore_mem>>
    tpu.wait_indirect_dma semaphore(%dma_wait3A_341 : memref<!tpu.dma_semaphore, #tpu.memory_space<semaphore_mem>>) src(%dma_wait3A_339 : memref<1000000x64xf32, #tpu.memory_space<hbm>>) dst(%dma_wait3A_333 : memref<100x64xf32, #tpu.memory_space<vmem>>)
    %dma_wait3A_342 = arith.constant 1 : i32
    %dma_wait3A_343 = arith.constant 8 : i32
    %dma_wait3A_344 = arith.constant 100 : i32
    %dma_wait3A_345 = arith.constant 0 : i32
    %dma_wait3A_346 = tpu.memref_slice %arg10[%dma_wait3A_344, %dma_wait3A_345] : memref<200x64xf32, #tpu.memory_space<vmem>> -> memref<100x64xf32, #tpu.memory_space<vmem>>
    %dma_wait3A_347 = arith.constant 0 : i32
    %dma_wait3A_348 = tpu.memref_slice %arg6[%dma_wait3A_342, %dma_wait3A_347] : memref<2x100xi32, #tpu.memory_space<vmem>> -> memref<1x100xi32, #tpu.memory_space<vmem>>
    %dma_wait3A_349 = tpu.memref_squeeze %dma_wait3A_348 : memref<1x100xi32, #tpu.memory_space<vmem>> -> memref<100xi32, #tpu.memory_space<vmem>>
    %dma_wait3A_350 = arith.constant 0 : i32
    %dma_wait3A_351 = arith.constant 0 : i32
    %dma_wait3A_352 = tpu.memref_slice %arg3[%dma_wait3A_350, %dma_wait3A_351] : memref<1000000x64xf32, #tpu.memory_space<hbm>> -> memref<1000000x64xf32, #tpu.memory_space<hbm>>
    %dma_wait3A_353 = tpu.memref_slice %arg13[%dma_wait3A_343] : memref<14x!tpu.dma_semaphore, #tpu.memory_space<semaphore_mem>> -> memref<1x!tpu.dma_semaphore, #tpu.memory_space<semaphore_mem>>
    %dma_wait3A_354 = tpu.memref_squeeze %dma_wait3A_353 : memref<1x!tpu.dma_semaphore, #tpu.memory_space<semaphore_mem>> -> memref<!tpu.dma_semaphore, #tpu.memory_space<semaphore_mem>>
    tpu.wait_indirect_dma semaphore(%dma_wait3A_354 : memref<!tpu.dma_semaphore, #tpu.memory_space<semaphore_mem>>) src(%dma_wait3A_352 : memref<1000000x64xf32, #tpu.memory_space<hbm>>) dst(%dma_wait3A_346 : memref<100x64xf32, #tpu.memory_space<vmem>>)
    %add3A_355 = arith.constant 2 : i32
    %add3A_356 = arith.addi %mul3A_2, %add3A_355 : i32
    %dma_start3A_357 = arith.constant 12 : i32
    %dma_start3A_358 = arith.constant 0 : i32
    %dma_start3A_359 = arith.constant 0 : i32
    %dma_start3A_360 = tpu.memref_slice %arg5[%add3A_356, %dma_start3A_358, %dma_start3A_359] : memref<4096x200x64xf32, #tpu.memory_space<hbm>> -> memref<1x200x64xf32, #tpu.memory_space<hbm>>
    %dma_start3A_361 = tpu.memref_squeeze %dma_start3A_360 : memref<1x200x64xf32, #tpu.memory_space<hbm>> -> memref<200x64xf32, #tpu.memory_space<hbm>>
    %dma_start3A_362 = tpu.memref_slice %arg13[%dma_start3A_357] : memref<14x!tpu.dma_semaphore, #tpu.memory_space<semaphore_mem>> -> memref<1x!tpu.dma_semaphore, #tpu.memory_space<semaphore_mem>>
    %dma_start3A_363 = tpu.memref_squeeze %dma_start3A_362 : memref<1x!tpu.dma_semaphore, #tpu.memory_space<semaphore_mem>> -> memref<!tpu.dma_semaphore, #tpu.memory_space<semaphore_mem>>
    %dma_start3A_364 = arith.constant 0 : i32
    %dma_start3A_365 = arith.constant 0 : i32
    %dma_start3A_366 = tpu.memref_slice %arg5[%add3A_356, %dma_start3A_364, %dma_start3A_365] : memref<4096x200x64xf32, #tpu.memory_space<hbm>> -> memref<1x200x64xf32, #tpu.memory_space<hbm>>
    %dma_start3A_367 = tpu.memref_squeeze %dma_start3A_366 : memref<1x200x64xf32, #tpu.memory_space<hbm>> -> memref<200x64xf32, #tpu.memory_space<hbm>>
    tpu.enqueue_dma source(%arg10 : memref<200x64xf32, #tpu.memory_space<vmem>>) target(%dma_start3A_367 : memref<200x64xf32, #tpu.memory_space<hbm>>) target_semaphore(%dma_start3A_363 : memref<!tpu.dma_semaphore, #tpu.memory_space<semaphore_mem>>)
    %add3A_368 = arith.constant 4 : i32
    %add3A_369 = arith.addi %mul3A_2, %add3A_368 : i32
    %dma_start3A_370 = arith.constant 0 : i32
    %dma_start3A_371 = arith.constant 0 : i32
    %dma_start3A_372 = arith.constant 0 : i32
    %dma_start3A_373 = tpu.memref_slice %arg2[%add3A_369, %dma_start3A_371, %dma_start3A_372] : memref<4096x2x100xi32, #tpu.memory_space<hbm>> -> memref<1x2x100xi32, #tpu.memory_space<hbm>>
    %dma_start3A_374 = tpu.memref_squeeze %dma_start3A_373 : memref<1x2x100xi32, #tpu.memory_space<hbm>> -> memref<2x100xi32, #tpu.memory_space<hbm>>
    %dma_start3A_375 = tpu.memref_slice %arg13[%dma_start3A_370] : memref<14x!tpu.dma_semaphore, #tpu.memory_space<semaphore_mem>> -> memref<1x!tpu.dma_semaphore, #tpu.memory_space<semaphore_mem>>
    %dma_start3A_376 = tpu.memref_squeeze %dma_start3A_375 : memref<1x!tpu.dma_semaphore, #tpu.memory_space<semaphore_mem>> -> memref<!tpu.dma_semaphore, #tpu.memory_space<semaphore_mem>>
    %dma_start3A_377 = arith.constant 0 : i32
    %dma_start3A_378 = arith.constant 0 : i32
    %dma_start3A_379 = tpu.memref_slice %arg2[%add3A_369, %dma_start3A_377, %dma_start3A_378] : memref<4096x2x100xi32, #tpu.memory_space<hbm>> -> memref<1x2x100xi32, #tpu.memory_space<hbm>>
    %dma_start3A_380 = tpu.memref_squeeze %dma_start3A_379 : memref<1x2x100xi32, #tpu.memory_space<hbm>> -> memref<2x100xi32, #tpu.memory_space<hbm>>
    tpu.enqueue_dma source(%dma_start3A_380 : memref<2x100xi32, #tpu.memory_space<hbm>>) target(%arg6 : memref<2x100xi32, #tpu.memory_space<vmem>>) target_semaphore(%dma_start3A_376 : memref<!tpu.dma_semaphore, #tpu.memory_space<semaphore_mem>>)
    %add3A_381 = arith.constant 1 : i32
    %add3A_382 = arith.addi %mul3A_2, %add3A_381 : i32
    %dma_wait3A_383 = arith.constant 11 : i32
    %dma_wait3A_384 = arith.constant 0 : i32
    %dma_wait3A_385 = arith.constant 0 : i32
    %dma_wait3A_386 = tpu.memref_slice %arg5[%add3A_382, %dma_wait3A_384, %dma_wait3A_385] : memref<4096x200x64xf32, #tpu.memory_space<hbm>> -> memref<1x200x64xf32, #tpu.memory_space<hbm>>
    %dma_wait3A_387 = tpu.memref_squeeze %dma_wait3A_386 : memref<1x200x64xf32, #tpu.memory_space<hbm>> -> memref<200x64xf32, #tpu.memory_space<hbm>>
    %dma_wait3A_388 = tpu.memref_slice %arg13[%dma_wait3A_383] : memref<14x!tpu.dma_semaphore, #tpu.memory_space<semaphore_mem>> -> memref<1x!tpu.dma_semaphore, #tpu.memory_space<semaphore_mem>>
    %dma_wait3A_389 = tpu.memref_squeeze %dma_wait3A_388 : memref<1x!tpu.dma_semaphore, #tpu.memory_space<semaphore_mem>> -> memref<!tpu.dma_semaphore, #tpu.memory_space<semaphore_mem>>
    %dma_wait3A_390 = arith.constant 0 : i32
    %dma_wait3A_391 = arith.constant 0 : i32
    %dma_wait3A_392 = tpu.memref_slice %arg5[%add3A_382, %dma_wait3A_390, %dma_wait3A_391] : memref<4096x200x64xf32, #tpu.memory_space<hbm>> -> memref<1x200x64xf32, #tpu.memory_space<hbm>>
    %dma_wait3A_393 = tpu.memref_squeeze %dma_wait3A_392 : memref<1x200x64xf32, #tpu.memory_space<hbm>> -> memref<200x64xf32, #tpu.memory_space<hbm>>
    tpu.wait_dma2 semaphore(%dma_wait3A_389 : memref<!tpu.dma_semaphore, #tpu.memory_space<semaphore_mem>>) src(%arg9 : memref<200x64xf32, #tpu.memory_space<vmem>>) dst(%dma_wait3A_393 : memref<200x64xf32, #tpu.memory_space<hbm>>)
    %dma_start3A_394 = arith.constant 3 : i32
    %dma_start3A_395 = tpu.memref_slice %arg13[%dma_start3A_394] : memref<14x!tpu.dma_semaphore, #tpu.memory_space<semaphore_mem>> -> memref<1x!tpu.dma_semaphore, #tpu.memory_space<semaphore_mem>>
    %dma_start3A_396 = tpu.memref_squeeze %dma_start3A_395 : memref<1x!tpu.dma_semaphore, #tpu.memory_space<semaphore_mem>> -> memref<!tpu.dma_semaphore, #tpu.memory_space<semaphore_mem>>
    tpu.enqueue_dma source(%arg12 : memref<200x64xf32, #tpu.memory_space<vmem_shared>>) target(%arg9 : memref<200x64xf32, #tpu.memory_space<vmem>>) target_semaphore(%dma_start3A_396 : memref<!tpu.dma_semaphore, #tpu.memory_space<semaphore_mem>>)
    %scan3A = arith.constant 0 : i32
    %scan3A_397 = arith.constant 1 : i32
    %scan3A_398 = arith.constant 30 : i32
    %scan3A_399 = arith.addi %scan3A_397, %scan3A_398 : i32
    %scan3A_400 = arith.constant 1 : i32
    scf.for %scan3A_888 = %scan3A_397 to %scan3A_399 step %scan3A_400  : i32 {
      %mul3A_889 = arith.constant 4 : i32
      %mul3A_890 = arith.muli %scan3A_888, %mul3A_889 : i32
      %add3A_891 = arith.constant 0 : i32
      %add3A_892 = arith.addi %mul3A_890, %add3A_891 : i32
      %add3A_893 = arith.addi %mul3A_2, %add3A_892 : i32
      %dma_wait3A_894 = arith.constant 0 : i32
      %dma_wait3A_895 = arith.constant 0 : i32
      %dma_wait3A_896 = arith.constant 0 : i32
      %dma_wait3A_897 = tpu.memref_slice %arg2[%add3A_893, %dma_wait3A_895, %dma_wait3A_896] : memref<4096x2x100xi32, #tpu.memory_space<hbm>> -> memref<1x2x100xi32, #tpu.memory_space<hbm>>
      %dma_wait3A_898 = tpu.memref_squeeze %dma_wait3A_897 : memref<1x2x100xi32, #tpu.memory_space<hbm>> -> memref<2x100xi32, #tpu.memory_space<hbm>>
      %dma_wait3A_899 = tpu.memref_slice %arg13[%dma_wait3A_894] : memref<14x!tpu.dma_semaphore, #tpu.memory_space<semaphore_mem>> -> memref<1x!tpu.dma_semaphore, #tpu.memory_space<semaphore_mem>>
      %dma_wait3A_900 = tpu.memref_squeeze %dma_wait3A_899 : memref<1x!tpu.dma_semaphore, #tpu.memory_space<semaphore_mem>> -> memref<!tpu.dma_semaphore, #tpu.memory_space<semaphore_mem>>
      %dma_wait3A_901 = arith.constant 0 : i32
      %dma_wait3A_902 = arith.constant 0 : i32
      %dma_wait3A_903 = tpu.memref_slice %arg2[%add3A_893, %dma_wait3A_901, %dma_wait3A_902] : memref<4096x2x100xi32, #tpu.memory_space<hbm>> -> memref<1x2x100xi32, #tpu.memory_space<hbm>>
      %dma_wait3A_904 = tpu.memref_squeeze %dma_wait3A_903 : memref<1x2x100xi32, #tpu.memory_space<hbm>> -> memref<2x100xi32, #tpu.memory_space<hbm>>
      tpu.wait_dma2 semaphore(%dma_wait3A_900 : memref<!tpu.dma_semaphore, #tpu.memory_space<semaphore_mem>>) src(%dma_wait3A_904 : memref<2x100xi32, #tpu.memory_space<hbm>>) dst(%arg6 : memref<2x100xi32, #tpu.memory_space<vmem>>)
      %dma_wait3A_905 = arith.constant 2 : i32
      %dma_wait3A_906 = tpu.memref_slice %arg13[%dma_wait3A_905] : memref<14x!tpu.dma_semaphore, #tpu.memory_space<semaphore_mem>> -> memref<1x!tpu.dma_semaphore, #tpu.memory_space<semaphore_mem>>
      %dma_wait3A_907 = tpu.memref_squeeze %dma_wait3A_906 : memref<1x!tpu.dma_semaphore, #tpu.memory_space<semaphore_mem>> -> memref<!tpu.dma_semaphore, #tpu.memory_space<semaphore_mem>>
      tpu.wait_dma2 semaphore(%dma_wait3A_907 : memref<!tpu.dma_semaphore, #tpu.memory_space<semaphore_mem>>) src(%arg12 : memref<200x64xf32, #tpu.memory_space<vmem_shared>>) dst(%arg8 : memref<200x64xf32, #tpu.memory_space<vmem>>)
      %dma_start3A_908 = arith.constant 0 : i32
      %dma_start3A_909 = arith.constant 6 : i32
      %dma_start3A_910 = arith.constant 0 : i32
      %dma_start3A_911 = arith.constant 0 : i32
      %dma_start3A_912 = tpu.memref_slice %arg8[%dma_start3A_910, %dma_start3A_911] : memref<200x64xf32, #tpu.memory_space<vmem>> -> memref<100x64xf32, #tpu.memory_space<vmem>>
      %dma_start3A_913 = arith.constant 0 : i32
      %dma_start3A_914 = tpu.memref_slice %arg6[%dma_start3A_908, %dma_start3A_913] : memref<2x100xi32, #tpu.memory_space<vmem>> -> memref<1x100xi32, #tpu.memory_space<vmem>>
      %dma_start3A_915 = tpu.memref_squeeze %dma_start3A_914 : memref<1x100xi32, #tpu.memory_space<vmem>> -> memref<100xi32, #tpu.memory_space<vmem>>
      %dma_start3A_916 = arith.constant 0 : i32
      %dma_start3A_917 = arith.constant 0 : i32
      %dma_start3A_918 = tpu.memref_slice %arg3[%dma_start3A_916, %dma_start3A_917] : memref<1000000x64xf32, #tpu.memory_space<hbm>> -> memref<1000000x64xf32, #tpu.memory_space<hbm>>
      %dma_start3A_919 = tpu.memref_slice %arg13[%dma_start3A_909] : memref<14x!tpu.dma_semaphore, #tpu.memory_space<semaphore_mem>> -> memref<1x!tpu.dma_semaphore, #tpu.memory_space<semaphore_mem>>
      %dma_start3A_920 = tpu.memref_squeeze %dma_start3A_919 : memref<1x!tpu.dma_semaphore, #tpu.memory_space<semaphore_mem>> -> memref<!tpu.dma_semaphore, #tpu.memory_space<semaphore_mem>>
      tpu.enqueue_indirect_dma source(%dma_start3A_918 : memref<1000000x64xf32, #tpu.memory_space<hbm>>) target(%dma_start3A_912 : memref<100x64xf32, #tpu.memory_space<vmem>>) offsets(%dma_start3A_915 : memref<100xi32, #tpu.memory_space<vmem>>) semaphore(%dma_start3A_920 : memref<!tpu.dma_semaphore, #tpu.memory_space<semaphore_mem>>) {add = true}
      %dma_start3A_921 = arith.constant 1 : i32
      %dma_start3A_922 = arith.constant 6 : i32
      %dma_start3A_923 = arith.constant 100 : i32
      %dma_start3A_924 = arith.constant 0 : i32
      %dma_start3A_925 = tpu.memref_slice %arg8[%dma_start3A_923, %dma_start3A_924] : memref<200x64xf32, #tpu.memory_space<vmem>> -> memref<100x64xf32, #tpu.memory_space<vmem>>
      %dma_start3A_926 = arith.constant 0 : i32
      %dma_start3A_927 = tpu.memref_slice %arg6[%dma_start3A_921, %dma_start3A_926] : memref<2x100xi32, #tpu.memory_space<vmem>> -> memref<1x100xi32, #tpu.memory_space<vmem>>
      %dma_start3A_928 = tpu.memref_squeeze %dma_start3A_927 : memref<1x100xi32, #tpu.memory_space<vmem>> -> memref<100xi32, #tpu.memory_space<vmem>>
      %dma_start3A_929 = arith.constant 0 : i32
      %dma_start3A_930 = arith.constant 0 : i32
      %dma_start3A_931 = tpu.memref_slice %arg3[%dma_start3A_929, %dma_start3A_930] : memref<1000000x64xf32, #tpu.memory_space<hbm>> -> memref<1000000x64xf32, #tpu.memory_space<hbm>>
      %dma_start3A_932 = tpu.memref_slice %arg13[%dma_start3A_922] : memref<14x!tpu.dma_semaphore, #tpu.memory_space<semaphore_mem>> -> memref<1x!tpu.dma_semaphore, #tpu.memory_space<semaphore_mem>>
      %dma_start3A_933 = tpu.memref_squeeze %dma_start3A_932 : memref<1x!tpu.dma_semaphore, #tpu.memory_space<semaphore_mem>> -> memref<!tpu.dma_semaphore, #tpu.memory_space<semaphore_mem>>
      tpu.enqueue_indirect_dma source(%dma_start3A_931 : memref<1000000x64xf32, #tpu.memory_space<hbm>>) target(%dma_start3A_925 : memref<100x64xf32, #tpu.memory_space<vmem>>) offsets(%dma_start3A_928 : memref<100xi32, #tpu.memory_space<vmem>>) semaphore(%dma_start3A_933 : memref<!tpu.dma_semaphore, #tpu.memory_space<semaphore_mem>>) {add = true}
      %dma_wait3A_934 = arith.constant 0 : i32
      %dma_wait3A_935 = arith.constant 9 : i32
      %dma_wait3A_936 = arith.constant 0 : i32
      %dma_wait3A_937 = arith.constant 0 : i32
      %dma_wait3A_938 = tpu.memref_slice %arg11[%dma_wait3A_936, %dma_wait3A_937] : memref<200x64xf32, #tpu.memory_space<vmem>> -> memref<100x64xf32, #tpu.memory_space<vmem>>
      %dma_wait3A_939 = arith.constant 0 : i32
      %dma_wait3A_940 = tpu.memref_slice %arg7[%dma_wait3A_934, %dma_wait3A_939] : memref<2x100xi32, #tpu.memory_space<vmem>> -> memref<1x100xi32, #tpu.memory_space<vmem>>
      %dma_wait3A_941 = tpu.memref_squeeze %dma_wait3A_940 : memref<1x100xi32, #tpu.memory_space<vmem>> -> memref<100xi32, #tpu.memory_space<vmem>>
      %dma_wait3A_942 = arith.constant 0 : i32
      %dma_wait3A_943 = arith.constant 0 : i32
      %dma_wait3A_944 = tpu.memref_slice %arg3[%dma_wait3A_942, %dma_wait3A_943] : memref<1000000x64xf32, #tpu.memory_space<hbm>> -> memref<1000000x64xf32, #tpu.memory_space<hbm>>
      %dma_wait3A_945 = tpu.memref_slice %arg13[%dma_wait3A_935] : memref<14x!tpu.dma_semaphore, #tpu.memory_space<semaphore_mem>> -> memref<1x!tpu.dma_semaphore, #tpu.memory_space<semaphore_mem>>
      %dma_wait3A_946 = tpu.memref_squeeze %dma_wait3A_945 : memref<1x!tpu.dma_semaphore, #tpu.memory_space<semaphore_mem>> -> memref<!tpu.dma_semaphore, #tpu.memory_space<semaphore_mem>>
      tpu.wait_indirect_dma semaphore(%dma_wait3A_946 : memref<!tpu.dma_semaphore, #tpu.memory_space<semaphore_mem>>) src(%dma_wait3A_944 : memref<1000000x64xf32, #tpu.memory_space<hbm>>) dst(%dma_wait3A_938 : memref<100x64xf32, #tpu.memory_space<vmem>>)
      %dma_wait3A_947 = arith.constant 1 : i32
      %dma_wait3A_948 = arith.constant 9 : i32
      %dma_wait3A_949 = arith.constant 100 : i32
      %dma_wait3A_950 = arith.constant 0 : i32
      %dma_wait3A_951 = tpu.memref_slice %arg11[%dma_wait3A_949, %dma_wait3A_950] : memref<200x64xf32, #tpu.memory_space<vmem>> -> memref<100x64xf32, #tpu.memory_space<vmem>>
      %dma_wait3A_952 = arith.constant 0 : i32
      %dma_wait3A_953 = tpu.memref_slice %arg7[%dma_wait3A_947, %dma_wait3A_952] : memref<2x100xi32, #tpu.memory_space<vmem>> -> memref<1x100xi32, #tpu.memory_space<vmem>>
      %dma_wait3A_954 = tpu.memref_squeeze %dma_wait3A_953 : memref<1x100xi32, #tpu.memory_space<vmem>> -> memref<100xi32, #tpu.memory_space<vmem>>
      %dma_wait3A_955 = arith.constant 0 : i32
      %dma_wait3A_956 = arith.constant 0 : i32
      %dma_wait3A_957 = tpu.memref_slice %arg3[%dma_wait3A_955, %dma_wait3A_956] : memref<1000000x64xf32, #tpu.memory_space<hbm>> -> memref<1000000x64xf32, #tpu.memory_space<hbm>>
      %dma_wait3A_958 = tpu.memref_slice %arg13[%dma_wait3A_948] : memref<14x!tpu.dma_semaphore, #tpu.memory_space<semaphore_mem>> -> memref<1x!tpu.dma_semaphore, #tpu.memory_space<semaphore_mem>>
      %dma_wait3A_959 = tpu.memref_squeeze %dma_wait3A_958 : memref<1x!tpu.dma_semaphore, #tpu.memory_space<semaphore_mem>> -> memref<!tpu.dma_semaphore, #tpu.memory_space<semaphore_mem>>
      tpu.wait_indirect_dma semaphore(%dma_wait3A_959 : memref<!tpu.dma_semaphore, #tpu.memory_space<semaphore_mem>>) src(%dma_wait3A_957 : memref<1000000x64xf32, #tpu.memory_space<hbm>>) dst(%dma_wait3A_951 : memref<100x64xf32, #tpu.memory_space<vmem>>)
      %sub3A = arith.constant 1 : i32
      %sub3A_960 = arith.subi %add3A_892, %sub3A : i32
      %add3A_961 = arith.addi %mul3A_2, %sub3A_960 : i32
      %dma_start3A_962 = arith.constant 13 : i32
      %dma_start3A_963 = arith.constant 0 : i32
      %dma_start3A_964 = arith.constant 0 : i32
      %dma_start3A_965 = tpu.memref_slice %arg5[%add3A_961, %dma_start3A_963, %dma_start3A_964] : memref<4096x200x64xf32, #tpu.memory_space<hbm>> -> memref<1x200x64xf32, #tpu.memory_space<hbm>>
      %dma_start3A_966 = tpu.memref_squeeze %dma_start3A_965 : memref<1x200x64xf32, #tpu.memory_space<hbm>> -> memref<200x64xf32, #tpu.memory_space<hbm>>
      %dma_start3A_967 = tpu.memref_slice %arg13[%dma_start3A_962] : memref<14x!tpu.dma_semaphore, #tpu.memory_space<semaphore_mem>> -> memref<1x!tpu.dma_semaphore, #tpu.memory_space<semaphore_mem>>
      %dma_start3A_968 = tpu.memref_squeeze %dma_start3A_967 : memref<1x!tpu.dma_semaphore, #tpu.memory_space<semaphore_mem>> -> memref<!tpu.dma_semaphore, #tpu.memory_space<semaphore_mem>>
      %dma_start3A_969 = arith.constant 0 : i32
      %dma_start3A_970 = arith.constant 0 : i32
      %dma_start3A_971 = tpu.memref_slice %arg5[%add3A_961, %dma_start3A_969, %dma_start3A_970] : memref<4096x200x64xf32, #tpu.memory_space<hbm>> -> memref<1x200x64xf32, #tpu.memory_space<hbm>>
      %dma_start3A_972 = tpu.memref_squeeze %dma_start3A_971 : memref<1x200x64xf32, #tpu.memory_space<hbm>> -> memref<200x64xf32, #tpu.memory_space<hbm>>
      tpu.enqueue_dma source(%arg11 : memref<200x64xf32, #tpu.memory_space<vmem>>) target(%dma_start3A_972 : memref<200x64xf32, #tpu.memory_space<hbm>>) target_semaphore(%dma_start3A_968 : memref<!tpu.dma_semaphore, #tpu.memory_space<semaphore_mem>>)
      %add3A_973 = arith.constant 1 : i32
      %add3A_974 = arith.addi %add3A_892, %add3A_973 : i32
      %add3A_975 = arith.addi %mul3A_2, %add3A_974 : i32
      %dma_start3A_976 = arith.constant 1 : i32
      %dma_start3A_977 = arith.constant 0 : i32
      %dma_start3A_978 = arith.constant 0 : i32
      %dma_start3A_979 = tpu.memref_slice %arg2[%add3A_975, %dma_start3A_977, %dma_start3A_978] : memref<4096x2x100xi32, #tpu.memory_space<hbm>> -> memref<1x2x100xi32, #tpu.memory_space<hbm>>
      %dma_start3A_980 = tpu.memref_squeeze %dma_start3A_979 : memref<1x2x100xi32, #tpu.memory_space<hbm>> -> memref<2x100xi32, #tpu.memory_space<hbm>>
      %dma_start3A_981 = tpu.memref_slice %arg13[%dma_start3A_976] : memref<14x!tpu.dma_semaphore, #tpu.memory_space<semaphore_mem>> -> memref<1x!tpu.dma_semaphore, #tpu.memory_space<semaphore_mem>>
      %dma_start3A_982 = tpu.memref_squeeze %dma_start3A_981 : memref<1x!tpu.dma_semaphore, #tpu.memory_space<semaphore_mem>> -> memref<!tpu.dma_semaphore, #tpu.memory_space<semaphore_mem>>
      %dma_start3A_983 = arith.constant 0 : i32
      %dma_start3A_984 = arith.constant 0 : i32
      %dma_start3A_985 = tpu.memref_slice %arg2[%add3A_975, %dma_start3A_983, %dma_start3A_984] : memref<4096x2x100xi32, #tpu.memory_space<hbm>> -> memref<1x2x100xi32, #tpu.memory_space<hbm>>
      %dma_start3A_986 = tpu.memref_squeeze %dma_start3A_985 : memref<1x2x100xi32, #tpu.memory_space<hbm>> -> memref<2x100xi32, #tpu.memory_space<hbm>>
      tpu.enqueue_dma source(%dma_start3A_986 : memref<2x100xi32, #tpu.memory_space<hbm>>) target(%arg7 : memref<2x100xi32, #tpu.memory_space<vmem>>) target_semaphore(%dma_start3A_982 : memref<!tpu.dma_semaphore, #tpu.memory_space<semaphore_mem>>)
      %sub3A_987 = arith.constant 2 : i32
      %sub3A_988 = arith.subi %add3A_892, %sub3A_987 : i32
      %add3A_989 = arith.addi %mul3A_2, %sub3A_988 : i32
      %dma_wait3A_990 = arith.constant 12 : i32
      %dma_wait3A_991 = arith.constant 0 : i32
      %dma_wait3A_992 = arith.constant 0 : i32
      %dma_wait3A_993 = tpu.memref_slice %arg5[%add3A_989, %dma_wait3A_991, %dma_wait3A_992] : memref<4096x200x64xf32, #tpu.memory_space<hbm>> -> memref<1x200x64xf32, #tpu.memory_space<hbm>>
      %dma_wait3A_994 = tpu.memref_squeeze %dma_wait3A_993 : memref<1x200x64xf32, #tpu.memory_space<hbm>> -> memref<200x64xf32, #tpu.memory_space<hbm>>
      %dma_wait3A_995 = tpu.memref_slice %arg13[%dma_wait3A_990] : memref<14x!tpu.dma_semaphore, #tpu.memory_space<semaphore_mem>> -> memref<1x!tpu.dma_semaphore, #tpu.memory_space<semaphore_mem>>
      %dma_wait3A_996 = tpu.memref_squeeze %dma_wait3A_995 : memref<1x!tpu.dma_semaphore, #tpu.memory_space<semaphore_mem>> -> memref<!tpu.dma_semaphore, #tpu.memory_space<semaphore_mem>>
      %dma_wait3A_997 = arith.constant 0 : i32
      %dma_wait3A_998 = arith.constant 0 : i32
      %dma_wait3A_999 = tpu.memref_slice %arg5[%add3A_989, %dma_wait3A_997, %dma_wait3A_998] : memref<4096x200x64xf32, #tpu.memory_space<hbm>> -> memref<1x200x64xf32, #tpu.memory_space<hbm>>
      %dma_wait3A_1000 = tpu.memref_squeeze %dma_wait3A_999 : memref<1x200x64xf32, #tpu.memory_space<hbm>> -> memref<200x64xf32, #tpu.memory_space<hbm>>
      tpu.wait_dma2 semaphore(%dma_wait3A_996 : memref<!tpu.dma_semaphore, #tpu.memory_space<semaphore_mem>>) src(%arg10 : memref<200x64xf32, #tpu.memory_space<vmem>>) dst(%dma_wait3A_1000 : memref<200x64xf32, #tpu.memory_space<hbm>>)
      %add3A_1001 = arith.constant 2 : i32
      %add3A_1002 = arith.addi %add3A_892, %add3A_1001 : i32
      %dma_start3A_1003 = arith.constant 4 : i32
      %dma_start3A_1004 = tpu.memref_slice %arg13[%dma_start3A_1003] : memref<14x!tpu.dma_semaphore, #tpu.memory_space<semaphore_mem>> -> memref<1x!tpu.dma_semaphore, #tpu.memory_space<semaphore_mem>>
      %dma_start3A_1005 = tpu.memref_squeeze %dma_start3A_1004 : memref<1x!tpu.dma_semaphore, #tpu.memory_space<semaphore_mem>> -> memref<!tpu.dma_semaphore, #tpu.memory_space<semaphore_mem>>
      tpu.enqueue_dma source(%arg12 : memref<200x64xf32, #tpu.memory_space<vmem_shared>>) target(%arg10 : memref<200x64xf32, #tpu.memory_space<vmem>>) target_semaphore(%dma_start3A_1005 : memref<!tpu.dma_semaphore, #tpu.memory_space<semaphore_mem>>)
      %mul3A_1006 = arith.constant 4 : i32
      %mul3A_1007 = arith.muli %scan3A_888, %mul3A_1006 : i32
      %add3A_1008 = arith.constant 1 : i32
      %add3A_1009 = arith.addi %mul3A_1007, %add3A_1008 : i32
      %add3A_1010 = arith.addi %mul3A_2, %add3A_1009 : i32
      %dma_wait3A_1011 = arith.constant 1 : i32
      %dma_wait3A_1012 = arith.constant 0 : i32
      %dma_wait3A_1013 = arith.constant 0 : i32
      %dma_wait3A_1014 = tpu.memref_slice %arg2[%add3A_1010, %dma_wait3A_1012, %dma_wait3A_1013] : memref<4096x2x100xi32, #tpu.memory_space<hbm>> -> memref<1x2x100xi32, #tpu.memory_space<hbm>>
      %dma_wait3A_1015 = tpu.memref_squeeze %dma_wait3A_1014 : memref<1x2x100xi32, #tpu.memory_space<hbm>> -> memref<2x100xi32, #tpu.memory_space<hbm>>
      %dma_wait3A_1016 = tpu.memref_slice %arg13[%dma_wait3A_1011] : memref<14x!tpu.dma_semaphore, #tpu.memory_space<semaphore_mem>> -> memref<1x!tpu.dma_semaphore, #tpu.memory_space<semaphore_mem>>
      %dma_wait3A_1017 = tpu.memref_squeeze %dma_wait3A_1016 : memref<1x!tpu.dma_semaphore, #tpu.memory_space<semaphore_mem>> -> memref<!tpu.dma_semaphore, #tpu.memory_space<semaphore_mem>>
      %dma_wait3A_1018 = arith.constant 0 : i32
      %dma_wait3A_1019 = arith.constant 0 : i32
      %dma_wait3A_1020 = tpu.memref_slice %arg2[%add3A_1010, %dma_wait3A_1018, %dma_wait3A_1019] : memref<4096x2x100xi32, #tpu.memory_space<hbm>> -> memref<1x2x100xi32, #tpu.memory_space<hbm>>
      %dma_wait3A_1021 = tpu.memref_squeeze %dma_wait3A_1020 : memref<1x2x100xi32, #tpu.memory_space<hbm>> -> memref<2x100xi32, #tpu.memory_space<hbm>>
      tpu.wait_dma2 semaphore(%dma_wait3A_1017 : memref<!tpu.dma_semaphore, #tpu.memory_space<semaphore_mem>>) src(%dma_wait3A_1021 : memref<2x100xi32, #tpu.memory_space<hbm>>) dst(%arg7 : memref<2x100xi32, #tpu.memory_space<vmem>>)
      %dma_wait3A_1022 = arith.constant 3 : i32
      %dma_wait3A_1023 = tpu.memref_slice %arg13[%dma_wait3A_1022] : memref<14x!tpu.dma_semaphore, #tpu.memory_space<semaphore_mem>> -> memref<1x!tpu.dma_semaphore, #tpu.memory_space<semaphore_mem>>
      %dma_wait3A_1024 = tpu.memref_squeeze %dma_wait3A_1023 : memref<1x!tpu.dma_semaphore, #tpu.memory_space<semaphore_mem>> -> memref<!tpu.dma_semaphore, #tpu.memory_space<semaphore_mem>>
      tpu.wait_dma2 semaphore(%dma_wait3A_1024 : memref<!tpu.dma_semaphore, #tpu.memory_space<semaphore_mem>>) src(%arg12 : memref<200x64xf32, #tpu.memory_space<vmem_shared>>) dst(%arg9 : memref<200x64xf32, #tpu.memory_space<vmem>>)
      %dma_start3A_1025 = arith.constant 0 : i32
      %dma_start3A_1026 = arith.constant 7 : i32
      %dma_start3A_1027 = arith.constant 0 : i32
      %dma_start3A_1028 = arith.constant 0 : i32
      %dma_start3A_1029 = tpu.memref_slice %arg9[%dma_start3A_1027, %dma_start3A_1028] : memref<200x64xf32, #tpu.memory_space<vmem>> -> memref<100x64xf32, #tpu.memory_space<vmem>>
      %dma_start3A_1030 = arith.constant 0 : i32
      %dma_start3A_1031 = tpu.memref_slice %arg7[%dma_start3A_1025, %dma_start3A_1030] : memref<2x100xi32, #tpu.memory_space<vmem>> -> memref<1x100xi32, #tpu.memory_space<vmem>>
      %dma_start3A_1032 = tpu.memref_squeeze %dma_start3A_1031 : memref<1x100xi32, #tpu.memory_space<vmem>> -> memref<100xi32, #tpu.memory_space<vmem>>
      %dma_start3A_1033 = arith.constant 0 : i32
      %dma_start3A_1034 = arith.constant 0 : i32
      %dma_start3A_1035 = tpu.memref_slice %arg3[%dma_start3A_1033, %dma_start3A_1034] : memref<1000000x64xf32, #tpu.memory_space<hbm>> -> memref<1000000x64xf32, #tpu.memory_space<hbm>>
      %dma_start3A_1036 = tpu.memref_slice %arg13[%dma_start3A_1026] : memref<14x!tpu.dma_semaphore, #tpu.memory_space<semaphore_mem>> -> memref<1x!tpu.dma_semaphore, #tpu.memory_space<semaphore_mem>>
      %dma_start3A_1037 = tpu.memref_squeeze %dma_start3A_1036 : memref<1x!tpu.dma_semaphore, #tpu.memory_space<semaphore_mem>> -> memref<!tpu.dma_semaphore, #tpu.memory_space<semaphore_mem>>
      tpu.enqueue_indirect_dma source(%dma_start3A_1035 : memref<1000000x64xf32, #tpu.memory_space<hbm>>) target(%dma_start3A_1029 : memref<100x64xf32, #tpu.memory_space<vmem>>) offsets(%dma_start3A_1032 : memref<100xi32, #tpu.memory_space<vmem>>) semaphore(%dma_start3A_1037 : memref<!tpu.dma_semaphore, #tpu.memory_space<semaphore_mem>>) {add = true}
      %dma_start3A_1038 = arith.constant 1 : i32
      %dma_start3A_1039 = arith.constant 7 : i32
      %dma_start3A_1040 = arith.constant 100 : i32
      %dma_start3A_1041 = arith.constant 0 : i32
      %dma_start3A_1042 = tpu.memref_slice %arg9[%dma_start3A_1040, %dma_start3A_1041] : memref<200x64xf32, #tpu.memory_space<vmem>> -> memref<100x64xf32, #tpu.memory_space<vmem>>
      %dma_start3A_1043 = arith.constant 0 : i32
      %dma_start3A_1044 = tpu.memref_slice %arg7[%dma_start3A_1038, %dma_start3A_1043] : memref<2x100xi32, #tpu.memory_space<vmem>> -> memref<1x100xi32, #tpu.memory_space<vmem>>
      %dma_start3A_1045 = tpu.memref_squeeze %dma_start3A_1044 : memref<1x100xi32, #tpu.memory_space<vmem>> -> memref<100xi32, #tpu.memory_space<vmem>>
      %dma_start3A_1046 = arith.constant 0 : i32
      %dma_start3A_1047 = arith.constant 0 : i32
      %dma_start3A_1048 = tpu.memref_slice %arg3[%dma_start3A_1046, %dma_start3A_1047] : memref<1000000x64xf32, #tpu.memory_space<hbm>> -> memref<1000000x64xf32, #tpu.memory_space<hbm>>
      %dma_start3A_1049 = tpu.memref_slice %arg13[%dma_start3A_1039] : memref<14x!tpu.dma_semaphore, #tpu.memory_space<semaphore_mem>> -> memref<1x!tpu.dma_semaphore, #tpu.memory_space<semaphore_mem>>
      %dma_start3A_1050 = tpu.memref_squeeze %dma_start3A_1049 : memref<1x!tpu.dma_semaphore, #tpu.memory_space<semaphore_mem>> -> memref<!tpu.dma_semaphore, #tpu.memory_space<semaphore_mem>>
      tpu.enqueue_indirect_dma source(%dma_start3A_1048 : memref<1000000x64xf32, #tpu.memory_space<hbm>>) target(%dma_start3A_1042 : memref<100x64xf32, #tpu.memory_space<vmem>>) offsets(%dma_start3A_1045 : memref<100xi32, #tpu.memory_space<vmem>>) semaphore(%dma_start3A_1050 : memref<!tpu.dma_semaphore, #tpu.memory_space<semaphore_mem>>) {add = true}
      %dma_wait3A_1051 = arith.constant 0 : i32
      %dma_wait3A_1052 = arith.constant 6 : i32
      %dma_wait3A_1053 = arith.constant 0 : i32
      %dma_wait3A_1054 = arith.constant 0 : i32
      %dma_wait3A_1055 = tpu.memref_slice %arg8[%dma_wait3A_1053, %dma_wait3A_1054] : memref<200x64xf32, #tpu.memory_space<vmem>> -> memref<100x64xf32, #tpu.memory_space<vmem>>
      %dma_wait3A_1056 = arith.constant 0 : i32
      %dma_wait3A_1057 = tpu.memref_slice %arg6[%dma_wait3A_1051, %dma_wait3A_1056] : memref<2x100xi32, #tpu.memory_space<vmem>> -> memref<1x100xi32, #tpu.memory_space<vmem>>
      %dma_wait3A_1058 = tpu.memref_squeeze %dma_wait3A_1057 : memref<1x100xi32, #tpu.memory_space<vmem>> -> memref<100xi32, #tpu.memory_space<vmem>>
      %dma_wait3A_1059 = arith.constant 0 : i32
      %dma_wait3A_1060 = arith.constant 0 : i32
      %dma_wait3A_1061 = tpu.memref_slice %arg3[%dma_wait3A_1059, %dma_wait3A_1060] : memref<1000000x64xf32, #tpu.memory_space<hbm>> -> memref<1000000x64xf32, #tpu.memory_space<hbm>>
      %dma_wait3A_1062 = tpu.memref_slice %arg13[%dma_wait3A_1052] : memref<14x!tpu.dma_semaphore, #tpu.memory_space<semaphore_mem>> -> memref<1x!tpu.dma_semaphore, #tpu.memory_space<semaphore_mem>>
      %dma_wait3A_1063 = tpu.memref_squeeze %dma_wait3A_1062 : memref<1x!tpu.dma_semaphore, #tpu.memory_space<semaphore_mem>> -> memref<!tpu.dma_semaphore, #tpu.memory_space<semaphore_mem>>
      tpu.wait_indirect_dma semaphore(%dma_wait3A_1063 : memref<!tpu.dma_semaphore, #tpu.memory_space<semaphore_mem>>) src(%dma_wait3A_1061 : memref<1000000x64xf32, #tpu.memory_space<hbm>>) dst(%dma_wait3A_1055 : memref<100x64xf32, #tpu.memory_space<vmem>>)
      %dma_wait3A_1064 = arith.constant 1 : i32
      %dma_wait3A_1065 = arith.constant 6 : i32
      %dma_wait3A_1066 = arith.constant 100 : i32
      %dma_wait3A_1067 = arith.constant 0 : i32
      %dma_wait3A_1068 = tpu.memref_slice %arg8[%dma_wait3A_1066, %dma_wait3A_1067] : memref<200x64xf32, #tpu.memory_space<vmem>> -> memref<100x64xf32, #tpu.memory_space<vmem>>
      %dma_wait3A_1069 = arith.constant 0 : i32
      %dma_wait3A_1070 = tpu.memref_slice %arg6[%dma_wait3A_1064, %dma_wait3A_1069] : memref<2x100xi32, #tpu.memory_space<vmem>> -> memref<1x100xi32, #tpu.memory_space<vmem>>
      %dma_wait3A_1071 = tpu.memref_squeeze %dma_wait3A_1070 : memref<1x100xi32, #tpu.memory_space<vmem>> -> memref<100xi32, #tpu.memory_space<vmem>>
      %dma_wait3A_1072 = arith.constant 0 : i32
      %dma_wait3A_1073 = arith.constant 0 : i32
      %dma_wait3A_1074 = tpu.memref_slice %arg3[%dma_wait3A_1072, %dma_wait3A_1073] : memref<1000000x64xf32, #tpu.memory_space<hbm>> -> memref<1000000x64xf32, #tpu.memory_space<hbm>>
      %dma_wait3A_1075 = tpu.memref_slice %arg13[%dma_wait3A_1065] : memref<14x!tpu.dma_semaphore, #tpu.memory_space<semaphore_mem>> -> memref<1x!tpu.dma_semaphore, #tpu.memory_space<semaphore_mem>>
      %dma_wait3A_1076 = tpu.memref_squeeze %dma_wait3A_1075 : memref<1x!tpu.dma_semaphore, #tpu.memory_space<semaphore_mem>> -> memref<!tpu.dma_semaphore, #tpu.memory_space<semaphore_mem>>
      tpu.wait_indirect_dma semaphore(%dma_wait3A_1076 : memref<!tpu.dma_semaphore, #tpu.memory_space<semaphore_mem>>) src(%dma_wait3A_1074 : memref<1000000x64xf32, #tpu.memory_space<hbm>>) dst(%dma_wait3A_1068 : memref<100x64xf32, #tpu.memory_space<vmem>>)
      %sub3A_1077 = arith.constant 1 : i32
      %sub3A_1078 = arith.subi %add3A_1009, %sub3A_1077 : i32
      %add3A_1079 = arith.addi %mul3A_2, %sub3A_1078 : i32
      %dma_start3A_1080 = arith.constant 10 : i32
      %dma_start3A_1081 = arith.constant 0 : i32
      %dma_start3A_1082 = arith.constant 0 : i32
      %dma_start3A_1083 = tpu.memref_slice %arg5[%add3A_1079, %dma_start3A_1081, %dma_start3A_1082] : memref<4096x200x64xf32, #tpu.memory_space<hbm>> -> memref<1x200x64xf32, #tpu.memory_space<hbm>>
      %dma_start3A_1084 = tpu.memref_squeeze %dma_start3A_1083 : memref<1x200x64xf32, #tpu.memory_space<hbm>> -> memref<200x64xf32, #tpu.memory_space<hbm>>
      %dma_start3A_1085 = tpu.memref_slice %arg13[%dma_start3A_1080] : memref<14x!tpu.dma_semaphore, #tpu.memory_space<semaphore_mem>> -> memref<1x!tpu.dma_semaphore, #tpu.memory_space<semaphore_mem>>
      %dma_start3A_1086 = tpu.memref_squeeze %dma_start3A_1085 : memref<1x!tpu.dma_semaphore, #tpu.memory_space<semaphore_mem>> -> memref<!tpu.dma_semaphore, #tpu.memory_space<semaphore_mem>>
      %dma_start3A_1087 = arith.constant 0 : i32
      %dma_start3A_1088 = arith.constant 0 : i32
      %dma_start3A_1089 = tpu.memref_slice %arg5[%add3A_1079, %dma_start3A_1087, %dma_start3A_1088] : memref<4096x200x64xf32, #tpu.memory_space<hbm>> -> memref<1x200x64xf32, #tpu.memory_space<hbm>>
      %dma_start3A_1090 = tpu.memref_squeeze %dma_start3A_1089 : memref<1x200x64xf32, #tpu.memory_space<hbm>> -> memref<200x64xf32, #tpu.memory_space<hbm>>
      tpu.enqueue_dma source(%arg8 : memref<200x64xf32, #tpu.memory_space<vmem>>) target(%dma_start3A_1090 : memref<200x64xf32, #tpu.memory_space<hbm>>) target_semaphore(%dma_start3A_1086 : memref<!tpu.dma_semaphore, #tpu.memory_space<semaphore_mem>>)
      %add3A_1091 = arith.constant 1 : i32
      %add3A_1092 = arith.addi %add3A_1009, %add3A_1091 : i32
      %add3A_1093 = arith.addi %mul3A_2, %add3A_1092 : i32
      %dma_start3A_1094 = arith.constant 0 : i32
      %dma_start3A_1095 = arith.constant 0 : i32
      %dma_start3A_1096 = arith.constant 0 : i32
      %dma_start3A_1097 = tpu.memref_slice %arg2[%add3A_1093, %dma_start3A_1095, %dma_start3A_1096] : memref<4096x2x100xi32, #tpu.memory_space<hbm>> -> memref<1x2x100xi32, #tpu.memory_space<hbm>>
      %dma_start3A_1098 = tpu.memref_squeeze %dma_start3A_1097 : memref<1x2x100xi32, #tpu.memory_space<hbm>> -> memref<2x100xi32, #tpu.memory_space<hbm>>
      %dma_start3A_1099 = tpu.memref_slice %arg13[%dma_start3A_1094] : memref<14x!tpu.dma_semaphore, #tpu.memory_space<semaphore_mem>> -> memref<1x!tpu.dma_semaphore, #tpu.memory_space<semaphore_mem>>
      %dma_start3A_1100 = tpu.memref_squeeze %dma_start3A_1099 : memref<1x!tpu.dma_semaphore, #tpu.memory_space<semaphore_mem>> -> memref<!tpu.dma_semaphore, #tpu.memory_space<semaphore_mem>>
      %dma_start3A_1101 = arith.constant 0 : i32
      %dma_start3A_1102 = arith.constant 0 : i32
      %dma_start3A_1103 = tpu.memref_slice %arg2[%add3A_1093, %dma_start3A_1101, %dma_start3A_1102] : memref<4096x2x100xi32, #tpu.memory_space<hbm>> -> memref<1x2x100xi32, #tpu.memory_space<hbm>>
      %dma_start3A_1104 = tpu.memref_squeeze %dma_start3A_1103 : memref<1x2x100xi32, #tpu.memory_space<hbm>> -> memref<2x100xi32, #tpu.memory_space<hbm>>
      tpu.enqueue_dma source(%dma_start3A_1104 : memref<2x100xi32, #tpu.memory_space<hbm>>) target(%arg6 : memref<2x100xi32, #tpu.memory_space<vmem>>) target_semaphore(%dma_start3A_1100 : memref<!tpu.dma_semaphore, #tpu.memory_space<semaphore_mem>>)
      %sub3A_1105 = arith.constant 2 : i32
      %sub3A_1106 = arith.subi %add3A_1009, %sub3A_1105 : i32
      %add3A_1107 = arith.addi %mul3A_2, %sub3A_1106 : i32
      %dma_wait3A_1108 = arith.constant 13 : i32
      %dma_wait3A_1109 = arith.constant 0 : i32
      %dma_wait3A_1110 = arith.constant 0 : i32
      %dma_wait3A_1111 = tpu.memref_slice %arg5[%add3A_1107, %dma_wait3A_1109, %dma_wait3A_1110] : memref<4096x200x64xf32, #tpu.memory_space<hbm>> -> memref<1x200x64xf32, #tpu.memory_space<hbm>>
      %dma_wait3A_1112 = tpu.memref_squeeze %dma_wait3A_1111 : memref<1x200x64xf32, #tpu.memory_space<hbm>> -> memref<200x64xf32, #tpu.memory_space<hbm>>
      %dma_wait3A_1113 = tpu.memref_slice %arg13[%dma_wait3A_1108] : memref<14x!tpu.dma_semaphore, #tpu.memory_space<semaphore_mem>> -> memref<1x!tpu.dma_semaphore, #tpu.memory_space<semaphore_mem>>
      %dma_wait3A_1114 = tpu.memref_squeeze %dma_wait3A_1113 : memref<1x!tpu.dma_semaphore, #tpu.memory_space<semaphore_mem>> -> memref<!tpu.dma_semaphore, #tpu.memory_space<semaphore_mem>>
      %dma_wait3A_1115 = arith.constant 0 : i32
      %dma_wait3A_1116 = arith.constant 0 : i32
      %dma_wait3A_1117 = tpu.memref_slice %arg5[%add3A_1107, %dma_wait3A_1115, %dma_wait3A_1116] : memref<4096x200x64xf32, #tpu.memory_space<hbm>> -> memref<1x200x64xf32, #tpu.memory_space<hbm>>
      %dma_wait3A_1118 = tpu.memref_squeeze %dma_wait3A_1117 : memref<1x200x64xf32, #tpu.memory_space<hbm>> -> memref<200x64xf32, #tpu.memory_space<hbm>>
      tpu.wait_dma2 semaphore(%dma_wait3A_1114 : memref<!tpu.dma_semaphore, #tpu.memory_space<semaphore_mem>>) src(%arg11 : memref<200x64xf32, #tpu.memory_space<vmem>>) dst(%dma_wait3A_1118 : memref<200x64xf32, #tpu.memory_space<hbm>>)
      %add3A_1119 = arith.constant 2 : i32
      %add3A_1120 = arith.addi %add3A_1009, %add3A_1119 : i32
      %dma_start3A_1121 = arith.constant 5 : i32
      %dma_start3A_1122 = tpu.memref_slice %arg13[%dma_start3A_1121] : memref<14x!tpu.dma_semaphore, #tpu.memory_space<semaphore_mem>> -> memref<1x!tpu.dma_semaphore, #tpu.memory_space<semaphore_mem>>
      %dma_start3A_1123 = tpu.memref_squeeze %dma_start3A_1122 : memref<1x!tpu.dma_semaphore, #tpu.memory_space<semaphore_mem>> -> memref<!tpu.dma_semaphore, #tpu.memory_space<semaphore_mem>>
      tpu.enqueue_dma source(%arg12 : memref<200x64xf32, #tpu.memory_space<vmem_shared>>) target(%arg11 : memref<200x64xf32, #tpu.memory_space<vmem>>) target_semaphore(%dma_start3A_1123 : memref<!tpu.dma_semaphore, #tpu.memory_space<semaphore_mem>>)
      %mul3A_1124 = arith.constant 4 : i32
      %mul3A_1125 = arith.muli %scan3A_888, %mul3A_1124 : i32
      %add3A_1126 = arith.constant 2 : i32
      %add3A_1127 = arith.addi %mul3A_1125, %add3A_1126 : i32
      %add3A_1128 = arith.addi %mul3A_2, %add3A_1127 : i32
      %dma_wait3A_1129 = arith.constant 0 : i32
      %dma_wait3A_1130 = arith.constant 0 : i32
      %dma_wait3A_1131 = arith.constant 0 : i32
      %dma_wait3A_1132 = tpu.memref_slice %arg2[%add3A_1128, %dma_wait3A_1130, %dma_wait3A_1131] : memref<4096x2x100xi32, #tpu.memory_space<hbm>> -> memref<1x2x100xi32, #tpu.memory_space<hbm>>
      %dma_wait3A_1133 = tpu.memref_squeeze %dma_wait3A_1132 : memref<1x2x100xi32, #tpu.memory_space<hbm>> -> memref<2x100xi32, #tpu.memory_space<hbm>>
      %dma_wait3A_1134 = tpu.memref_slice %arg13[%dma_wait3A_1129] : memref<14x!tpu.dma_semaphore, #tpu.memory_space<semaphore_mem>> -> memref<1x!tpu.dma_semaphore, #tpu.memory_space<semaphore_mem>>
      %dma_wait3A_1135 = tpu.memref_squeeze %dma_wait3A_1134 : memref<1x!tpu.dma_semaphore, #tpu.memory_space<semaphore_mem>> -> memref<!tpu.dma_semaphore, #tpu.memory_space<semaphore_mem>>
      %dma_wait3A_1136 = arith.constant 0 : i32
      %dma_wait3A_1137 = arith.constant 0 : i32
      %dma_wait3A_1138 = tpu.memref_slice %arg2[%add3A_1128, %dma_wait3A_1136, %dma_wait3A_1137] : memref<4096x2x100xi32, #tpu.memory_space<hbm>> -> memref<1x2x100xi32, #tpu.memory_space<hbm>>
      %dma_wait3A_1139 = tpu.memref_squeeze %dma_wait3A_1138 : memref<1x2x100xi32, #tpu.memory_space<hbm>> -> memref<2x100xi32, #tpu.memory_space<hbm>>
      tpu.wait_dma2 semaphore(%dma_wait3A_1135 : memref<!tpu.dma_semaphore, #tpu.memory_space<semaphore_mem>>) src(%dma_wait3A_1139 : memref<2x100xi32, #tpu.memory_space<hbm>>) dst(%arg6 : memref<2x100xi32, #tpu.memory_space<vmem>>)
      %dma_wait3A_1140 = arith.constant 4 : i32
      %dma_wait3A_1141 = tpu.memref_slice %arg13[%dma_wait3A_1140] : memref<14x!tpu.dma_semaphore, #tpu.memory_space<semaphore_mem>> -> memref<1x!tpu.dma_semaphore, #tpu.memory_space<semaphore_mem>>
      %dma_wait3A_1142 = tpu.memref_squeeze %dma_wait3A_1141 : memref<1x!tpu.dma_semaphore, #tpu.memory_space<semaphore_mem>> -> memref<!tpu.dma_semaphore, #tpu.memory_space<semaphore_mem>>
      tpu.wait_dma2 semaphore(%dma_wait3A_1142 : memref<!tpu.dma_semaphore, #tpu.memory_space<semaphore_mem>>) src(%arg12 : memref<200x64xf32, #tpu.memory_space<vmem_shared>>) dst(%arg10 : memref<200x64xf32, #tpu.memory_space<vmem>>)
      %dma_start3A_1143 = arith.constant 0 : i32
      %dma_start3A_1144 = arith.constant 8 : i32
      %dma_start3A_1145 = arith.constant 0 : i32
      %dma_start3A_1146 = arith.constant 0 : i32
      %dma_start3A_1147 = tpu.memref_slice %arg10[%dma_start3A_1145, %dma_start3A_1146] : memref<200x64xf32, #tpu.memory_space<vmem>> -> memref<100x64xf32, #tpu.memory_space<vmem>>
      %dma_start3A_1148 = arith.constant 0 : i32
      %dma_start3A_1149 = tpu.memref_slice %arg6[%dma_start3A_1143, %dma_start3A_1148] : memref<2x100xi32, #tpu.memory_space<vmem>> -> memref<1x100xi32, #tpu.memory_space<vmem>>
      %dma_start3A_1150 = tpu.memref_squeeze %dma_start3A_1149 : memref<1x100xi32, #tpu.memory_space<vmem>> -> memref<100xi32, #tpu.memory_space<vmem>>
      %dma_start3A_1151 = arith.constant 0 : i32
      %dma_start3A_1152 = arith.constant 0 : i32
      %dma_start3A_1153 = tpu.memref_slice %arg3[%dma_start3A_1151, %dma_start3A_1152] : memref<1000000x64xf32, #tpu.memory_space<hbm>> -> memref<1000000x64xf32, #tpu.memory_space<hbm>>
      %dma_start3A_1154 = tpu.memref_slice %arg13[%dma_start3A_1144] : memref<14x!tpu.dma_semaphore, #tpu.memory_space<semaphore_mem>> -> memref<1x!tpu.dma_semaphore, #tpu.memory_space<semaphore_mem>>
      %dma_start3A_1155 = tpu.memref_squeeze %dma_start3A_1154 : memref<1x!tpu.dma_semaphore, #tpu.memory_space<semaphore_mem>> -> memref<!tpu.dma_semaphore, #tpu.memory_space<semaphore_mem>>
      tpu.enqueue_indirect_dma source(%dma_start3A_1153 : memref<1000000x64xf32, #tpu.memory_space<hbm>>) target(%dma_start3A_1147 : memref<100x64xf32, #tpu.memory_space<vmem>>) offsets(%dma_start3A_1150 : memref<100xi32, #tpu.memory_space<vmem>>) semaphore(%dma_start3A_1155 : memref<!tpu.dma_semaphore, #tpu.memory_space<semaphore_mem>>) {add = true}
      %dma_start3A_1156 = arith.constant 1 : i32
      %dma_start3A_1157 = arith.constant 8 : i32
      %dma_start3A_1158 = arith.constant 100 : i32
      %dma_start3A_1159 = arith.constant 0 : i32
      %dma_start3A_1160 = tpu.memref_slice %arg10[%dma_start3A_1158, %dma_start3A_1159] : memref<200x64xf32, #tpu.memory_space<vmem>> -> memref<100x64xf32, #tpu.memory_space<vmem>>
      %dma_start3A_1161 = arith.constant 0 : i32
      %dma_start3A_1162 = tpu.memref_slice %arg6[%dma_start3A_1156, %dma_start3A_1161] : memref<2x100xi32, #tpu.memory_space<vmem>> -> memref<1x100xi32, #tpu.memory_space<vmem>>
      %dma_start3A_1163 = tpu.memref_squeeze %dma_start3A_1162 : memref<1x100xi32, #tpu.memory_space<vmem>> -> memref<100xi32, #tpu.memory_space<vmem>>
      %dma_start3A_1164 = arith.constant 0 : i32
      %dma_start3A_1165 = arith.constant 0 : i32
      %dma_start3A_1166 = tpu.memref_slice %arg3[%dma_start3A_1164, %dma_start3A_1165] : memref<1000000x64xf32, #tpu.memory_space<hbm>> -> memref<1000000x64xf32, #tpu.memory_space<hbm>>
      %dma_start3A_1167 = tpu.memref_slice %arg13[%dma_start3A_1157] : memref<14x!tpu.dma_semaphore, #tpu.memory_space<semaphore_mem>> -> memref<1x!tpu.dma_semaphore, #tpu.memory_space<semaphore_mem>>
      %dma_start3A_1168 = tpu.memref_squeeze %dma_start3A_1167 : memref<1x!tpu.dma_semaphore, #tpu.memory_space<semaphore_mem>> -> memref<!tpu.dma_semaphore, #tpu.memory_space<semaphore_mem>>
      tpu.enqueue_indirect_dma source(%dma_start3A_1166 : memref<1000000x64xf32, #tpu.memory_space<hbm>>) target(%dma_start3A_1160 : memref<100x64xf32, #tpu.memory_space<vmem>>) offsets(%dma_start3A_1163 : memref<100xi32, #tpu.memory_space<vmem>>) semaphore(%dma_start3A_1168 : memref<!tpu.dma_semaphore, #tpu.memory_space<semaphore_mem>>) {add = true}
      %dma_wait3A_1169 = arith.constant 0 : i32
      %dma_wait3A_1170 = arith.constant 7 : i32
      %dma_wait3A_1171 = arith.constant 0 : i32
      %dma_wait3A_1172 = arith.constant 0 : i32
      %dma_wait3A_1173 = tpu.memref_slice %arg9[%dma_wait3A_1171, %dma_wait3A_1172] : memref<200x64xf32, #tpu.memory_space<vmem>> -> memref<100x64xf32, #tpu.memory_space<vmem>>
      %dma_wait3A_1174 = arith.constant 0 : i32
      %dma_wait3A_1175 = tpu.memref_slice %arg7[%dma_wait3A_1169, %dma_wait3A_1174] : memref<2x100xi32, #tpu.memory_space<vmem>> -> memref<1x100xi32, #tpu.memory_space<vmem>>
      %dma_wait3A_1176 = tpu.memref_squeeze %dma_wait3A_1175 : memref<1x100xi32, #tpu.memory_space<vmem>> -> memref<100xi32, #tpu.memory_space<vmem>>
      %dma_wait3A_1177 = arith.constant 0 : i32
      %dma_wait3A_1178 = arith.constant 0 : i32
      %dma_wait3A_1179 = tpu.memref_slice %arg3[%dma_wait3A_1177, %dma_wait3A_1178] : memref<1000000x64xf32, #tpu.memory_space<hbm>> -> memref<1000000x64xf32, #tpu.memory_space<hbm>>
      %dma_wait3A_1180 = tpu.memref_slice %arg13[%dma_wait3A_1170] : memref<14x!tpu.dma_semaphore, #tpu.memory_space<semaphore_mem>> -> memref<1x!tpu.dma_semaphore, #tpu.memory_space<semaphore_mem>>
      %dma_wait3A_1181 = tpu.memref_squeeze %dma_wait3A_1180 : memref<1x!tpu.dma_semaphore, #tpu.memory_space<semaphore_mem>> -> memref<!tpu.dma_semaphore, #tpu.memory_space<semaphore_mem>>
      tpu.wait_indirect_dma semaphore(%dma_wait3A_1181 : memref<!tpu.dma_semaphore, #tpu.memory_space<semaphore_mem>>) src(%dma_wait3A_1179 : memref<1000000x64xf32, #tpu.memory_space<hbm>>) dst(%dma_wait3A_1173 : memref<100x64xf32, #tpu.memory_space<vmem>>)
      %dma_wait3A_1182 = arith.constant 1 : i32
      %dma_wait3A_1183 = arith.constant 7 : i32
      %dma_wait3A_1184 = arith.constant 100 : i32
      %dma_wait3A_1185 = arith.constant 0 : i32
      %dma_wait3A_1186 = tpu.memref_slice %arg9[%dma_wait3A_1184, %dma_wait3A_1185] : memref<200x64xf32, #tpu.memory_space<vmem>> -> memref<100x64xf32, #tpu.memory_space<vmem>>
      %dma_wait3A_1187 = arith.constant 0 : i32
      %dma_wait3A_1188 = tpu.memref_slice %arg7[%dma_wait3A_1182, %dma_wait3A_1187] : memref<2x100xi32, #tpu.memory_space<vmem>> -> memref<1x100xi32, #tpu.memory_space<vmem>>
      %dma_wait3A_1189 = tpu.memref_squeeze %dma_wait3A_1188 : memref<1x100xi32, #tpu.memory_space<vmem>> -> memref<100xi32, #tpu.memory_space<vmem>>
      %dma_wait3A_1190 = arith.constant 0 : i32
      %dma_wait3A_1191 = arith.constant 0 : i32
      %dma_wait3A_1192 = tpu.memref_slice %arg3[%dma_wait3A_1190, %dma_wait3A_1191] : memref<1000000x64xf32, #tpu.memory_space<hbm>> -> memref<1000000x64xf32, #tpu.memory_space<hbm>>
      %dma_wait3A_1193 = tpu.memref_slice %arg13[%dma_wait3A_1183] : memref<14x!tpu.dma_semaphore, #tpu.memory_space<semaphore_mem>> -> memref<1x!tpu.dma_semaphore, #tpu.memory_space<semaphore_mem>>
      %dma_wait3A_1194 = tpu.memref_squeeze %dma_wait3A_1193 : memref<1x!tpu.dma_semaphore, #tpu.memory_space<semaphore_mem>> -> memref<!tpu.dma_semaphore, #tpu.memory_space<semaphore_mem>>
      tpu.wait_indirect_dma semaphore(%dma_wait3A_1194 : memref<!tpu.dma_semaphore, #tpu.memory_space<semaphore_mem>>) src(%dma_wait3A_1192 : memref<1000000x64xf32, #tpu.memory_space<hbm>>) dst(%dma_wait3A_1186 : memref<100x64xf32, #tpu.memory_space<vmem>>)
      %sub3A_1195 = arith.constant 1 : i32
      %sub3A_1196 = arith.subi %add3A_1127, %sub3A_1195 : i32
      %add3A_1197 = arith.addi %mul3A_2, %sub3A_1196 : i32
      %dma_start3A_1198 = arith.constant 11 : i32
      %dma_start3A_1199 = arith.constant 0 : i32
      %dma_start3A_1200 = arith.constant 0 : i32
      %dma_start3A_1201 = tpu.memref_slice %arg5[%add3A_1197, %dma_start3A_1199, %dma_start3A_1200] : memref<4096x200x64xf32, #tpu.memory_space<hbm>> -> memref<1x200x64xf32, #tpu.memory_space<hbm>>
      %dma_start3A_1202 = tpu.memref_squeeze %dma_start3A_1201 : memref<1x200x64xf32, #tpu.memory_space<hbm>> -> memref<200x64xf32, #tpu.memory_space<hbm>>
      %dma_start3A_1203 = tpu.memref_slice %arg13[%dma_start3A_1198] : memref<14x!tpu.dma_semaphore, #tpu.memory_space<semaphore_mem>> -> memref<1x!tpu.dma_semaphore, #tpu.memory_space<semaphore_mem>>
      %dma_start3A_1204 = tpu.memref_squeeze %dma_start3A_1203 : memref<1x!tpu.dma_semaphore, #tpu.memory_space<semaphore_mem>> -> memref<!tpu.dma_semaphore, #tpu.memory_space<semaphore_mem>>
      %dma_start3A_1205 = arith.constant 0 : i32
      %dma_start3A_1206 = arith.constant 0 : i32
      %dma_start3A_1207 = tpu.memref_slice %arg5[%add3A_1197, %dma_start3A_1205, %dma_start3A_1206] : memref<4096x200x64xf32, #tpu.memory_space<hbm>> -> memref<1x200x64xf32, #tpu.memory_space<hbm>>
      %dma_start3A_1208 = tpu.memref_squeeze %dma_start3A_1207 : memref<1x200x64xf32, #tpu.memory_space<hbm>> -> memref<200x64xf32, #tpu.memory_space<hbm>>
      tpu.enqueue_dma source(%arg9 : memref<200x64xf32, #tpu.memory_space<vmem>>) target(%dma_start3A_1208 : memref<200x64xf32, #tpu.memory_space<hbm>>) target_semaphore(%dma_start3A_1204 : memref<!tpu.dma_semaphore, #tpu.memory_space<semaphore_mem>>)
      %add3A_1209 = arith.constant 1 : i32
      %add3A_1210 = arith.addi %add3A_1127, %add3A_1209 : i32
      %add3A_1211 = arith.addi %mul3A_2, %add3A_1210 : i32
      %dma_start3A_1212 = arith.constant 1 : i32
      %dma_start3A_1213 = arith.constant 0 : i32
      %dma_start3A_1214 = arith.constant 0 : i32
      %dma_start3A_1215 = tpu.memref_slice %arg2[%add3A_1211, %dma_start3A_1213, %dma_start3A_1214] : memref<4096x2x100xi32, #tpu.memory_space<hbm>> -> memref<1x2x100xi32, #tpu.memory_space<hbm>>
      %dma_start3A_1216 = tpu.memref_squeeze %dma_start3A_1215 : memref<1x2x100xi32, #tpu.memory_space<hbm>> -> memref<2x100xi32, #tpu.memory_space<hbm>>
      %dma_start3A_1217 = tpu.memref_slice %arg13[%dma_start3A_1212] : memref<14x!tpu.dma_semaphore, #tpu.memory_space<semaphore_mem>> -> memref<1x!tpu.dma_semaphore, #tpu.memory_space<semaphore_mem>>
      %dma_start3A_1218 = tpu.memref_squeeze %dma_start3A_1217 : memref<1x!tpu.dma_semaphore, #tpu.memory_space<semaphore_mem>> -> memref<!tpu.dma_semaphore, #tpu.memory_space<semaphore_mem>>
      %dma_start3A_1219 = arith.constant 0 : i32
      %dma_start3A_1220 = arith.constant 0 : i32
      %dma_start3A_1221 = tpu.memref_slice %arg2[%add3A_1211, %dma_start3A_1219, %dma_start3A_1220] : memref<4096x2x100xi32, #tpu.memory_space<hbm>> -> memref<1x2x100xi32, #tpu.memory_space<hbm>>
      %dma_start3A_1222 = tpu.memref_squeeze %dma_start3A_1221 : memref<1x2x100xi32, #tpu.memory_space<hbm>> -> memref<2x100xi32, #tpu.memory_space<hbm>>
      tpu.enqueue_dma source(%dma_start3A_1222 : memref<2x100xi32, #tpu.memory_space<hbm>>) target(%arg7 : memref<2x100xi32, #tpu.memory_space<vmem>>) target_semaphore(%dma_start3A_1218 : memref<!tpu.dma_semaphore, #tpu.memory_space<semaphore_mem>>)
      %sub3A_1223 = arith.constant 2 : i32
      %sub3A_1224 = arith.subi %add3A_1127, %sub3A_1223 : i32
      %add3A_1225 = arith.addi %mul3A_2, %sub3A_1224 : i32
      %dma_wait3A_1226 = arith.constant 10 : i32
      %dma_wait3A_1227 = arith.constant 0 : i32
      %dma_wait3A_1228 = arith.constant 0 : i32
      %dma_wait3A_1229 = tpu.memref_slice %arg5[%add3A_1225, %dma_wait3A_1227, %dma_wait3A_1228] : memref<4096x200x64xf32, #tpu.memory_space<hbm>> -> memref<1x200x64xf32, #tpu.memory_space<hbm>>
      %dma_wait3A_1230 = tpu.memref_squeeze %dma_wait3A_1229 : memref<1x200x64xf32, #tpu.memory_space<hbm>> -> memref<200x64xf32, #tpu.memory_space<hbm>>
      %dma_wait3A_1231 = tpu.memref_slice %arg13[%dma_wait3A_1226] : memref<14x!tpu.dma_semaphore, #tpu.memory_space<semaphore_mem>> -> memref<1x!tpu.dma_semaphore, #tpu.memory_space<semaphore_mem>>
      %dma_wait3A_1232 = tpu.memref_squeeze %dma_wait3A_1231 : memref<1x!tpu.dma_semaphore, #tpu.memory_space<semaphore_mem>> -> memref<!tpu.dma_semaphore, #tpu.memory_space<semaphore_mem>>
      %dma_wait3A_1233 = arith.constant 0 : i32
      %dma_wait3A_1234 = arith.constant 0 : i32
      %dma_wait3A_1235 = tpu.memref_slice %arg5[%add3A_1225, %dma_wait3A_1233, %dma_wait3A_1234] : memref<4096x200x64xf32, #tpu.memory_space<hbm>> -> memref<1x200x64xf32, #tpu.memory_space<hbm>>
      %dma_wait3A_1236 = tpu.memref_squeeze %dma_wait3A_1235 : memref<1x200x64xf32, #tpu.memory_space<hbm>> -> memref<200x64xf32, #tpu.memory_space<hbm>>
      tpu.wait_dma2 semaphore(%dma_wait3A_1232 : memref<!tpu.dma_semaphore, #tpu.memory_space<semaphore_mem>>) src(%arg8 : memref<200x64xf32, #tpu.memory_space<vmem>>) dst(%dma_wait3A_1236 : memref<200x64xf32, #tpu.memory_space<hbm>>)
      %add3A_1237 = arith.constant 2 : i32
      %add3A_1238 = arith.addi %add3A_1127, %add3A_1237 : i32
      %dma_start3A_1239 = arith.constant 2 : i32
      %dma_start3A_1240 = tpu.memref_slice %arg13[%dma_start3A_1239] : memref<14x!tpu.dma_semaphore, #tpu.memory_space<semaphore_mem>> -> memref<1x!tpu.dma_semaphore, #tpu.memory_space<semaphore_mem>>
      %dma_start3A_1241 = tpu.memref_squeeze %dma_start3A_1240 : memref<1x!tpu.dma_semaphore, #tpu.memory_space<semaphore_mem>> -> memref<!tpu.dma_semaphore, #tpu.memory_space<semaphore_mem>>
      tpu.enqueue_dma source(%arg12 : memref<200x64xf32, #tpu.memory_space<vmem_shared>>) target(%arg8 : memref<200x64xf32, #tpu.memory_space<vmem>>) target_semaphore(%dma_start3A_1241 : memref<!tpu.dma_semaphore, #tpu.memory_space<semaphore_mem>>)
      %mul3A_1242 = arith.constant 4 : i32
      %mul3A_1243 = arith.muli %scan3A_888, %mul3A_1242 : i32
      %add3A_1244 = arith.constant 3 : i32
      %add3A_1245 = arith.addi %mul3A_1243, %add3A_1244 : i32
      %add3A_1246 = arith.addi %mul3A_2, %add3A_1245 : i32
      %dma_wait3A_1247 = arith.constant 1 : i32
      %dma_wait3A_1248 = arith.constant 0 : i32
      %dma_wait3A_1249 = arith.constant 0 : i32
      %dma_wait3A_1250 = tpu.memref_slice %arg2[%add3A_1246, %dma_wait3A_1248, %dma_wait3A_1249] : memref<4096x2x100xi32, #tpu.memory_space<hbm>> -> memref<1x2x100xi32, #tpu.memory_space<hbm>>
      %dma_wait3A_1251 = tpu.memref_squeeze %dma_wait3A_1250 : memref<1x2x100xi32, #tpu.memory_space<hbm>> -> memref<2x100xi32, #tpu.memory_space<hbm>>
      %dma_wait3A_1252 = tpu.memref_slice %arg13[%dma_wait3A_1247] : memref<14x!tpu.dma_semaphore, #tpu.memory_space<semaphore_mem>> -> memref<1x!tpu.dma_semaphore, #tpu.memory_space<semaphore_mem>>
      %dma_wait3A_1253 = tpu.memref_squeeze %dma_wait3A_1252 : memref<1x!tpu.dma_semaphore, #tpu.memory_space<semaphore_mem>> -> memref<!tpu.dma_semaphore, #tpu.memory_space<semaphore_mem>>
      %dma_wait3A_1254 = arith.constant 0 : i32
      %dma_wait3A_1255 = arith.constant 0 : i32
      %dma_wait3A_1256 = tpu.memref_slice %arg2[%add3A_1246, %dma_wait3A_1254, %dma_wait3A_1255] : memref<4096x2x100xi32, #tpu.memory_space<hbm>> -> memref<1x2x100xi32, #tpu.memory_space<hbm>>
      %dma_wait3A_1257 = tpu.memref_squeeze %dma_wait3A_1256 : memref<1x2x100xi32, #tpu.memory_space<hbm>> -> memref<2x100xi32, #tpu.memory_space<hbm>>
      tpu.wait_dma2 semaphore(%dma_wait3A_1253 : memref<!tpu.dma_semaphore, #tpu.memory_space<semaphore_mem>>) src(%dma_wait3A_1257 : memref<2x100xi32, #tpu.memory_space<hbm>>) dst(%arg7 : memref<2x100xi32, #tpu.memory_space<vmem>>)
      %dma_wait3A_1258 = arith.constant 5 : i32
      %dma_wait3A_1259 = tpu.memref_slice %arg13[%dma_wait3A_1258] : memref<14x!tpu.dma_semaphore, #tpu.memory_space<semaphore_mem>> -> memref<1x!tpu.dma_semaphore, #tpu.memory_space<semaphore_mem>>
      %dma_wait3A_1260 = tpu.memref_squeeze %dma_wait3A_1259 : memref<1x!tpu.dma_semaphore, #tpu.memory_space<semaphore_mem>> -> memref<!tpu.dma_semaphore, #tpu.memory_space<semaphore_mem>>
      tpu.wait_dma2 semaphore(%dma_wait3A_1260 : memref<!tpu.dma_semaphore, #tpu.memory_space<semaphore_mem>>) src(%arg12 : memref<200x64xf32, #tpu.memory_space<vmem_shared>>) dst(%arg11 : memref<200x64xf32, #tpu.memory_space<vmem>>)
      %dma_start3A_1261 = arith.constant 0 : i32
      %dma_start3A_1262 = arith.constant 9 : i32
      %dma_start3A_1263 = arith.constant 0 : i32
      %dma_start3A_1264 = arith.constant 0 : i32
      %dma_start3A_1265 = tpu.memref_slice %arg11[%dma_start3A_1263, %dma_start3A_1264] : memref<200x64xf32, #tpu.memory_space<vmem>> -> memref<100x64xf32, #tpu.memory_space<vmem>>
      %dma_start3A_1266 = arith.constant 0 : i32
      %dma_start3A_1267 = tpu.memref_slice %arg7[%dma_start3A_1261, %dma_start3A_1266] : memref<2x100xi32, #tpu.memory_space<vmem>> -> memref<1x100xi32, #tpu.memory_space<vmem>>
      %dma_start3A_1268 = tpu.memref_squeeze %dma_start3A_1267 : memref<1x100xi32, #tpu.memory_space<vmem>> -> memref<100xi32, #tpu.memory_space<vmem>>
      %dma_start3A_1269 = arith.constant 0 : i32
      %dma_start3A_1270 = arith.constant 0 : i32
      %dma_start3A_1271 = tpu.memref_slice %arg3[%dma_start3A_1269, %dma_start3A_1270] : memref<1000000x64xf32, #tpu.memory_space<hbm>> -> memref<1000000x64xf32, #tpu.memory_space<hbm>>
      %dma_start3A_1272 = tpu.memref_slice %arg13[%dma_start3A_1262] : memref<14x!tpu.dma_semaphore, #tpu.memory_space<semaphore_mem>> -> memref<1x!tpu.dma_semaphore, #tpu.memory_space<semaphore_mem>>
      %dma_start3A_1273 = tpu.memref_squeeze %dma_start3A_1272 : memref<1x!tpu.dma_semaphore, #tpu.memory_space<semaphore_mem>> -> memref<!tpu.dma_semaphore, #tpu.memory_space<semaphore_mem>>
      tpu.enqueue_indirect_dma source(%dma_start3A_1271 : memref<1000000x64xf32, #tpu.memory_space<hbm>>) target(%dma_start3A_1265 : memref<100x64xf32, #tpu.memory_space<vmem>>) offsets(%dma_start3A_1268 : memref<100xi32, #tpu.memory_space<vmem>>) semaphore(%dma_start3A_1273 : memref<!tpu.dma_semaphore, #tpu.memory_space<semaphore_mem>>) {add = true}
      %dma_start3A_1274 = arith.constant 1 : i32
      %dma_start3A_1275 = arith.constant 9 : i32
      %dma_start3A_1276 = arith.constant 100 : i32
      %dma_start3A_1277 = arith.constant 0 : i32
      %dma_start3A_1278 = tpu.memref_slice %arg11[%dma_start3A_1276, %dma_start3A_1277] : memref<200x64xf32, #tpu.memory_space<vmem>> -> memref<100x64xf32, #tpu.memory_space<vmem>>
      %dma_start3A_1279 = arith.constant 0 : i32
      %dma_start3A_1280 = tpu.memref_slice %arg7[%dma_start3A_1274, %dma_start3A_1279] : memref<2x100xi32, #tpu.memory_space<vmem>> -> memref<1x100xi32, #tpu.memory_space<vmem>>
      %dma_start3A_1281 = tpu.memref_squeeze %dma_start3A_1280 : memref<1x100xi32, #tpu.memory_space<vmem>> -> memref<100xi32, #tpu.memory_space<vmem>>
      %dma_start3A_1282 = arith.constant 0 : i32
      %dma_start3A_1283 = arith.constant 0 : i32
      %dma_start3A_1284 = tpu.memref_slice %arg3[%dma_start3A_1282, %dma_start3A_1283] : memref<1000000x64xf32, #tpu.memory_space<hbm>> -> memref<1000000x64xf32, #tpu.memory_space<hbm>>
      %dma_start3A_1285 = tpu.memref_slice %arg13[%dma_start3A_1275] : memref<14x!tpu.dma_semaphore, #tpu.memory_space<semaphore_mem>> -> memref<1x!tpu.dma_semaphore, #tpu.memory_space<semaphore_mem>>
      %dma_start3A_1286 = tpu.memref_squeeze %dma_start3A_1285 : memref<1x!tpu.dma_semaphore, #tpu.memory_space<semaphore_mem>> -> memref<!tpu.dma_semaphore, #tpu.memory_space<semaphore_mem>>
      tpu.enqueue_indirect_dma source(%dma_start3A_1284 : memref<1000000x64xf32, #tpu.memory_space<hbm>>) target(%dma_start3A_1278 : memref<100x64xf32, #tpu.memory_space<vmem>>) offsets(%dma_start3A_1281 : memref<100xi32, #tpu.memory_space<vmem>>) semaphore(%dma_start3A_1286 : memref<!tpu.dma_semaphore, #tpu.memory_space<semaphore_mem>>) {add = true}
      %dma_wait3A_1287 = arith.constant 0 : i32
      %dma_wait3A_1288 = arith.constant 8 : i32
      %dma_wait3A_1289 = arith.constant 0 : i32
      %dma_wait3A_1290 = arith.constant 0 : i32
      %dma_wait3A_1291 = tpu.memref_slice %arg10[%dma_wait3A_1289, %dma_wait3A_1290] : memref<200x64xf32, #tpu.memory_space<vmem>> -> memref<100x64xf32, #tpu.memory_space<vmem>>
      %dma_wait3A_1292 = arith.constant 0 : i32
      %dma_wait3A_1293 = tpu.memref_slice %arg6[%dma_wait3A_1287, %dma_wait3A_1292] : memref<2x100xi32, #tpu.memory_space<vmem>> -> memref<1x100xi32, #tpu.memory_space<vmem>>
      %dma_wait3A_1294 = tpu.memref_squeeze %dma_wait3A_1293 : memref<1x100xi32, #tpu.memory_space<vmem>> -> memref<100xi32, #tpu.memory_space<vmem>>
      %dma_wait3A_1295 = arith.constant 0 : i32
      %dma_wait3A_1296 = arith.constant 0 : i32
      %dma_wait3A_1297 = tpu.memref_slice %arg3[%dma_wait3A_1295, %dma_wait3A_1296] : memref<1000000x64xf32, #tpu.memory_space<hbm>> -> memref<1000000x64xf32, #tpu.memory_space<hbm>>
      %dma_wait3A_1298 = tpu.memref_slice %arg13[%dma_wait3A_1288] : memref<14x!tpu.dma_semaphore, #tpu.memory_space<semaphore_mem>> -> memref<1x!tpu.dma_semaphore, #tpu.memory_space<semaphore_mem>>
      %dma_wait3A_1299 = tpu.memref_squeeze %dma_wait3A_1298 : memref<1x!tpu.dma_semaphore, #tpu.memory_space<semaphore_mem>> -> memref<!tpu.dma_semaphore, #tpu.memory_space<semaphore_mem>>
      tpu.wait_indirect_dma semaphore(%dma_wait3A_1299 : memref<!tpu.dma_semaphore, #tpu.memory_space<semaphore_mem>>) src(%dma_wait3A_1297 : memref<1000000x64xf32, #tpu.memory_space<hbm>>) dst(%dma_wait3A_1291 : memref<100x64xf32, #tpu.memory_space<vmem>>)
      %dma_wait3A_1300 = arith.constant 1 : i32
      %dma_wait3A_1301 = arith.constant 8 : i32
      %dma_wait3A_1302 = arith.constant 100 : i32
      %dma_wait3A_1303 = arith.constant 0 : i32
      %dma_wait3A_1304 = tpu.memref_slice %arg10[%dma_wait3A_1302, %dma_wait3A_1303] : memref<200x64xf32, #tpu.memory_space<vmem>> -> memref<100x64xf32, #tpu.memory_space<vmem>>
      %dma_wait3A_1305 = arith.constant 0 : i32
      %dma_wait3A_1306 = tpu.memref_slice %arg6[%dma_wait3A_1300, %dma_wait3A_1305] : memref<2x100xi32, #tpu.memory_space<vmem>> -> memref<1x100xi32, #tpu.memory_space<vmem>>
      %dma_wait3A_1307 = tpu.memref_squeeze %dma_wait3A_1306 : memref<1x100xi32, #tpu.memory_space<vmem>> -> memref<100xi32, #tpu.memory_space<vmem>>
      %dma_wait3A_1308 = arith.constant 0 : i32
      %dma_wait3A_1309 = arith.constant 0 : i32
      %dma_wait3A_1310 = tpu.memref_slice %arg3[%dma_wait3A_1308, %dma_wait3A_1309] : memref<1000000x64xf32, #tpu.memory_space<hbm>> -> memref<1000000x64xf32, #tpu.memory_space<hbm>>
      %dma_wait3A_1311 = tpu.memref_slice %arg13[%dma_wait3A_1301] : memref<14x!tpu.dma_semaphore, #tpu.memory_space<semaphore_mem>> -> memref<1x!tpu.dma_semaphore, #tpu.memory_space<semaphore_mem>>
      %dma_wait3A_1312 = tpu.memref_squeeze %dma_wait3A_1311 : memref<1x!tpu.dma_semaphore, #tpu.memory_space<semaphore_mem>> -> memref<!tpu.dma_semaphore, #tpu.memory_space<semaphore_mem>>
      tpu.wait_indirect_dma semaphore(%dma_wait3A_1312 : memref<!tpu.dma_semaphore, #tpu.memory_space<semaphore_mem>>) src(%dma_wait3A_1310 : memref<1000000x64xf32, #tpu.memory_space<hbm>>) dst(%dma_wait3A_1304 : memref<100x64xf32, #tpu.memory_space<vmem>>)
      %sub3A_1313 = arith.constant 1 : i32
      %sub3A_1314 = arith.subi %add3A_1245, %sub3A_1313 : i32
      %add3A_1315 = arith.addi %mul3A_2, %sub3A_1314 : i32
      %dma_start3A_1316 = arith.constant 12 : i32
      %dma_start3A_1317 = arith.constant 0 : i32
      %dma_start3A_1318 = arith.constant 0 : i32
      %dma_start3A_1319 = tpu.memref_slice %arg5[%add3A_1315, %dma_start3A_1317, %dma_start3A_1318] : memref<4096x200x64xf32, #tpu.memory_space<hbm>> -> memref<1x200x64xf32, #tpu.memory_space<hbm>>
      %dma_start3A_1320 = tpu.memref_squeeze %dma_start3A_1319 : memref<1x200x64xf32, #tpu.memory_space<hbm>> -> memref<200x64xf32, #tpu.memory_space<hbm>>
      %dma_start3A_1321 = tpu.memref_slice %arg13[%dma_start3A_1316] : memref<14x!tpu.dma_semaphore, #tpu.memory_space<semaphore_mem>> -> memref<1x!tpu.dma_semaphore, #tpu.memory_space<semaphore_mem>>
      %dma_start3A_1322 = tpu.memref_squeeze %dma_start3A_1321 : memref<1x!tpu.dma_semaphore, #tpu.memory_space<semaphore_mem>> -> memref<!tpu.dma_semaphore, #tpu.memory_space<semaphore_mem>>
      %dma_start3A_1323 = arith.constant 0 : i32
      %dma_start3A_1324 = arith.constant 0 : i32
      %dma_start3A_1325 = tpu.memref_slice %arg5[%add3A_1315, %dma_start3A_1323, %dma_start3A_1324] : memref<4096x200x64xf32, #tpu.memory_space<hbm>> -> memref<1x200x64xf32, #tpu.memory_space<hbm>>
      %dma_start3A_1326 = tpu.memref_squeeze %dma_start3A_1325 : memref<1x200x64xf32, #tpu.memory_space<hbm>> -> memref<200x64xf32, #tpu.memory_space<hbm>>
      tpu.enqueue_dma source(%arg10 : memref<200x64xf32, #tpu.memory_space<vmem>>) target(%dma_start3A_1326 : memref<200x64xf32, #tpu.memory_space<hbm>>) target_semaphore(%dma_start3A_1322 : memref<!tpu.dma_semaphore, #tpu.memory_space<semaphore_mem>>)
      %add3A_1327 = arith.constant 1 : i32
      %add3A_1328 = arith.addi %add3A_1245, %add3A_1327 : i32
      %add3A_1329 = arith.addi %mul3A_2, %add3A_1328 : i32
      %dma_start3A_1330 = arith.constant 0 : i32
      %dma_start3A_1331 = arith.constant 0 : i32
      %dma_start3A_1332 = arith.constant 0 : i32
      %dma_start3A_1333 = tpu.memref_slice %arg2[%add3A_1329, %dma_start3A_1331, %dma_start3A_1332] : memref<4096x2x100xi32, #tpu.memory_space<hbm>> -> memref<1x2x100xi32, #tpu.memory_space<hbm>>
      %dma_start3A_1334 = tpu.memref_squeeze %dma_start3A_1333 : memref<1x2x100xi32, #tpu.memory_space<hbm>> -> memref<2x100xi32, #tpu.memory_space<hbm>>
      %dma_start3A_1335 = tpu.memref_slice %arg13[%dma_start3A_1330] : memref<14x!tpu.dma_semaphore, #tpu.memory_space<semaphore_mem>> -> memref<1x!tpu.dma_semaphore, #tpu.memory_space<semaphore_mem>>
      %dma_start3A_1336 = tpu.memref_squeeze %dma_start3A_1335 : memref<1x!tpu.dma_semaphore, #tpu.memory_space<semaphore_mem>> -> memref<!tpu.dma_semaphore, #tpu.memory_space<semaphore_mem>>
      %dma_start3A_1337 = arith.constant 0 : i32
      %dma_start3A_1338 = arith.constant 0 : i32
      %dma_start3A_1339 = tpu.memref_slice %arg2[%add3A_1329, %dma_start3A_1337, %dma_start3A_1338] : memref<4096x2x100xi32, #tpu.memory_space<hbm>> -> memref<1x2x100xi32, #tpu.memory_space<hbm>>
      %dma_start3A_1340 = tpu.memref_squeeze %dma_start3A_1339 : memref<1x2x100xi32, #tpu.memory_space<hbm>> -> memref<2x100xi32, #tpu.memory_space<hbm>>
      tpu.enqueue_dma source(%dma_start3A_1340 : memref<2x100xi32, #tpu.memory_space<hbm>>) target(%arg6 : memref<2x100xi32, #tpu.memory_space<vmem>>) target_semaphore(%dma_start3A_1336 : memref<!tpu.dma_semaphore, #tpu.memory_space<semaphore_mem>>)
      %sub3A_1341 = arith.constant 2 : i32
      %sub3A_1342 = arith.subi %add3A_1245, %sub3A_1341 : i32
      %add3A_1343 = arith.addi %mul3A_2, %sub3A_1342 : i32
      %dma_wait3A_1344 = arith.constant 11 : i32
      %dma_wait3A_1345 = arith.constant 0 : i32
      %dma_wait3A_1346 = arith.constant 0 : i32
      %dma_wait3A_1347 = tpu.memref_slice %arg5[%add3A_1343, %dma_wait3A_1345, %dma_wait3A_1346] : memref<4096x200x64xf32, #tpu.memory_space<hbm>> -> memref<1x200x64xf32, #tpu.memory_space<hbm>>
      %dma_wait3A_1348 = tpu.memref_squeeze %dma_wait3A_1347 : memref<1x200x64xf32, #tpu.memory_space<hbm>> -> memref<200x64xf32, #tpu.memory_space<hbm>>
      %dma_wait3A_1349 = tpu.memref_slice %arg13[%dma_wait3A_1344] : memref<14x!tpu.dma_semaphore, #tpu.memory_space<semaphore_mem>> -> memref<1x!tpu.dma_semaphore, #tpu.memory_space<semaphore_mem>>
      %dma_wait3A_1350 = tpu.memref_squeeze %dma_wait3A_1349 : memref<1x!tpu.dma_semaphore, #tpu.memory_space<semaphore_mem>> -> memref<!tpu.dma_semaphore, #tpu.memory_space<semaphore_mem>>
      %dma_wait3A_1351 = arith.constant 0 : i32
      %dma_wait3A_1352 = arith.constant 0 : i32
      %dma_wait3A_1353 = tpu.memref_slice %arg5[%add3A_1343, %dma_wait3A_1351, %dma_wait3A_1352] : memref<4096x200x64xf32, #tpu.memory_space<hbm>> -> memref<1x200x64xf32, #tpu.memory_space<hbm>>
      %dma_wait3A_1354 = tpu.memref_squeeze %dma_wait3A_1353 : memref<1x200x64xf32, #tpu.memory_space<hbm>> -> memref<200x64xf32, #tpu.memory_space<hbm>>
      tpu.wait_dma2 semaphore(%dma_wait3A_1350 : memref<!tpu.dma_semaphore, #tpu.memory_space<semaphore_mem>>) src(%arg9 : memref<200x64xf32, #tpu.memory_space<vmem>>) dst(%dma_wait3A_1354 : memref<200x64xf32, #tpu.memory_space<hbm>>)
      %add3A_1355 = arith.constant 2 : i32
      %add3A_1356 = arith.addi %add3A_1245, %add3A_1355 : i32
      %dma_start3A_1357 = arith.constant 3 : i32
      %dma_start3A_1358 = tpu.memref_slice %arg13[%dma_start3A_1357] : memref<14x!tpu.dma_semaphore, #tpu.memory_space<semaphore_mem>> -> memref<1x!tpu.dma_semaphore, #tpu.memory_space<semaphore_mem>>
      %dma_start3A_1359 = tpu.memref_squeeze %dma_start3A_1358 : memref<1x!tpu.dma_semaphore, #tpu.memory_space<semaphore_mem>> -> memref<!tpu.dma_semaphore, #tpu.memory_space<semaphore_mem>>
      tpu.enqueue_dma source(%arg12 : memref<200x64xf32, #tpu.memory_space<vmem_shared>>) target(%arg9 : memref<200x64xf32, #tpu.memory_space<vmem>>) target_semaphore(%dma_start3A_1359 : memref<!tpu.dma_semaphore, #tpu.memory_space<semaphore_mem>>)
    }
    %scan3A_401 = arith.constant 30 : i32
    %add3A_402 = arith.constant 124 : i32
    %add3A_403 = arith.addi %mul3A_2, %add3A_402 : i32
    %dma_wait3A_404 = arith.constant 0 : i32
    %dma_wait3A_405 = arith.constant 0 : i32
    %dma_wait3A_406 = arith.constant 0 : i32
    %dma_wait3A_407 = tpu.memref_slice %arg2[%add3A_403, %dma_wait3A_405, %dma_wait3A_406] : memref<4096x2x100xi32, #tpu.memory_space<hbm>> -> memref<1x2x100xi32, #tpu.memory_space<hbm>>
    %dma_wait3A_408 = tpu.memref_squeeze %dma_wait3A_407 : memref<1x2x100xi32, #tpu.memory_space<hbm>> -> memref<2x100xi32, #tpu.memory_space<hbm>>
    %dma_wait3A_409 = tpu.memref_slice %arg13[%dma_wait3A_404] : memref<14x!tpu.dma_semaphore, #tpu.memory_space<semaphore_mem>> -> memref<1x!tpu.dma_semaphore, #tpu.memory_space<semaphore_mem>>
    %dma_wait3A_410 = tpu.memref_squeeze %dma_wait3A_409 : memref<1x!tpu.dma_semaphore, #tpu.memory_space<semaphore_mem>> -> memref<!tpu.dma_semaphore, #tpu.memory_space<semaphore_mem>>
    %dma_wait3A_411 = arith.constant 0 : i32
    %dma_wait3A_412 = arith.constant 0 : i32
    %dma_wait3A_413 = tpu.memref_slice %arg2[%add3A_403, %dma_wait3A_411, %dma_wait3A_412] : memref<4096x2x100xi32, #tpu.memory_space<hbm>> -> memref<1x2x100xi32, #tpu.memory_space<hbm>>
    %dma_wait3A_414 = tpu.memref_squeeze %dma_wait3A_413 : memref<1x2x100xi32, #tpu.memory_space<hbm>> -> memref<2x100xi32, #tpu.memory_space<hbm>>
    tpu.wait_dma2 semaphore(%dma_wait3A_410 : memref<!tpu.dma_semaphore, #tpu.memory_space<semaphore_mem>>) src(%dma_wait3A_414 : memref<2x100xi32, #tpu.memory_space<hbm>>) dst(%arg6 : memref<2x100xi32, #tpu.memory_space<vmem>>)
    %dma_wait3A_415 = arith.constant 2 : i32
    %dma_wait3A_416 = tpu.memref_slice %arg13[%dma_wait3A_415] : memref<14x!tpu.dma_semaphore, #tpu.memory_space<semaphore_mem>> -> memref<1x!tpu.dma_semaphore, #tpu.memory_space<semaphore_mem>>
    %dma_wait3A_417 = tpu.memref_squeeze %dma_wait3A_416 : memref<1x!tpu.dma_semaphore, #tpu.memory_space<semaphore_mem>> -> memref<!tpu.dma_semaphore, #tpu.memory_space<semaphore_mem>>
    tpu.wait_dma2 semaphore(%dma_wait3A_417 : memref<!tpu.dma_semaphore, #tpu.memory_space<semaphore_mem>>) src(%arg12 : memref<200x64xf32, #tpu.memory_space<vmem_shared>>) dst(%arg8 : memref<200x64xf32, #tpu.memory_space<vmem>>)
    %dma_start3A_418 = arith.constant 0 : i32
    %dma_start3A_419 = arith.constant 6 : i32
    %dma_start3A_420 = arith.constant 0 : i32
    %dma_start3A_421 = arith.constant 0 : i32
    %dma_start3A_422 = tpu.memref_slice %arg8[%dma_start3A_420, %dma_start3A_421] : memref<200x64xf32, #tpu.memory_space<vmem>> -> memref<100x64xf32, #tpu.memory_space<vmem>>
    %dma_start3A_423 = arith.constant 0 : i32
    %dma_start3A_424 = tpu.memref_slice %arg6[%dma_start3A_418, %dma_start3A_423] : memref<2x100xi32, #tpu.memory_space<vmem>> -> memref<1x100xi32, #tpu.memory_space<vmem>>
    %dma_start3A_425 = tpu.memref_squeeze %dma_start3A_424 : memref<1x100xi32, #tpu.memory_space<vmem>> -> memref<100xi32, #tpu.memory_space<vmem>>
    %dma_start3A_426 = arith.constant 0 : i32
    %dma_start3A_427 = arith.constant 0 : i32
    %dma_start3A_428 = tpu.memref_slice %arg3[%dma_start3A_426, %dma_start3A_427] : memref<1000000x64xf32, #tpu.memory_space<hbm>> -> memref<1000000x64xf32, #tpu.memory_space<hbm>>
    %dma_start3A_429 = tpu.memref_slice %arg13[%dma_start3A_419] : memref<14x!tpu.dma_semaphore, #tpu.memory_space<semaphore_mem>> -> memref<1x!tpu.dma_semaphore, #tpu.memory_space<semaphore_mem>>
    %dma_start3A_430 = tpu.memref_squeeze %dma_start3A_429 : memref<1x!tpu.dma_semaphore, #tpu.memory_space<semaphore_mem>> -> memref<!tpu.dma_semaphore, #tpu.memory_space<semaphore_mem>>
    tpu.enqueue_indirect_dma source(%dma_start3A_428 : memref<1000000x64xf32, #tpu.memory_space<hbm>>) target(%dma_start3A_422 : memref<100x64xf32, #tpu.memory_space<vmem>>) offsets(%dma_start3A_425 : memref<100xi32, #tpu.memory_space<vmem>>) semaphore(%dma_start3A_430 : memref<!tpu.dma_semaphore, #tpu.memory_space<semaphore_mem>>) {add = true}
    %dma_start3A_431 = arith.constant 1 : i32
    %dma_start3A_432 = arith.constant 6 : i32
    %dma_start3A_433 = arith.constant 100 : i32
    %dma_start3A_434 = arith.constant 0 : i32
    %dma_start3A_435 = tpu.memref_slice %arg8[%dma_start3A_433, %dma_start3A_434] : memref<200x64xf32, #tpu.memory_space<vmem>> -> memref<100x64xf32, #tpu.memory_space<vmem>>
    %dma_start3A_436 = arith.constant 0 : i32
    %dma_start3A_437 = tpu.memref_slice %arg6[%dma_start3A_431, %dma_start3A_436] : memref<2x100xi32, #tpu.memory_space<vmem>> -> memref<1x100xi32, #tpu.memory_space<vmem>>
    %dma_start3A_438 = tpu.memref_squeeze %dma_start3A_437 : memref<1x100xi32, #tpu.memory_space<vmem>> -> memref<100xi32, #tpu.memory_space<vmem>>
    %dma_start3A_439 = arith.constant 0 : i32
    %dma_start3A_440 = arith.constant 0 : i32
    %dma_start3A_441 = tpu.memref_slice %arg3[%dma_start3A_439, %dma_start3A_440] : memref<1000000x64xf32, #tpu.memory_space<hbm>> -> memref<1000000x64xf32, #tpu.memory_space<hbm>>
    %dma_start3A_442 = tpu.memref_slice %arg13[%dma_start3A_432] : memref<14x!tpu.dma_semaphore, #tpu.memory_space<semaphore_mem>> -> memref<1x!tpu.dma_semaphore, #tpu.memory_space<semaphore_mem>>
    %dma_start3A_443 = tpu.memref_squeeze %dma_start3A_442 : memref<1x!tpu.dma_semaphore, #tpu.memory_space<semaphore_mem>> -> memref<!tpu.dma_semaphore, #tpu.memory_space<semaphore_mem>>
    tpu.enqueue_indirect_dma source(%dma_start3A_441 : memref<1000000x64xf32, #tpu.memory_space<hbm>>) target(%dma_start3A_435 : memref<100x64xf32, #tpu.memory_space<vmem>>) offsets(%dma_start3A_438 : memref<100xi32, #tpu.memory_space<vmem>>) semaphore(%dma_start3A_443 : memref<!tpu.dma_semaphore, #tpu.memory_space<semaphore_mem>>) {add = true}
    %dma_wait3A_444 = arith.constant 0 : i32
    %dma_wait3A_445 = arith.constant 9 : i32
    %dma_wait3A_446 = arith.constant 0 : i32
    %dma_wait3A_447 = arith.constant 0 : i32
    %dma_wait3A_448 = tpu.memref_slice %arg11[%dma_wait3A_446, %dma_wait3A_447] : memref<200x64xf32, #tpu.memory_space<vmem>> -> memref<100x64xf32, #tpu.memory_space<vmem>>
    %dma_wait3A_449 = arith.constant 0 : i32
    %dma_wait3A_450 = tpu.memref_slice %arg7[%dma_wait3A_444, %dma_wait3A_449] : memref<2x100xi32, #tpu.memory_space<vmem>> -> memref<1x100xi32, #tpu.memory_space<vmem>>
    %dma_wait3A_451 = tpu.memref_squeeze %dma_wait3A_450 : memref<1x100xi32, #tpu.memory_space<vmem>> -> memref<100xi32, #tpu.memory_space<vmem>>
    %dma_wait3A_452 = arith.constant 0 : i32
    %dma_wait3A_453 = arith.constant 0 : i32
    %dma_wait3A_454 = tpu.memref_slice %arg3[%dma_wait3A_452, %dma_wait3A_453] : memref<1000000x64xf32, #tpu.memory_space<hbm>> -> memref<1000000x64xf32, #tpu.memory_space<hbm>>
    %dma_wait3A_455 = tpu.memref_slice %arg13[%dma_wait3A_445] : memref<14x!tpu.dma_semaphore, #tpu.memory_space<semaphore_mem>> -> memref<1x!tpu.dma_semaphore, #tpu.memory_space<semaphore_mem>>
    %dma_wait3A_456 = tpu.memref_squeeze %dma_wait3A_455 : memref<1x!tpu.dma_semaphore, #tpu.memory_space<semaphore_mem>> -> memref<!tpu.dma_semaphore, #tpu.memory_space<semaphore_mem>>
    tpu.wait_indirect_dma semaphore(%dma_wait3A_456 : memref<!tpu.dma_semaphore, #tpu.memory_space<semaphore_mem>>) src(%dma_wait3A_454 : memref<1000000x64xf32, #tpu.memory_space<hbm>>) dst(%dma_wait3A_448 : memref<100x64xf32, #tpu.memory_space<vmem>>)
    %dma_wait3A_457 = arith.constant 1 : i32
    %dma_wait3A_458 = arith.constant 9 : i32
    %dma_wait3A_459 = arith.constant 100 : i32
    %dma_wait3A_460 = arith.constant 0 : i32
    %dma_wait3A_461 = tpu.memref_slice %arg11[%dma_wait3A_459, %dma_wait3A_460] : memref<200x64xf32, #tpu.memory_space<vmem>> -> memref<100x64xf32, #tpu.memory_space<vmem>>
    %dma_wait3A_462 = arith.constant 0 : i32
    %dma_wait3A_463 = tpu.memref_slice %arg7[%dma_wait3A_457, %dma_wait3A_462] : memref<2x100xi32, #tpu.memory_space<vmem>> -> memref<1x100xi32, #tpu.memory_space<vmem>>
    %dma_wait3A_464 = tpu.memref_squeeze %dma_wait3A_463 : memref<1x100xi32, #tpu.memory_space<vmem>> -> memref<100xi32, #tpu.memory_space<vmem>>
    %dma_wait3A_465 = arith.constant 0 : i32
    %dma_wait3A_466 = arith.constant 0 : i32
    %dma_wait3A_467 = tpu.memref_slice %arg3[%dma_wait3A_465, %dma_wait3A_466] : memref<1000000x64xf32, #tpu.memory_space<hbm>> -> memref<1000000x64xf32, #tpu.memory_space<hbm>>
    %dma_wait3A_468 = tpu.memref_slice %arg13[%dma_wait3A_458] : memref<14x!tpu.dma_semaphore, #tpu.memory_space<semaphore_mem>> -> memref<1x!tpu.dma_semaphore, #tpu.memory_space<semaphore_mem>>
    %dma_wait3A_469 = tpu.memref_squeeze %dma_wait3A_468 : memref<1x!tpu.dma_semaphore, #tpu.memory_space<semaphore_mem>> -> memref<!tpu.dma_semaphore, #tpu.memory_space<semaphore_mem>>
    tpu.wait_indirect_dma semaphore(%dma_wait3A_469 : memref<!tpu.dma_semaphore, #tpu.memory_space<semaphore_mem>>) src(%dma_wait3A_467 : memref<1000000x64xf32, #tpu.memory_space<hbm>>) dst(%dma_wait3A_461 : memref<100x64xf32, #tpu.memory_space<vmem>>)
    %add3A_470 = arith.constant 123 : i32
    %add3A_471 = arith.addi %mul3A_2, %add3A_470 : i32
    %dma_start3A_472 = arith.constant 13 : i32
    %dma_start3A_473 = arith.constant 0 : i32
    %dma_start3A_474 = arith.constant 0 : i32
    %dma_start3A_475 = tpu.memref_slice %arg5[%add3A_471, %dma_start3A_473, %dma_start3A_474] : memref<4096x200x64xf32, #tpu.memory_space<hbm>> -> memref<1x200x64xf32, #tpu.memory_space<hbm>>
    %dma_start3A_476 = tpu.memref_squeeze %dma_start3A_475 : memref<1x200x64xf32, #tpu.memory_space<hbm>> -> memref<200x64xf32, #tpu.memory_space<hbm>>
    %dma_start3A_477 = tpu.memref_slice %arg13[%dma_start3A_472] : memref<14x!tpu.dma_semaphore, #tpu.memory_space<semaphore_mem>> -> memref<1x!tpu.dma_semaphore, #tpu.memory_space<semaphore_mem>>
    %dma_start3A_478 = tpu.memref_squeeze %dma_start3A_477 : memref<1x!tpu.dma_semaphore, #tpu.memory_space<semaphore_mem>> -> memref<!tpu.dma_semaphore, #tpu.memory_space<semaphore_mem>>
    %dma_start3A_479 = arith.constant 0 : i32
    %dma_start3A_480 = arith.constant 0 : i32
    %dma_start3A_481 = tpu.memref_slice %arg5[%add3A_471, %dma_start3A_479, %dma_start3A_480] : memref<4096x200x64xf32, #tpu.memory_space<hbm>> -> memref<1x200x64xf32, #tpu.memory_space<hbm>>
    %dma_start3A_482 = tpu.memref_squeeze %dma_start3A_481 : memref<1x200x64xf32, #tpu.memory_space<hbm>> -> memref<200x64xf32, #tpu.memory_space<hbm>>
    tpu.enqueue_dma source(%arg11 : memref<200x64xf32, #tpu.memory_space<vmem>>) target(%dma_start3A_482 : memref<200x64xf32, #tpu.memory_space<hbm>>) target_semaphore(%dma_start3A_478 : memref<!tpu.dma_semaphore, #tpu.memory_space<semaphore_mem>>)
    %add3A_483 = arith.constant 125 : i32
    %add3A_484 = arith.addi %mul3A_2, %add3A_483 : i32
    %dma_start3A_485 = arith.constant 1 : i32
    %dma_start3A_486 = arith.constant 0 : i32
    %dma_start3A_487 = arith.constant 0 : i32
    %dma_start3A_488 = tpu.memref_slice %arg2[%add3A_484, %dma_start3A_486, %dma_start3A_487] : memref<4096x2x100xi32, #tpu.memory_space<hbm>> -> memref<1x2x100xi32, #tpu.memory_space<hbm>>
    %dma_start3A_489 = tpu.memref_squeeze %dma_start3A_488 : memref<1x2x100xi32, #tpu.memory_space<hbm>> -> memref<2x100xi32, #tpu.memory_space<hbm>>
    %dma_start3A_490 = tpu.memref_slice %arg13[%dma_start3A_485] : memref<14x!tpu.dma_semaphore, #tpu.memory_space<semaphore_mem>> -> memref<1x!tpu.dma_semaphore, #tpu.memory_space<semaphore_mem>>
    %dma_start3A_491 = tpu.memref_squeeze %dma_start3A_490 : memref<1x!tpu.dma_semaphore, #tpu.memory_space<semaphore_mem>> -> memref<!tpu.dma_semaphore, #tpu.memory_space<semaphore_mem>>
    %dma_start3A_492 = arith.constant 0 : i32
    %dma_start3A_493 = arith.constant 0 : i32
    %dma_start3A_494 = tpu.memref_slice %arg2[%add3A_484, %dma_start3A_492, %dma_start3A_493] : memref<4096x2x100xi32, #tpu.memory_space<hbm>> -> memref<1x2x100xi32, #tpu.memory_space<hbm>>
    %dma_start3A_495 = tpu.memref_squeeze %dma_start3A_494 : memref<1x2x100xi32, #tpu.memory_space<hbm>> -> memref<2x100xi32, #tpu.memory_space<hbm>>
    tpu.enqueue_dma source(%dma_start3A_495 : memref<2x100xi32, #tpu.memory_space<hbm>>) target(%arg7 : memref<2x100xi32, #tpu.memory_space<vmem>>) target_semaphore(%dma_start3A_491 : memref<!tpu.dma_semaphore, #tpu.memory_space<semaphore_mem>>)
    %add3A_496 = arith.constant 122 : i32
    %add3A_497 = arith.addi %mul3A_2, %add3A_496 : i32
    %dma_wait3A_498 = arith.constant 12 : i32
    %dma_wait3A_499 = arith.constant 0 : i32
    %dma_wait3A_500 = arith.constant 0 : i32
    %dma_wait3A_501 = tpu.memref_slice %arg5[%add3A_497, %dma_wait3A_499, %dma_wait3A_500] : memref<4096x200x64xf32, #tpu.memory_space<hbm>> -> memref<1x200x64xf32, #tpu.memory_space<hbm>>
    %dma_wait3A_502 = tpu.memref_squeeze %dma_wait3A_501 : memref<1x200x64xf32, #tpu.memory_space<hbm>> -> memref<200x64xf32, #tpu.memory_space<hbm>>
    %dma_wait3A_503 = tpu.memref_slice %arg13[%dma_wait3A_498] : memref<14x!tpu.dma_semaphore, #tpu.memory_space<semaphore_mem>> -> memref<1x!tpu.dma_semaphore, #tpu.memory_space<semaphore_mem>>
    %dma_wait3A_504 = tpu.memref_squeeze %dma_wait3A_503 : memref<1x!tpu.dma_semaphore, #tpu.memory_space<semaphore_mem>> -> memref<!tpu.dma_semaphore, #tpu.memory_space<semaphore_mem>>
    %dma_wait3A_505 = arith.constant 0 : i32
    %dma_wait3A_506 = arith.constant 0 : i32
    %dma_wait3A_507 = tpu.memref_slice %arg5[%add3A_497, %dma_wait3A_505, %dma_wait3A_506] : memref<4096x200x64xf32, #tpu.memory_space<hbm>> -> memref<1x200x64xf32, #tpu.memory_space<hbm>>
    %dma_wait3A_508 = tpu.memref_squeeze %dma_wait3A_507 : memref<1x200x64xf32, #tpu.memory_space<hbm>> -> memref<200x64xf32, #tpu.memory_space<hbm>>
    tpu.wait_dma2 semaphore(%dma_wait3A_504 : memref<!tpu.dma_semaphore, #tpu.memory_space<semaphore_mem>>) src(%arg10 : memref<200x64xf32, #tpu.memory_space<vmem>>) dst(%dma_wait3A_508 : memref<200x64xf32, #tpu.memory_space<hbm>>)
    %dma_start3A_509 = arith.constant 4 : i32
    %dma_start3A_510 = tpu.memref_slice %arg13[%dma_start3A_509] : memref<14x!tpu.dma_semaphore, #tpu.memory_space<semaphore_mem>> -> memref<1x!tpu.dma_semaphore, #tpu.memory_space<semaphore_mem>>
    %dma_start3A_511 = tpu.memref_squeeze %dma_start3A_510 : memref<1x!tpu.dma_semaphore, #tpu.memory_space<semaphore_mem>> -> memref<!tpu.dma_semaphore, #tpu.memory_space<semaphore_mem>>
    tpu.enqueue_dma source(%arg12 : memref<200x64xf32, #tpu.memory_space<vmem_shared>>) target(%arg10 : memref<200x64xf32, #tpu.memory_space<vmem>>) target_semaphore(%dma_start3A_511 : memref<!tpu.dma_semaphore, #tpu.memory_space<semaphore_mem>>)
    %add3A_512 = arith.constant 125 : i32
    %add3A_513 = arith.addi %mul3A_2, %add3A_512 : i32
    %dma_wait3A_514 = arith.constant 1 : i32
    %dma_wait3A_515 = arith.constant 0 : i32
    %dma_wait3A_516 = arith.constant 0 : i32
    %dma_wait3A_517 = tpu.memref_slice %arg2[%add3A_513, %dma_wait3A_515, %dma_wait3A_516] : memref<4096x2x100xi32, #tpu.memory_space<hbm>> -> memref<1x2x100xi32, #tpu.memory_space<hbm>>
    %dma_wait3A_518 = tpu.memref_squeeze %dma_wait3A_517 : memref<1x2x100xi32, #tpu.memory_space<hbm>> -> memref<2x100xi32, #tpu.memory_space<hbm>>
    %dma_wait3A_519 = tpu.memref_slice %arg13[%dma_wait3A_514] : memref<14x!tpu.dma_semaphore, #tpu.memory_space<semaphore_mem>> -> memref<1x!tpu.dma_semaphore, #tpu.memory_space<semaphore_mem>>
    %dma_wait3A_520 = tpu.memref_squeeze %dma_wait3A_519 : memref<1x!tpu.dma_semaphore, #tpu.memory_space<semaphore_mem>> -> memref<!tpu.dma_semaphore, #tpu.memory_space<semaphore_mem>>
    %dma_wait3A_521 = arith.constant 0 : i32
    %dma_wait3A_522 = arith.constant 0 : i32
    %dma_wait3A_523 = tpu.memref_slice %arg2[%add3A_513, %dma_wait3A_521, %dma_wait3A_522] : memref<4096x2x100xi32, #tpu.memory_space<hbm>> -> memref<1x2x100xi32, #tpu.memory_space<hbm>>
    %dma_wait3A_524 = tpu.memref_squeeze %dma_wait3A_523 : memref<1x2x100xi32, #tpu.memory_space<hbm>> -> memref<2x100xi32, #tpu.memory_space<hbm>>
    tpu.wait_dma2 semaphore(%dma_wait3A_520 : memref<!tpu.dma_semaphore, #tpu.memory_space<semaphore_mem>>) src(%dma_wait3A_524 : memref<2x100xi32, #tpu.memory_space<hbm>>) dst(%arg7 : memref<2x100xi32, #tpu.memory_space<vmem>>)
    %dma_wait3A_525 = arith.constant 3 : i32
    %dma_wait3A_526 = tpu.memref_slice %arg13[%dma_wait3A_525] : memref<14x!tpu.dma_semaphore, #tpu.memory_space<semaphore_mem>> -> memref<1x!tpu.dma_semaphore, #tpu.memory_space<semaphore_mem>>
    %dma_wait3A_527 = tpu.memref_squeeze %dma_wait3A_526 : memref<1x!tpu.dma_semaphore, #tpu.memory_space<semaphore_mem>> -> memref<!tpu.dma_semaphore, #tpu.memory_space<semaphore_mem>>
    tpu.wait_dma2 semaphore(%dma_wait3A_527 : memref<!tpu.dma_semaphore, #tpu.memory_space<semaphore_mem>>) src(%arg12 : memref<200x64xf32, #tpu.memory_space<vmem_shared>>) dst(%arg9 : memref<200x64xf32, #tpu.memory_space<vmem>>)
    %dma_start3A_528 = arith.constant 0 : i32
    %dma_start3A_529 = arith.constant 7 : i32
    %dma_start3A_530 = arith.constant 0 : i32
    %dma_start3A_531 = arith.constant 0 : i32
    %dma_start3A_532 = tpu.memref_slice %arg9[%dma_start3A_530, %dma_start3A_531] : memref<200x64xf32, #tpu.memory_space<vmem>> -> memref<100x64xf32, #tpu.memory_space<vmem>>
    %dma_start3A_533 = arith.constant 0 : i32
    %dma_start3A_534 = tpu.memref_slice %arg7[%dma_start3A_528, %dma_start3A_533] : memref<2x100xi32, #tpu.memory_space<vmem>> -> memref<1x100xi32, #tpu.memory_space<vmem>>
    %dma_start3A_535 = tpu.memref_squeeze %dma_start3A_534 : memref<1x100xi32, #tpu.memory_space<vmem>> -> memref<100xi32, #tpu.memory_space<vmem>>
    %dma_start3A_536 = arith.constant 0 : i32
    %dma_start3A_537 = arith.constant 0 : i32
    %dma_start3A_538 = tpu.memref_slice %arg3[%dma_start3A_536, %dma_start3A_537] : memref<1000000x64xf32, #tpu.memory_space<hbm>> -> memref<1000000x64xf32, #tpu.memory_space<hbm>>
    %dma_start3A_539 = tpu.memref_slice %arg13[%dma_start3A_529] : memref<14x!tpu.dma_semaphore, #tpu.memory_space<semaphore_mem>> -> memref<1x!tpu.dma_semaphore, #tpu.memory_space<semaphore_mem>>
    %dma_start3A_540 = tpu.memref_squeeze %dma_start3A_539 : memref<1x!tpu.dma_semaphore, #tpu.memory_space<semaphore_mem>> -> memref<!tpu.dma_semaphore, #tpu.memory_space<semaphore_mem>>
    tpu.enqueue_indirect_dma source(%dma_start3A_538 : memref<1000000x64xf32, #tpu.memory_space<hbm>>) target(%dma_start3A_532 : memref<100x64xf32, #tpu.memory_space<vmem>>) offsets(%dma_start3A_535 : memref<100xi32, #tpu.memory_space<vmem>>) semaphore(%dma_start3A_540 : memref<!tpu.dma_semaphore, #tpu.memory_space<semaphore_mem>>) {add = true}
    %dma_start3A_541 = arith.constant 1 : i32
    %dma_start3A_542 = arith.constant 7 : i32
    %dma_start3A_543 = arith.constant 100 : i32
    %dma_start3A_544 = arith.constant 0 : i32
    %dma_start3A_545 = tpu.memref_slice %arg9[%dma_start3A_543, %dma_start3A_544] : memref<200x64xf32, #tpu.memory_space<vmem>> -> memref<100x64xf32, #tpu.memory_space<vmem>>
    %dma_start3A_546 = arith.constant 0 : i32
    %dma_start3A_547 = tpu.memref_slice %arg7[%dma_start3A_541, %dma_start3A_546] : memref<2x100xi32, #tpu.memory_space<vmem>> -> memref<1x100xi32, #tpu.memory_space<vmem>>
    %dma_start3A_548 = tpu.memref_squeeze %dma_start3A_547 : memref<1x100xi32, #tpu.memory_space<vmem>> -> memref<100xi32, #tpu.memory_space<vmem>>
    %dma_start3A_549 = arith.constant 0 : i32
    %dma_start3A_550 = arith.constant 0 : i32
    %dma_start3A_551 = tpu.memref_slice %arg3[%dma_start3A_549, %dma_start3A_550] : memref<1000000x64xf32, #tpu.memory_space<hbm>> -> memref<1000000x64xf32, #tpu.memory_space<hbm>>
    %dma_start3A_552 = tpu.memref_slice %arg13[%dma_start3A_542] : memref<14x!tpu.dma_semaphore, #tpu.memory_space<semaphore_mem>> -> memref<1x!tpu.dma_semaphore, #tpu.memory_space<semaphore_mem>>
    %dma_start3A_553 = tpu.memref_squeeze %dma_start3A_552 : memref<1x!tpu.dma_semaphore, #tpu.memory_space<semaphore_mem>> -> memref<!tpu.dma_semaphore, #tpu.memory_space<semaphore_mem>>
    tpu.enqueue_indirect_dma source(%dma_start3A_551 : memref<1000000x64xf32, #tpu.memory_space<hbm>>) target(%dma_start3A_545 : memref<100x64xf32, #tpu.memory_space<vmem>>) offsets(%dma_start3A_548 : memref<100xi32, #tpu.memory_space<vmem>>) semaphore(%dma_start3A_553 : memref<!tpu.dma_semaphore, #tpu.memory_space<semaphore_mem>>) {add = true}
    %dma_wait3A_554 = arith.constant 0 : i32
    %dma_wait3A_555 = arith.constant 6 : i32
    %dma_wait3A_556 = arith.constant 0 : i32
    %dma_wait3A_557 = arith.constant 0 : i32
    %dma_wait3A_558 = tpu.memref_slice %arg8[%dma_wait3A_556, %dma_wait3A_557] : memref<200x64xf32, #tpu.memory_space<vmem>> -> memref<100x64xf32, #tpu.memory_space<vmem>>
    %dma_wait3A_559 = arith.constant 0 : i32
    %dma_wait3A_560 = tpu.memref_slice %arg6[%dma_wait3A_554, %dma_wait3A_559] : memref<2x100xi32, #tpu.memory_space<vmem>> -> memref<1x100xi32, #tpu.memory_space<vmem>>
    %dma_wait3A_561 = tpu.memref_squeeze %dma_wait3A_560 : memref<1x100xi32, #tpu.memory_space<vmem>> -> memref<100xi32, #tpu.memory_space<vmem>>
    %dma_wait3A_562 = arith.constant 0 : i32
    %dma_wait3A_563 = arith.constant 0 : i32
    %dma_wait3A_564 = tpu.memref_slice %arg3[%dma_wait3A_562, %dma_wait3A_563] : memref<1000000x64xf32, #tpu.memory_space<hbm>> -> memref<1000000x64xf32, #tpu.memory_space<hbm>>
    %dma_wait3A_565 = tpu.memref_slice %arg13[%dma_wait3A_555] : memref<14x!tpu.dma_semaphore, #tpu.memory_space<semaphore_mem>> -> memref<1x!tpu.dma_semaphore, #tpu.memory_space<semaphore_mem>>
    %dma_wait3A_566 = tpu.memref_squeeze %dma_wait3A_565 : memref<1x!tpu.dma_semaphore, #tpu.memory_space<semaphore_mem>> -> memref<!tpu.dma_semaphore, #tpu.memory_space<semaphore_mem>>
    tpu.wait_indirect_dma semaphore(%dma_wait3A_566 : memref<!tpu.dma_semaphore, #tpu.memory_space<semaphore_mem>>) src(%dma_wait3A_564 : memref<1000000x64xf32, #tpu.memory_space<hbm>>) dst(%dma_wait3A_558 : memref<100x64xf32, #tpu.memory_space<vmem>>)
    %dma_wait3A_567 = arith.constant 1 : i32
    %dma_wait3A_568 = arith.constant 6 : i32
    %dma_wait3A_569 = arith.constant 100 : i32
    %dma_wait3A_570 = arith.constant 0 : i32
    %dma_wait3A_571 = tpu.memref_slice %arg8[%dma_wait3A_569, %dma_wait3A_570] : memref<200x64xf32, #tpu.memory_space<vmem>> -> memref<100x64xf32, #tpu.memory_space<vmem>>
    %dma_wait3A_572 = arith.constant 0 : i32
    %dma_wait3A_573 = tpu.memref_slice %arg6[%dma_wait3A_567, %dma_wait3A_572] : memref<2x100xi32, #tpu.memory_space<vmem>> -> memref<1x100xi32, #tpu.memory_space<vmem>>
    %dma_wait3A_574 = tpu.memref_squeeze %dma_wait3A_573 : memref<1x100xi32, #tpu.memory_space<vmem>> -> memref<100xi32, #tpu.memory_space<vmem>>
    %dma_wait3A_575 = arith.constant 0 : i32
    %dma_wait3A_576 = arith.constant 0 : i32
    %dma_wait3A_577 = tpu.memref_slice %arg3[%dma_wait3A_575, %dma_wait3A_576] : memref<1000000x64xf32, #tpu.memory_space<hbm>> -> memref<1000000x64xf32, #tpu.memory_space<hbm>>
    %dma_wait3A_578 = tpu.memref_slice %arg13[%dma_wait3A_568] : memref<14x!tpu.dma_semaphore, #tpu.memory_space<semaphore_mem>> -> memref<1x!tpu.dma_semaphore, #tpu.memory_space<semaphore_mem>>
    %dma_wait3A_579 = tpu.memref_squeeze %dma_wait3A_578 : memref<1x!tpu.dma_semaphore, #tpu.memory_space<semaphore_mem>> -> memref<!tpu.dma_semaphore, #tpu.memory_space<semaphore_mem>>
    tpu.wait_indirect_dma semaphore(%dma_wait3A_579 : memref<!tpu.dma_semaphore, #tpu.memory_space<semaphore_mem>>) src(%dma_wait3A_577 : memref<1000000x64xf32, #tpu.memory_space<hbm>>) dst(%dma_wait3A_571 : memref<100x64xf32, #tpu.memory_space<vmem>>)
    %add3A_580 = arith.constant 124 : i32
    %add3A_581 = arith.addi %mul3A_2, %add3A_580 : i32
    %dma_start3A_582 = arith.constant 10 : i32
    %dma_start3A_583 = arith.constant 0 : i32
    %dma_start3A_584 = arith.constant 0 : i32
    %dma_start3A_585 = tpu.memref_slice %arg5[%add3A_581, %dma_start3A_583, %dma_start3A_584] : memref<4096x200x64xf32, #tpu.memory_space<hbm>> -> memref<1x200x64xf32, #tpu.memory_space<hbm>>
    %dma_start3A_586 = tpu.memref_squeeze %dma_start3A_585 : memref<1x200x64xf32, #tpu.memory_space<hbm>> -> memref<200x64xf32, #tpu.memory_space<hbm>>
    %dma_start3A_587 = tpu.memref_slice %arg13[%dma_start3A_582] : memref<14x!tpu.dma_semaphore, #tpu.memory_space<semaphore_mem>> -> memref<1x!tpu.dma_semaphore, #tpu.memory_space<semaphore_mem>>
    %dma_start3A_588 = tpu.memref_squeeze %dma_start3A_587 : memref<1x!tpu.dma_semaphore, #tpu.memory_space<semaphore_mem>> -> memref<!tpu.dma_semaphore, #tpu.memory_space<semaphore_mem>>
    %dma_start3A_589 = arith.constant 0 : i32
    %dma_start3A_590 = arith.constant 0 : i32
    %dma_start3A_591 = tpu.memref_slice %arg5[%add3A_581, %dma_start3A_589, %dma_start3A_590] : memref<4096x200x64xf32, #tpu.memory_space<hbm>> -> memref<1x200x64xf32, #tpu.memory_space<hbm>>
    %dma_start3A_592 = tpu.memref_squeeze %dma_start3A_591 : memref<1x200x64xf32, #tpu.memory_space<hbm>> -> memref<200x64xf32, #tpu.memory_space<hbm>>
    tpu.enqueue_dma source(%arg8 : memref<200x64xf32, #tpu.memory_space<vmem>>) target(%dma_start3A_592 : memref<200x64xf32, #tpu.memory_space<hbm>>) target_semaphore(%dma_start3A_588 : memref<!tpu.dma_semaphore, #tpu.memory_space<semaphore_mem>>)
    %add3A_593 = arith.constant 126 : i32
    %add3A_594 = arith.addi %mul3A_2, %add3A_593 : i32
    %dma_start3A_595 = arith.constant 0 : i32
    %dma_start3A_596 = arith.constant 0 : i32
    %dma_start3A_597 = arith.constant 0 : i32
    %dma_start3A_598 = tpu.memref_slice %arg2[%add3A_594, %dma_start3A_596, %dma_start3A_597] : memref<4096x2x100xi32, #tpu.memory_space<hbm>> -> memref<1x2x100xi32, #tpu.memory_space<hbm>>
    %dma_start3A_599 = tpu.memref_squeeze %dma_start3A_598 : memref<1x2x100xi32, #tpu.memory_space<hbm>> -> memref<2x100xi32, #tpu.memory_space<hbm>>
    %dma_start3A_600 = tpu.memref_slice %arg13[%dma_start3A_595] : memref<14x!tpu.dma_semaphore, #tpu.memory_space<semaphore_mem>> -> memref<1x!tpu.dma_semaphore, #tpu.memory_space<semaphore_mem>>
    %dma_start3A_601 = tpu.memref_squeeze %dma_start3A_600 : memref<1x!tpu.dma_semaphore, #tpu.memory_space<semaphore_mem>> -> memref<!tpu.dma_semaphore, #tpu.memory_space<semaphore_mem>>
    %dma_start3A_602 = arith.constant 0 : i32
    %dma_start3A_603 = arith.constant 0 : i32
    %dma_start3A_604 = tpu.memref_slice %arg2[%add3A_594, %dma_start3A_602, %dma_start3A_603] : memref<4096x2x100xi32, #tpu.memory_space<hbm>> -> memref<1x2x100xi32, #tpu.memory_space<hbm>>
    %dma_start3A_605 = tpu.memref_squeeze %dma_start3A_604 : memref<1x2x100xi32, #tpu.memory_space<hbm>> -> memref<2x100xi32, #tpu.memory_space<hbm>>
    tpu.enqueue_dma source(%dma_start3A_605 : memref<2x100xi32, #tpu.memory_space<hbm>>) target(%arg6 : memref<2x100xi32, #tpu.memory_space<vmem>>) target_semaphore(%dma_start3A_601 : memref<!tpu.dma_semaphore, #tpu.memory_space<semaphore_mem>>)
    %add3A_606 = arith.constant 123 : i32
    %add3A_607 = arith.addi %mul3A_2, %add3A_606 : i32
    %dma_wait3A_608 = arith.constant 13 : i32
    %dma_wait3A_609 = arith.constant 0 : i32
    %dma_wait3A_610 = arith.constant 0 : i32
    %dma_wait3A_611 = tpu.memref_slice %arg5[%add3A_607, %dma_wait3A_609, %dma_wait3A_610] : memref<4096x200x64xf32, #tpu.memory_space<hbm>> -> memref<1x200x64xf32, #tpu.memory_space<hbm>>
    %dma_wait3A_612 = tpu.memref_squeeze %dma_wait3A_611 : memref<1x200x64xf32, #tpu.memory_space<hbm>> -> memref<200x64xf32, #tpu.memory_space<hbm>>
    %dma_wait3A_613 = tpu.memref_slice %arg13[%dma_wait3A_608] : memref<14x!tpu.dma_semaphore, #tpu.memory_space<semaphore_mem>> -> memref<1x!tpu.dma_semaphore, #tpu.memory_space<semaphore_mem>>
    %dma_wait3A_614 = tpu.memref_squeeze %dma_wait3A_613 : memref<1x!tpu.dma_semaphore, #tpu.memory_space<semaphore_mem>> -> memref<!tpu.dma_semaphore, #tpu.memory_space<semaphore_mem>>
    %dma_wait3A_615 = arith.constant 0 : i32
    %dma_wait3A_616 = arith.constant 0 : i32
    %dma_wait3A_617 = tpu.memref_slice %arg5[%add3A_607, %dma_wait3A_615, %dma_wait3A_616] : memref<4096x200x64xf32, #tpu.memory_space<hbm>> -> memref<1x200x64xf32, #tpu.memory_space<hbm>>
    %dma_wait3A_618 = tpu.memref_squeeze %dma_wait3A_617 : memref<1x200x64xf32, #tpu.memory_space<hbm>> -> memref<200x64xf32, #tpu.memory_space<hbm>>
    tpu.wait_dma2 semaphore(%dma_wait3A_614 : memref<!tpu.dma_semaphore, #tpu.memory_space<semaphore_mem>>) src(%arg11 : memref<200x64xf32, #tpu.memory_space<vmem>>) dst(%dma_wait3A_618 : memref<200x64xf32, #tpu.memory_space<hbm>>)
    %dma_start3A_619 = arith.constant 5 : i32
    %dma_start3A_620 = tpu.memref_slice %arg13[%dma_start3A_619] : memref<14x!tpu.dma_semaphore, #tpu.memory_space<semaphore_mem>> -> memref<1x!tpu.dma_semaphore, #tpu.memory_space<semaphore_mem>>
    %dma_start3A_621 = tpu.memref_squeeze %dma_start3A_620 : memref<1x!tpu.dma_semaphore, #tpu.memory_space<semaphore_mem>> -> memref<!tpu.dma_semaphore, #tpu.memory_space<semaphore_mem>>
    tpu.enqueue_dma source(%arg12 : memref<200x64xf32, #tpu.memory_space<vmem_shared>>) target(%arg11 : memref<200x64xf32, #tpu.memory_space<vmem>>) target_semaphore(%dma_start3A_621 : memref<!tpu.dma_semaphore, #tpu.memory_space<semaphore_mem>>)
    %add3A_622 = arith.constant 126 : i32
    %add3A_623 = arith.addi %mul3A_2, %add3A_622 : i32
    %dma_wait3A_624 = arith.constant 0 : i32
    %dma_wait3A_625 = arith.constant 0 : i32
    %dma_wait3A_626 = arith.constant 0 : i32
    %dma_wait3A_627 = tpu.memref_slice %arg2[%add3A_623, %dma_wait3A_625, %dma_wait3A_626] : memref<4096x2x100xi32, #tpu.memory_space<hbm>> -> memref<1x2x100xi32, #tpu.memory_space<hbm>>
    %dma_wait3A_628 = tpu.memref_squeeze %dma_wait3A_627 : memref<1x2x100xi32, #tpu.memory_space<hbm>> -> memref<2x100xi32, #tpu.memory_space<hbm>>
    %dma_wait3A_629 = tpu.memref_slice %arg13[%dma_wait3A_624] : memref<14x!tpu.dma_semaphore, #tpu.memory_space<semaphore_mem>> -> memref<1x!tpu.dma_semaphore, #tpu.memory_space<semaphore_mem>>
    %dma_wait3A_630 = tpu.memref_squeeze %dma_wait3A_629 : memref<1x!tpu.dma_semaphore, #tpu.memory_space<semaphore_mem>> -> memref<!tpu.dma_semaphore, #tpu.memory_space<semaphore_mem>>
    %dma_wait3A_631 = arith.constant 0 : i32
    %dma_wait3A_632 = arith.constant 0 : i32
    %dma_wait3A_633 = tpu.memref_slice %arg2[%add3A_623, %dma_wait3A_631, %dma_wait3A_632] : memref<4096x2x100xi32, #tpu.memory_space<hbm>> -> memref<1x2x100xi32, #tpu.memory_space<hbm>>
    %dma_wait3A_634 = tpu.memref_squeeze %dma_wait3A_633 : memref<1x2x100xi32, #tpu.memory_space<hbm>> -> memref<2x100xi32, #tpu.memory_space<hbm>>
    tpu.wait_dma2 semaphore(%dma_wait3A_630 : memref<!tpu.dma_semaphore, #tpu.memory_space<semaphore_mem>>) src(%dma_wait3A_634 : memref<2x100xi32, #tpu.memory_space<hbm>>) dst(%arg6 : memref<2x100xi32, #tpu.memory_space<vmem>>)
    %dma_wait3A_635 = arith.constant 4 : i32
    %dma_wait3A_636 = tpu.memref_slice %arg13[%dma_wait3A_635] : memref<14x!tpu.dma_semaphore, #tpu.memory_space<semaphore_mem>> -> memref<1x!tpu.dma_semaphore, #tpu.memory_space<semaphore_mem>>
    %dma_wait3A_637 = tpu.memref_squeeze %dma_wait3A_636 : memref<1x!tpu.dma_semaphore, #tpu.memory_space<semaphore_mem>> -> memref<!tpu.dma_semaphore, #tpu.memory_space<semaphore_mem>>
    tpu.wait_dma2 semaphore(%dma_wait3A_637 : memref<!tpu.dma_semaphore, #tpu.memory_space<semaphore_mem>>) src(%arg12 : memref<200x64xf32, #tpu.memory_space<vmem_shared>>) dst(%arg10 : memref<200x64xf32, #tpu.memory_space<vmem>>)
    %dma_start3A_638 = arith.constant 0 : i32
    %dma_start3A_639 = arith.constant 8 : i32
    %dma_start3A_640 = arith.constant 0 : i32
    %dma_start3A_641 = arith.constant 0 : i32
    %dma_start3A_642 = tpu.memref_slice %arg10[%dma_start3A_640, %dma_start3A_641] : memref<200x64xf32, #tpu.memory_space<vmem>> -> memref<100x64xf32, #tpu.memory_space<vmem>>
    %dma_start3A_643 = arith.constant 0 : i32
    %dma_start3A_644 = tpu.memref_slice %arg6[%dma_start3A_638, %dma_start3A_643] : memref<2x100xi32, #tpu.memory_space<vmem>> -> memref<1x100xi32, #tpu.memory_space<vmem>>
    %dma_start3A_645 = tpu.memref_squeeze %dma_start3A_644 : memref<1x100xi32, #tpu.memory_space<vmem>> -> memref<100xi32, #tpu.memory_space<vmem>>
    %dma_start3A_646 = arith.constant 0 : i32
    %dma_start3A_647 = arith.constant 0 : i32
    %dma_start3A_648 = tpu.memref_slice %arg3[%dma_start3A_646, %dma_start3A_647] : memref<1000000x64xf32, #tpu.memory_space<hbm>> -> memref<1000000x64xf32, #tpu.memory_space<hbm>>
    %dma_start3A_649 = tpu.memref_slice %arg13[%dma_start3A_639] : memref<14x!tpu.dma_semaphore, #tpu.memory_space<semaphore_mem>> -> memref<1x!tpu.dma_semaphore, #tpu.memory_space<semaphore_mem>>
    %dma_start3A_650 = tpu.memref_squeeze %dma_start3A_649 : memref<1x!tpu.dma_semaphore, #tpu.memory_space<semaphore_mem>> -> memref<!tpu.dma_semaphore, #tpu.memory_space<semaphore_mem>>
    tpu.enqueue_indirect_dma source(%dma_start3A_648 : memref<1000000x64xf32, #tpu.memory_space<hbm>>) target(%dma_start3A_642 : memref<100x64xf32, #tpu.memory_space<vmem>>) offsets(%dma_start3A_645 : memref<100xi32, #tpu.memory_space<vmem>>) semaphore(%dma_start3A_650 : memref<!tpu.dma_semaphore, #tpu.memory_space<semaphore_mem>>) {add = true}
    %dma_start3A_651 = arith.constant 1 : i32
    %dma_start3A_652 = arith.constant 8 : i32
    %dma_start3A_653 = arith.constant 100 : i32
    %dma_start3A_654 = arith.constant 0 : i32
    %dma_start3A_655 = tpu.memref_slice %arg10[%dma_start3A_653, %dma_start3A_654] : memref<200x64xf32, #tpu.memory_space<vmem>> -> memref<100x64xf32, #tpu.memory_space<vmem>>
    %dma_start3A_656 = arith.constant 0 : i32
    %dma_start3A_657 = tpu.memref_slice %arg6[%dma_start3A_651, %dma_start3A_656] : memref<2x100xi32, #tpu.memory_space<vmem>> -> memref<1x100xi32, #tpu.memory_space<vmem>>
    %dma_start3A_658 = tpu.memref_squeeze %dma_start3A_657 : memref<1x100xi32, #tpu.memory_space<vmem>> -> memref<100xi32, #tpu.memory_space<vmem>>
    %dma_start3A_659 = arith.constant 0 : i32
    %dma_start3A_660 = arith.constant 0 : i32
    %dma_start3A_661 = tpu.memref_slice %arg3[%dma_start3A_659, %dma_start3A_660] : memref<1000000x64xf32, #tpu.memory_space<hbm>> -> memref<1000000x64xf32, #tpu.memory_space<hbm>>
    %dma_start3A_662 = tpu.memref_slice %arg13[%dma_start3A_652] : memref<14x!tpu.dma_semaphore, #tpu.memory_space<semaphore_mem>> -> memref<1x!tpu.dma_semaphore, #tpu.memory_space<semaphore_mem>>
    %dma_start3A_663 = tpu.memref_squeeze %dma_start3A_662 : memref<1x!tpu.dma_semaphore, #tpu.memory_space<semaphore_mem>> -> memref<!tpu.dma_semaphore, #tpu.memory_space<semaphore_mem>>
    tpu.enqueue_indirect_dma source(%dma_start3A_661 : memref<1000000x64xf32, #tpu.memory_space<hbm>>) target(%dma_start3A_655 : memref<100x64xf32, #tpu.memory_space<vmem>>) offsets(%dma_start3A_658 : memref<100xi32, #tpu.memory_space<vmem>>) semaphore(%dma_start3A_663 : memref<!tpu.dma_semaphore, #tpu.memory_space<semaphore_mem>>) {add = true}
    %dma_wait3A_664 = arith.constant 0 : i32
    %dma_wait3A_665 = arith.constant 7 : i32
    %dma_wait3A_666 = arith.constant 0 : i32
    %dma_wait3A_667 = arith.constant 0 : i32
    %dma_wait3A_668 = tpu.memref_slice %arg9[%dma_wait3A_666, %dma_wait3A_667] : memref<200x64xf32, #tpu.memory_space<vmem>> -> memref<100x64xf32, #tpu.memory_space<vmem>>
    %dma_wait3A_669 = arith.constant 0 : i32
    %dma_wait3A_670 = tpu.memref_slice %arg7[%dma_wait3A_664, %dma_wait3A_669] : memref<2x100xi32, #tpu.memory_space<vmem>> -> memref<1x100xi32, #tpu.memory_space<vmem>>
    %dma_wait3A_671 = tpu.memref_squeeze %dma_wait3A_670 : memref<1x100xi32, #tpu.memory_space<vmem>> -> memref<100xi32, #tpu.memory_space<vmem>>
    %dma_wait3A_672 = arith.constant 0 : i32
    %dma_wait3A_673 = arith.constant 0 : i32
    %dma_wait3A_674 = tpu.memref_slice %arg3[%dma_wait3A_672, %dma_wait3A_673] : memref<1000000x64xf32, #tpu.memory_space<hbm>> -> memref<1000000x64xf32, #tpu.memory_space<hbm>>
    %dma_wait3A_675 = tpu.memref_slice %arg13[%dma_wait3A_665] : memref<14x!tpu.dma_semaphore, #tpu.memory_space<semaphore_mem>> -> memref<1x!tpu.dma_semaphore, #tpu.memory_space<semaphore_mem>>
    %dma_wait3A_676 = tpu.memref_squeeze %dma_wait3A_675 : memref<1x!tpu.dma_semaphore, #tpu.memory_space<semaphore_mem>> -> memref<!tpu.dma_semaphore, #tpu.memory_space<semaphore_mem>>
    tpu.wait_indirect_dma semaphore(%dma_wait3A_676 : memref<!tpu.dma_semaphore, #tpu.memory_space<semaphore_mem>>) src(%dma_wait3A_674 : memref<1000000x64xf32, #tpu.memory_space<hbm>>) dst(%dma_wait3A_668 : memref<100x64xf32, #tpu.memory_space<vmem>>)
    %dma_wait3A_677 = arith.constant 1 : i32
    %dma_wait3A_678 = arith.constant 7 : i32
    %dma_wait3A_679 = arith.constant 100 : i32
    %dma_wait3A_680 = arith.constant 0 : i32
    %dma_wait3A_681 = tpu.memref_slice %arg9[%dma_wait3A_679, %dma_wait3A_680] : memref<200x64xf32, #tpu.memory_space<vmem>> -> memref<100x64xf32, #tpu.memory_space<vmem>>
    %dma_wait3A_682 = arith.constant 0 : i32
    %dma_wait3A_683 = tpu.memref_slice %arg7[%dma_wait3A_677, %dma_wait3A_682] : memref<2x100xi32, #tpu.memory_space<vmem>> -> memref<1x100xi32, #tpu.memory_space<vmem>>
    %dma_wait3A_684 = tpu.memref_squeeze %dma_wait3A_683 : memref<1x100xi32, #tpu.memory_space<vmem>> -> memref<100xi32, #tpu.memory_space<vmem>>
    %dma_wait3A_685 = arith.constant 0 : i32
    %dma_wait3A_686 = arith.constant 0 : i32
    %dma_wait3A_687 = tpu.memref_slice %arg3[%dma_wait3A_685, %dma_wait3A_686] : memref<1000000x64xf32, #tpu.memory_space<hbm>> -> memref<1000000x64xf32, #tpu.memory_space<hbm>>
    %dma_wait3A_688 = tpu.memref_slice %arg13[%dma_wait3A_678] : memref<14x!tpu.dma_semaphore, #tpu.memory_space<semaphore_mem>> -> memref<1x!tpu.dma_semaphore, #tpu.memory_space<semaphore_mem>>
    %dma_wait3A_689 = tpu.memref_squeeze %dma_wait3A_688 : memref<1x!tpu.dma_semaphore, #tpu.memory_space<semaphore_mem>> -> memref<!tpu.dma_semaphore, #tpu.memory_space<semaphore_mem>>
    tpu.wait_indirect_dma semaphore(%dma_wait3A_689 : memref<!tpu.dma_semaphore, #tpu.memory_space<semaphore_mem>>) src(%dma_wait3A_687 : memref<1000000x64xf32, #tpu.memory_space<hbm>>) dst(%dma_wait3A_681 : memref<100x64xf32, #tpu.memory_space<vmem>>)
    %add3A_690 = arith.constant 125 : i32
    %add3A_691 = arith.addi %mul3A_2, %add3A_690 : i32
    %dma_start3A_692 = arith.constant 11 : i32
    %dma_start3A_693 = arith.constant 0 : i32
    %dma_start3A_694 = arith.constant 0 : i32
    %dma_start3A_695 = tpu.memref_slice %arg5[%add3A_691, %dma_start3A_693, %dma_start3A_694] : memref<4096x200x64xf32, #tpu.memory_space<hbm>> -> memref<1x200x64xf32, #tpu.memory_space<hbm>>
    %dma_start3A_696 = tpu.memref_squeeze %dma_start3A_695 : memref<1x200x64xf32, #tpu.memory_space<hbm>> -> memref<200x64xf32, #tpu.memory_space<hbm>>
    %dma_start3A_697 = tpu.memref_slice %arg13[%dma_start3A_692] : memref<14x!tpu.dma_semaphore, #tpu.memory_space<semaphore_mem>> -> memref<1x!tpu.dma_semaphore, #tpu.memory_space<semaphore_mem>>
    %dma_start3A_698 = tpu.memref_squeeze %dma_start3A_697 : memref<1x!tpu.dma_semaphore, #tpu.memory_space<semaphore_mem>> -> memref<!tpu.dma_semaphore, #tpu.memory_space<semaphore_mem>>
    %dma_start3A_699 = arith.constant 0 : i32
    %dma_start3A_700 = arith.constant 0 : i32
    %dma_start3A_701 = tpu.memref_slice %arg5[%add3A_691, %dma_start3A_699, %dma_start3A_700] : memref<4096x200x64xf32, #tpu.memory_space<hbm>> -> memref<1x200x64xf32, #tpu.memory_space<hbm>>
    %dma_start3A_702 = tpu.memref_squeeze %dma_start3A_701 : memref<1x200x64xf32, #tpu.memory_space<hbm>> -> memref<200x64xf32, #tpu.memory_space<hbm>>
    tpu.enqueue_dma source(%arg9 : memref<200x64xf32, #tpu.memory_space<vmem>>) target(%dma_start3A_702 : memref<200x64xf32, #tpu.memory_space<hbm>>) target_semaphore(%dma_start3A_698 : memref<!tpu.dma_semaphore, #tpu.memory_space<semaphore_mem>>)
    %add3A_703 = arith.constant 127 : i32
    %add3A_704 = arith.addi %mul3A_2, %add3A_703 : i32
    %dma_start3A_705 = arith.constant 1 : i32
    %dma_start3A_706 = arith.constant 0 : i32
    %dma_start3A_707 = arith.constant 0 : i32
    %dma_start3A_708 = tpu.memref_slice %arg2[%add3A_704, %dma_start3A_706, %dma_start3A_707] : memref<4096x2x100xi32, #tpu.memory_space<hbm>> -> memref<1x2x100xi32, #tpu.memory_space<hbm>>
    %dma_start3A_709 = tpu.memref_squeeze %dma_start3A_708 : memref<1x2x100xi32, #tpu.memory_space<hbm>> -> memref<2x100xi32, #tpu.memory_space<hbm>>
    %dma_start3A_710 = tpu.memref_slice %arg13[%dma_start3A_705] : memref<14x!tpu.dma_semaphore, #tpu.memory_space<semaphore_mem>> -> memref<1x!tpu.dma_semaphore, #tpu.memory_space<semaphore_mem>>
    %dma_start3A_711 = tpu.memref_squeeze %dma_start3A_710 : memref<1x!tpu.dma_semaphore, #tpu.memory_space<semaphore_mem>> -> memref<!tpu.dma_semaphore, #tpu.memory_space<semaphore_mem>>
    %dma_start3A_712 = arith.constant 0 : i32
    %dma_start3A_713 = arith.constant 0 : i32
    %dma_start3A_714 = tpu.memref_slice %arg2[%add3A_704, %dma_start3A_712, %dma_start3A_713] : memref<4096x2x100xi32, #tpu.memory_space<hbm>> -> memref<1x2x100xi32, #tpu.memory_space<hbm>>
    %dma_start3A_715 = tpu.memref_squeeze %dma_start3A_714 : memref<1x2x100xi32, #tpu.memory_space<hbm>> -> memref<2x100xi32, #tpu.memory_space<hbm>>
    tpu.enqueue_dma source(%dma_start3A_715 : memref<2x100xi32, #tpu.memory_space<hbm>>) target(%arg7 : memref<2x100xi32, #tpu.memory_space<vmem>>) target_semaphore(%dma_start3A_711 : memref<!tpu.dma_semaphore, #tpu.memory_space<semaphore_mem>>)
    %add3A_716 = arith.constant 124 : i32
    %add3A_717 = arith.addi %mul3A_2, %add3A_716 : i32
    %dma_wait3A_718 = arith.constant 10 : i32
    %dma_wait3A_719 = arith.constant 0 : i32
    %dma_wait3A_720 = arith.constant 0 : i32
    %dma_wait3A_721 = tpu.memref_slice %arg5[%add3A_717, %dma_wait3A_719, %dma_wait3A_720] : memref<4096x200x64xf32, #tpu.memory_space<hbm>> -> memref<1x200x64xf32, #tpu.memory_space<hbm>>
    %dma_wait3A_722 = tpu.memref_squeeze %dma_wait3A_721 : memref<1x200x64xf32, #tpu.memory_space<hbm>> -> memref<200x64xf32, #tpu.memory_space<hbm>>
    %dma_wait3A_723 = tpu.memref_slice %arg13[%dma_wait3A_718] : memref<14x!tpu.dma_semaphore, #tpu.memory_space<semaphore_mem>> -> memref<1x!tpu.dma_semaphore, #tpu.memory_space<semaphore_mem>>
    %dma_wait3A_724 = tpu.memref_squeeze %dma_wait3A_723 : memref<1x!tpu.dma_semaphore, #tpu.memory_space<semaphore_mem>> -> memref<!tpu.dma_semaphore, #tpu.memory_space<semaphore_mem>>
    %dma_wait3A_725 = arith.constant 0 : i32
    %dma_wait3A_726 = arith.constant 0 : i32
    %dma_wait3A_727 = tpu.memref_slice %arg5[%add3A_717, %dma_wait3A_725, %dma_wait3A_726] : memref<4096x200x64xf32, #tpu.memory_space<hbm>> -> memref<1x200x64xf32, #tpu.memory_space<hbm>>
    %dma_wait3A_728 = tpu.memref_squeeze %dma_wait3A_727 : memref<1x200x64xf32, #tpu.memory_space<hbm>> -> memref<200x64xf32, #tpu.memory_space<hbm>>
    tpu.wait_dma2 semaphore(%dma_wait3A_724 : memref<!tpu.dma_semaphore, #tpu.memory_space<semaphore_mem>>) src(%arg8 : memref<200x64xf32, #tpu.memory_space<vmem>>) dst(%dma_wait3A_728 : memref<200x64xf32, #tpu.memory_space<hbm>>)
    %add3A_729 = arith.constant 127 : i32
    %add3A_730 = arith.addi %mul3A_2, %add3A_729 : i32
    %dma_wait3A_731 = arith.constant 1 : i32
    %dma_wait3A_732 = arith.constant 0 : i32
    %dma_wait3A_733 = arith.constant 0 : i32
    %dma_wait3A_734 = tpu.memref_slice %arg2[%add3A_730, %dma_wait3A_732, %dma_wait3A_733] : memref<4096x2x100xi32, #tpu.memory_space<hbm>> -> memref<1x2x100xi32, #tpu.memory_space<hbm>>
    %dma_wait3A_735 = tpu.memref_squeeze %dma_wait3A_734 : memref<1x2x100xi32, #tpu.memory_space<hbm>> -> memref<2x100xi32, #tpu.memory_space<hbm>>
    %dma_wait3A_736 = tpu.memref_slice %arg13[%dma_wait3A_731] : memref<14x!tpu.dma_semaphore, #tpu.memory_space<semaphore_mem>> -> memref<1x!tpu.dma_semaphore, #tpu.memory_space<semaphore_mem>>
    %dma_wait3A_737 = tpu.memref_squeeze %dma_wait3A_736 : memref<1x!tpu.dma_semaphore, #tpu.memory_space<semaphore_mem>> -> memref<!tpu.dma_semaphore, #tpu.memory_space<semaphore_mem>>
    %dma_wait3A_738 = arith.constant 0 : i32
    %dma_wait3A_739 = arith.constant 0 : i32
    %dma_wait3A_740 = tpu.memref_slice %arg2[%add3A_730, %dma_wait3A_738, %dma_wait3A_739] : memref<4096x2x100xi32, #tpu.memory_space<hbm>> -> memref<1x2x100xi32, #tpu.memory_space<hbm>>
    %dma_wait3A_741 = tpu.memref_squeeze %dma_wait3A_740 : memref<1x2x100xi32, #tpu.memory_space<hbm>> -> memref<2x100xi32, #tpu.memory_space<hbm>>
    tpu.wait_dma2 semaphore(%dma_wait3A_737 : memref<!tpu.dma_semaphore, #tpu.memory_space<semaphore_mem>>) src(%dma_wait3A_741 : memref<2x100xi32, #tpu.memory_space<hbm>>) dst(%arg7 : memref<2x100xi32, #tpu.memory_space<vmem>>)
    %dma_wait3A_742 = arith.constant 5 : i32
    %dma_wait3A_743 = tpu.memref_slice %arg13[%dma_wait3A_742] : memref<14x!tpu.dma_semaphore, #tpu.memory_space<semaphore_mem>> -> memref<1x!tpu.dma_semaphore, #tpu.memory_space<semaphore_mem>>
    %dma_wait3A_744 = tpu.memref_squeeze %dma_wait3A_743 : memref<1x!tpu.dma_semaphore, #tpu.memory_space<semaphore_mem>> -> memref<!tpu.dma_semaphore, #tpu.memory_space<semaphore_mem>>
    tpu.wait_dma2 semaphore(%dma_wait3A_744 : memref<!tpu.dma_semaphore, #tpu.memory_space<semaphore_mem>>) src(%arg12 : memref<200x64xf32, #tpu.memory_space<vmem_shared>>) dst(%arg11 : memref<200x64xf32, #tpu.memory_space<vmem>>)
    %dma_start3A_745 = arith.constant 0 : i32
    %dma_start3A_746 = arith.constant 9 : i32
    %dma_start3A_747 = arith.constant 0 : i32
    %dma_start3A_748 = arith.constant 0 : i32
    %dma_start3A_749 = tpu.memref_slice %arg11[%dma_start3A_747, %dma_start3A_748] : memref<200x64xf32, #tpu.memory_space<vmem>> -> memref<100x64xf32, #tpu.memory_space<vmem>>
    %dma_start3A_750 = arith.constant 0 : i32
    %dma_start3A_751 = tpu.memref_slice %arg7[%dma_start3A_745, %dma_start3A_750] : memref<2x100xi32, #tpu.memory_space<vmem>> -> memref<1x100xi32, #tpu.memory_space<vmem>>
    %dma_start3A_752 = tpu.memref_squeeze %dma_start3A_751 : memref<1x100xi32, #tpu.memory_space<vmem>> -> memref<100xi32, #tpu.memory_space<vmem>>
    %dma_start3A_753 = arith.constant 0 : i32
    %dma_start3A_754 = arith.constant 0 : i32
    %dma_start3A_755 = tpu.memref_slice %arg3[%dma_start3A_753, %dma_start3A_754] : memref<1000000x64xf32, #tpu.memory_space<hbm>> -> memref<1000000x64xf32, #tpu.memory_space<hbm>>
    %dma_start3A_756 = tpu.memref_slice %arg13[%dma_start3A_746] : memref<14x!tpu.dma_semaphore, #tpu.memory_space<semaphore_mem>> -> memref<1x!tpu.dma_semaphore, #tpu.memory_space<semaphore_mem>>
    %dma_start3A_757 = tpu.memref_squeeze %dma_start3A_756 : memref<1x!tpu.dma_semaphore, #tpu.memory_space<semaphore_mem>> -> memref<!tpu.dma_semaphore, #tpu.memory_space<semaphore_mem>>
    tpu.enqueue_indirect_dma source(%dma_start3A_755 : memref<1000000x64xf32, #tpu.memory_space<hbm>>) target(%dma_start3A_749 : memref<100x64xf32, #tpu.memory_space<vmem>>) offsets(%dma_start3A_752 : memref<100xi32, #tpu.memory_space<vmem>>) semaphore(%dma_start3A_757 : memref<!tpu.dma_semaphore, #tpu.memory_space<semaphore_mem>>) {add = true}
    %dma_start3A_758 = arith.constant 1 : i32
    %dma_start3A_759 = arith.constant 9 : i32
    %dma_start3A_760 = arith.constant 100 : i32
    %dma_start3A_761 = arith.constant 0 : i32
    %dma_start3A_762 = tpu.memref_slice %arg11[%dma_start3A_760, %dma_start3A_761] : memref<200x64xf32, #tpu.memory_space<vmem>> -> memref<100x64xf32, #tpu.memory_space<vmem>>
    %dma_start3A_763 = arith.constant 0 : i32
    %dma_start3A_764 = tpu.memref_slice %arg7[%dma_start3A_758, %dma_start3A_763] : memref<2x100xi32, #tpu.memory_space<vmem>> -> memref<1x100xi32, #tpu.memory_space<vmem>>
    %dma_start3A_765 = tpu.memref_squeeze %dma_start3A_764 : memref<1x100xi32, #tpu.memory_space<vmem>> -> memref<100xi32, #tpu.memory_space<vmem>>
    %dma_start3A_766 = arith.constant 0 : i32
    %dma_start3A_767 = arith.constant 0 : i32
    %dma_start3A_768 = tpu.memref_slice %arg3[%dma_start3A_766, %dma_start3A_767] : memref<1000000x64xf32, #tpu.memory_space<hbm>> -> memref<1000000x64xf32, #tpu.memory_space<hbm>>
    %dma_start3A_769 = tpu.memref_slice %arg13[%dma_start3A_759] : memref<14x!tpu.dma_semaphore, #tpu.memory_space<semaphore_mem>> -> memref<1x!tpu.dma_semaphore, #tpu.memory_space<semaphore_mem>>
    %dma_start3A_770 = tpu.memref_squeeze %dma_start3A_769 : memref<1x!tpu.dma_semaphore, #tpu.memory_space<semaphore_mem>> -> memref<!tpu.dma_semaphore, #tpu.memory_space<semaphore_mem>>
    tpu.enqueue_indirect_dma source(%dma_start3A_768 : memref<1000000x64xf32, #tpu.memory_space<hbm>>) target(%dma_start3A_762 : memref<100x64xf32, #tpu.memory_space<vmem>>) offsets(%dma_start3A_765 : memref<100xi32, #tpu.memory_space<vmem>>) semaphore(%dma_start3A_770 : memref<!tpu.dma_semaphore, #tpu.memory_space<semaphore_mem>>) {add = true}
    %dma_wait3A_771 = arith.constant 0 : i32
    %dma_wait3A_772 = arith.constant 8 : i32
    %dma_wait3A_773 = arith.constant 0 : i32
    %dma_wait3A_774 = arith.constant 0 : i32
    %dma_wait3A_775 = tpu.memref_slice %arg10[%dma_wait3A_773, %dma_wait3A_774] : memref<200x64xf32, #tpu.memory_space<vmem>> -> memref<100x64xf32, #tpu.memory_space<vmem>>
    %dma_wait3A_776 = arith.constant 0 : i32
    %dma_wait3A_777 = tpu.memref_slice %arg6[%dma_wait3A_771, %dma_wait3A_776] : memref<2x100xi32, #tpu.memory_space<vmem>> -> memref<1x100xi32, #tpu.memory_space<vmem>>
    %dma_wait3A_778 = tpu.memref_squeeze %dma_wait3A_777 : memref<1x100xi32, #tpu.memory_space<vmem>> -> memref<100xi32, #tpu.memory_space<vmem>>
    %dma_wait3A_779 = arith.constant 0 : i32
    %dma_wait3A_780 = arith.constant 0 : i32
    %dma_wait3A_781 = tpu.memref_slice %arg3[%dma_wait3A_779, %dma_wait3A_780] : memref<1000000x64xf32, #tpu.memory_space<hbm>> -> memref<1000000x64xf32, #tpu.memory_space<hbm>>
    %dma_wait3A_782 = tpu.memref_slice %arg13[%dma_wait3A_772] : memref<14x!tpu.dma_semaphore, #tpu.memory_space<semaphore_mem>> -> memref<1x!tpu.dma_semaphore, #tpu.memory_space<semaphore_mem>>
    %dma_wait3A_783 = tpu.memref_squeeze %dma_wait3A_782 : memref<1x!tpu.dma_semaphore, #tpu.memory_space<semaphore_mem>> -> memref<!tpu.dma_semaphore, #tpu.memory_space<semaphore_mem>>
    tpu.wait_indirect_dma semaphore(%dma_wait3A_783 : memref<!tpu.dma_semaphore, #tpu.memory_space<semaphore_mem>>) src(%dma_wait3A_781 : memref<1000000x64xf32, #tpu.memory_space<hbm>>) dst(%dma_wait3A_775 : memref<100x64xf32, #tpu.memory_space<vmem>>)
    %dma_wait3A_784 = arith.constant 1 : i32
    %dma_wait3A_785 = arith.constant 8 : i32
    %dma_wait3A_786 = arith.constant 100 : i32
    %dma_wait3A_787 = arith.constant 0 : i32
    %dma_wait3A_788 = tpu.memref_slice %arg10[%dma_wait3A_786, %dma_wait3A_787] : memref<200x64xf32, #tpu.memory_space<vmem>> -> memref<100x64xf32, #tpu.memory_space<vmem>>
    %dma_wait3A_789 = arith.constant 0 : i32
    %dma_wait3A_790 = tpu.memref_slice %arg6[%dma_wait3A_784, %dma_wait3A_789] : memref<2x100xi32, #tpu.memory_space<vmem>> -> memref<1x100xi32, #tpu.memory_space<vmem>>
    %dma_wait3A_791 = tpu.memref_squeeze %dma_wait3A_790 : memref<1x100xi32, #tpu.memory_space<vmem>> -> memref<100xi32, #tpu.memory_space<vmem>>
    %dma_wait3A_792 = arith.constant 0 : i32
    %dma_wait3A_793 = arith.constant 0 : i32
    %dma_wait3A_794 = tpu.memref_slice %arg3[%dma_wait3A_792, %dma_wait3A_793] : memref<1000000x64xf32, #tpu.memory_space<hbm>> -> memref<1000000x64xf32, #tpu.memory_space<hbm>>
    %dma_wait3A_795 = tpu.memref_slice %arg13[%dma_wait3A_785] : memref<14x!tpu.dma_semaphore, #tpu.memory_space<semaphore_mem>> -> memref<1x!tpu.dma_semaphore, #tpu.memory_space<semaphore_mem>>
    %dma_wait3A_796 = tpu.memref_squeeze %dma_wait3A_795 : memref<1x!tpu.dma_semaphore, #tpu.memory_space<semaphore_mem>> -> memref<!tpu.dma_semaphore, #tpu.memory_space<semaphore_mem>>
    tpu.wait_indirect_dma semaphore(%dma_wait3A_796 : memref<!tpu.dma_semaphore, #tpu.memory_space<semaphore_mem>>) src(%dma_wait3A_794 : memref<1000000x64xf32, #tpu.memory_space<hbm>>) dst(%dma_wait3A_788 : memref<100x64xf32, #tpu.memory_space<vmem>>)
    %add3A_797 = arith.constant 126 : i32
    %add3A_798 = arith.addi %mul3A_2, %add3A_797 : i32
    %dma_start3A_799 = arith.constant 12 : i32
    %dma_start3A_800 = arith.constant 0 : i32
    %dma_start3A_801 = arith.constant 0 : i32
    %dma_start3A_802 = tpu.memref_slice %arg5[%add3A_798, %dma_start3A_800, %dma_start3A_801] : memref<4096x200x64xf32, #tpu.memory_space<hbm>> -> memref<1x200x64xf32, #tpu.memory_space<hbm>>
    %dma_start3A_803 = tpu.memref_squeeze %dma_start3A_802 : memref<1x200x64xf32, #tpu.memory_space<hbm>> -> memref<200x64xf32, #tpu.memory_space<hbm>>
    %dma_start3A_804 = tpu.memref_slice %arg13[%dma_start3A_799] : memref<14x!tpu.dma_semaphore, #tpu.memory_space<semaphore_mem>> -> memref<1x!tpu.dma_semaphore, #tpu.memory_space<semaphore_mem>>
    %dma_start3A_805 = tpu.memref_squeeze %dma_start3A_804 : memref<1x!tpu.dma_semaphore, #tpu.memory_space<semaphore_mem>> -> memref<!tpu.dma_semaphore, #tpu.memory_space<semaphore_mem>>
    %dma_start3A_806 = arith.constant 0 : i32
    %dma_start3A_807 = arith.constant 0 : i32
    %dma_start3A_808 = tpu.memref_slice %arg5[%add3A_798, %dma_start3A_806, %dma_start3A_807] : memref<4096x200x64xf32, #tpu.memory_space<hbm>> -> memref<1x200x64xf32, #tpu.memory_space<hbm>>
    %dma_start3A_809 = tpu.memref_squeeze %dma_start3A_808 : memref<1x200x64xf32, #tpu.memory_space<hbm>> -> memref<200x64xf32, #tpu.memory_space<hbm>>
    tpu.enqueue_dma source(%arg10 : memref<200x64xf32, #tpu.memory_space<vmem>>) target(%dma_start3A_809 : memref<200x64xf32, #tpu.memory_space<hbm>>) target_semaphore(%dma_start3A_805 : memref<!tpu.dma_semaphore, #tpu.memory_space<semaphore_mem>>)
    %add3A_810 = arith.constant 125 : i32
    %add3A_811 = arith.addi %mul3A_2, %add3A_810 : i32
    %dma_wait3A_812 = arith.constant 11 : i32
    %dma_wait3A_813 = arith.constant 0 : i32
    %dma_wait3A_814 = arith.constant 0 : i32
    %dma_wait3A_815 = tpu.memref_slice %arg5[%add3A_811, %dma_wait3A_813, %dma_wait3A_814] : memref<4096x200x64xf32, #tpu.memory_space<hbm>> -> memref<1x200x64xf32, #tpu.memory_space<hbm>>
    %dma_wait3A_816 = tpu.memref_squeeze %dma_wait3A_815 : memref<1x200x64xf32, #tpu.memory_space<hbm>> -> memref<200x64xf32, #tpu.memory_space<hbm>>
    %dma_wait3A_817 = tpu.memref_slice %arg13[%dma_wait3A_812] : memref<14x!tpu.dma_semaphore, #tpu.memory_space<semaphore_mem>> -> memref<1x!tpu.dma_semaphore, #tpu.memory_space<semaphore_mem>>
    %dma_wait3A_818 = tpu.memref_squeeze %dma_wait3A_817 : memref<1x!tpu.dma_semaphore, #tpu.memory_space<semaphore_mem>> -> memref<!tpu.dma_semaphore, #tpu.memory_space<semaphore_mem>>
    %dma_wait3A_819 = arith.constant 0 : i32
    %dma_wait3A_820 = arith.constant 0 : i32
    %dma_wait3A_821 = tpu.memref_slice %arg5[%add3A_811, %dma_wait3A_819, %dma_wait3A_820] : memref<4096x200x64xf32, #tpu.memory_space<hbm>> -> memref<1x200x64xf32, #tpu.memory_space<hbm>>
    %dma_wait3A_822 = tpu.memref_squeeze %dma_wait3A_821 : memref<1x200x64xf32, #tpu.memory_space<hbm>> -> memref<200x64xf32, #tpu.memory_space<hbm>>
    tpu.wait_dma2 semaphore(%dma_wait3A_818 : memref<!tpu.dma_semaphore, #tpu.memory_space<semaphore_mem>>) src(%arg9 : memref<200x64xf32, #tpu.memory_space<vmem>>) dst(%dma_wait3A_822 : memref<200x64xf32, #tpu.memory_space<hbm>>)
    %dma_wait3A_823 = arith.constant 0 : i32
    %dma_wait3A_824 = arith.constant 9 : i32
    %dma_wait3A_825 = arith.constant 0 : i32
    %dma_wait3A_826 = arith.constant 0 : i32
    %dma_wait3A_827 = tpu.memref_slice %arg11[%dma_wait3A_825, %dma_wait3A_826] : memref<200x64xf32, #tpu.memory_space<vmem>> -> memref<100x64xf32, #tpu.memory_space<vmem>>
    %dma_wait3A_828 = arith.constant 0 : i32
    %dma_wait3A_829 = tpu.memref_slice %arg7[%dma_wait3A_823, %dma_wait3A_828] : memref<2x100xi32, #tpu.memory_space<vmem>> -> memref<1x100xi32, #tpu.memory_space<vmem>>
    %dma_wait3A_830 = tpu.memref_squeeze %dma_wait3A_829 : memref<1x100xi32, #tpu.memory_space<vmem>> -> memref<100xi32, #tpu.memory_space<vmem>>
    %dma_wait3A_831 = arith.constant 0 : i32
    %dma_wait3A_832 = arith.constant 0 : i32
    %dma_wait3A_833 = tpu.memref_slice %arg3[%dma_wait3A_831, %dma_wait3A_832] : memref<1000000x64xf32, #tpu.memory_space<hbm>> -> memref<1000000x64xf32, #tpu.memory_space<hbm>>
    %dma_wait3A_834 = tpu.memref_slice %arg13[%dma_wait3A_824] : memref<14x!tpu.dma_semaphore, #tpu.memory_space<semaphore_mem>> -> memref<1x!tpu.dma_semaphore, #tpu.memory_space<semaphore_mem>>
    %dma_wait3A_835 = tpu.memref_squeeze %dma_wait3A_834 : memref<1x!tpu.dma_semaphore, #tpu.memory_space<semaphore_mem>> -> memref<!tpu.dma_semaphore, #tpu.memory_space<semaphore_mem>>
    tpu.wait_indirect_dma semaphore(%dma_wait3A_835 : memref<!tpu.dma_semaphore, #tpu.memory_space<semaphore_mem>>) src(%dma_wait3A_833 : memref<1000000x64xf32, #tpu.memory_space<hbm>>) dst(%dma_wait3A_827 : memref<100x64xf32, #tpu.memory_space<vmem>>)
    %dma_wait3A_836 = arith.constant 1 : i32
    %dma_wait3A_837 = arith.constant 9 : i32
    %dma_wait3A_838 = arith.constant 100 : i32
    %dma_wait3A_839 = arith.constant 0 : i32
    %dma_wait3A_840 = tpu.memref_slice %arg11[%dma_wait3A_838, %dma_wait3A_839] : memref<200x64xf32, #tpu.memory_space<vmem>> -> memref<100x64xf32, #tpu.memory_space<vmem>>
    %dma_wait3A_841 = arith.constant 0 : i32
    %dma_wait3A_842 = tpu.memref_slice %arg7[%dma_wait3A_836, %dma_wait3A_841] : memref<2x100xi32, #tpu.memory_space<vmem>> -> memref<1x100xi32, #tpu.memory_space<vmem>>
    %dma_wait3A_843 = tpu.memref_squeeze %dma_wait3A_842 : memref<1x100xi32, #tpu.memory_space<vmem>> -> memref<100xi32, #tpu.memory_space<vmem>>
    %dma_wait3A_844 = arith.constant 0 : i32
    %dma_wait3A_845 = arith.constant 0 : i32
    %dma_wait3A_846 = tpu.memref_slice %arg3[%dma_wait3A_844, %dma_wait3A_845] : memref<1000000x64xf32, #tpu.memory_space<hbm>> -> memref<1000000x64xf32, #tpu.memory_space<hbm>>
    %dma_wait3A_847 = tpu.memref_slice %arg13[%dma_wait3A_837] : memref<14x!tpu.dma_semaphore, #tpu.memory_space<semaphore_mem>> -> memref<1x!tpu.dma_semaphore, #tpu.memory_space<semaphore_mem>>
    %dma_wait3A_848 = tpu.memref_squeeze %dma_wait3A_847 : memref<1x!tpu.dma_semaphore, #tpu.memory_space<semaphore_mem>> -> memref<!tpu.dma_semaphore, #tpu.memory_space<semaphore_mem>>
    tpu.wait_indirect_dma semaphore(%dma_wait3A_848 : memref<!tpu.dma_semaphore, #tpu.memory_space<semaphore_mem>>) src(%dma_wait3A_846 : memref<1000000x64xf32, #tpu.memory_space<hbm>>) dst(%dma_wait3A_840 : memref<100x64xf32, #tpu.memory_space<vmem>>)
    %add3A_849 = arith.constant 127 : i32
    %add3A_850 = arith.addi %mul3A_2, %add3A_849 : i32
    %dma_start3A_851 = arith.constant 13 : i32
    %dma_start3A_852 = arith.constant 0 : i32
    %dma_start3A_853 = arith.constant 0 : i32
    %dma_start3A_854 = tpu.memref_slice %arg5[%add3A_850, %dma_start3A_852, %dma_start3A_853] : memref<4096x200x64xf32, #tpu.memory_space<hbm>> -> memref<1x200x64xf32, #tpu.memory_space<hbm>>
    %dma_start3A_855 = tpu.memref_squeeze %dma_start3A_854 : memref<1x200x64xf32, #tpu.memory_space<hbm>> -> memref<200x64xf32, #tpu.memory_space<hbm>>
    %dma_start3A_856 = tpu.memref_slice %arg13[%dma_start3A_851] : memref<14x!tpu.dma_semaphore, #tpu.memory_space<semaphore_mem>> -> memref<1x!tpu.dma_semaphore, #tpu.memory_space<semaphore_mem>>
    %dma_start3A_857 = tpu.memref_squeeze %dma_start3A_856 : memref<1x!tpu.dma_semaphore, #tpu.memory_space<semaphore_mem>> -> memref<!tpu.dma_semaphore, #tpu.memory_space<semaphore_mem>>
    %dma_start3A_858 = arith.constant 0 : i32
    %dma_start3A_859 = arith.constant 0 : i32
    %dma_start3A_860 = tpu.memref_slice %arg5[%add3A_850, %dma_start3A_858, %dma_start3A_859] : memref<4096x200x64xf32, #tpu.memory_space<hbm>> -> memref<1x200x64xf32, #tpu.memory_space<hbm>>
    %dma_start3A_861 = tpu.memref_squeeze %dma_start3A_860 : memref<1x200x64xf32, #tpu.memory_space<hbm>> -> memref<200x64xf32, #tpu.memory_space<hbm>>
    tpu.enqueue_dma source(%arg11 : memref<200x64xf32, #tpu.memory_space<vmem>>) target(%dma_start3A_861 : memref<200x64xf32, #tpu.memory_space<hbm>>) target_semaphore(%dma_start3A_857 : memref<!tpu.dma_semaphore, #tpu.memory_space<semaphore_mem>>)
    %add3A_862 = arith.constant 126 : i32
    %add3A_863 = arith.addi %mul3A_2, %add3A_862 : i32
    %dma_wait3A_864 = arith.constant 12 : i32
    %dma_wait3A_865 = arith.constant 0 : i32
    %dma_wait3A_866 = arith.constant 0 : i32
    %dma_wait3A_867 = tpu.memref_slice %arg5[%add3A_863, %dma_wait3A_865, %dma_wait3A_866] : memref<4096x200x64xf32, #tpu.memory_space<hbm>> -> memref<1x200x64xf32, #tpu.memory_space<hbm>>
    %dma_wait3A_868 = tpu.memref_squeeze %dma_wait3A_867 : memref<1x200x64xf32, #tpu.memory_space<hbm>> -> memref<200x64xf32, #tpu.memory_space<hbm>>
    %dma_wait3A_869 = tpu.memref_slice %arg13[%dma_wait3A_864] : memref<14x!tpu.dma_semaphore, #tpu.memory_space<semaphore_mem>> -> memref<1x!tpu.dma_semaphore, #tpu.memory_space<semaphore_mem>>
    %dma_wait3A_870 = tpu.memref_squeeze %dma_wait3A_869 : memref<1x!tpu.dma_semaphore, #tpu.memory_space<semaphore_mem>> -> memref<!tpu.dma_semaphore, #tpu.memory_space<semaphore_mem>>
    %dma_wait3A_871 = arith.constant 0 : i32
    %dma_wait3A_872 = arith.constant 0 : i32
    %dma_wait3A_873 = tpu.memref_slice %arg5[%add3A_863, %dma_wait3A_871, %dma_wait3A_872] : memref<4096x200x64xf32, #tpu.memory_space<hbm>> -> memref<1x200x64xf32, #tpu.memory_space<hbm>>
    %dma_wait3A_874 = tpu.memref_squeeze %dma_wait3A_873 : memref<1x200x64xf32, #tpu.memory_space<hbm>> -> memref<200x64xf32, #tpu.memory_space<hbm>>
    tpu.wait_dma2 semaphore(%dma_wait3A_870 : memref<!tpu.dma_semaphore, #tpu.memory_space<semaphore_mem>>) src(%arg10 : memref<200x64xf32, #tpu.memory_space<vmem>>) dst(%dma_wait3A_874 : memref<200x64xf32, #tpu.memory_space<hbm>>)
    %add3A_875 = arith.constant 127 : i32
    %add3A_876 = arith.addi %mul3A_2, %add3A_875 : i32
    %dma_wait3A_877 = arith.constant 13 : i32
    %dma_wait3A_878 = arith.constant 0 : i32
    %dma_wait3A_879 = arith.constant 0 : i32
    %dma_wait3A_880 = tpu.memref_slice %arg5[%add3A_876, %dma_wait3A_878, %dma_wait3A_879] : memref<4096x200x64xf32, #tpu.memory_space<hbm>> -> memref<1x200x64xf32, #tpu.memory_space<hbm>>
    %dma_wait3A_881 = tpu.memref_squeeze %dma_wait3A_880 : memref<1x200x64xf32, #tpu.memory_space<hbm>> -> memref<200x64xf32, #tpu.memory_space<hbm>>
    %dma_wait3A_882 = tpu.memref_slice %arg13[%dma_wait3A_877] : memref<14x!tpu.dma_semaphore, #tpu.memory_space<semaphore_mem>> -> memref<1x!tpu.dma_semaphore, #tpu.memory_space<semaphore_mem>>
    %dma_wait3A_883 = tpu.memref_squeeze %dma_wait3A_882 : memref<1x!tpu.dma_semaphore, #tpu.memory_space<semaphore_mem>> -> memref<!tpu.dma_semaphore, #tpu.memory_space<semaphore_mem>>
    %dma_wait3A_884 = arith.constant 0 : i32
    %dma_wait3A_885 = arith.constant 0 : i32
    %dma_wait3A_886 = tpu.memref_slice %arg5[%add3A_876, %dma_wait3A_884, %dma_wait3A_885] : memref<4096x200x64xf32, #tpu.memory_space<hbm>> -> memref<1x200x64xf32, #tpu.memory_space<hbm>>
    %dma_wait3A_887 = tpu.memref_squeeze %dma_wait3A_886 : memref<1x200x64xf32, #tpu.memory_space<hbm>> -> memref<200x64xf32, #tpu.memory_space<hbm>>
    tpu.wait_dma2 semaphore(%dma_wait3A_883 : memref<!tpu.dma_semaphore, #tpu.memory_space<semaphore_mem>>) src(%arg11 : memref<200x64xf32, #tpu.memory_space<vmem>>) dst(%dma_wait3A_887 : memref<200x64xf32, #tpu.memory_space<hbm>>)
    return
  }
}

</mosaic_0001>

<sc_bundles>
// kernel: _embed.3.cloned.1.call-start
scs
__scs_entry_jumppad:
0x0: {  	(pc) =	sbr.rel $0x88, $3  }
0x1: {  	(tag) =	ssettag $0x0;
	lr =	simm.s32 $0x1  }
0x2: {  	[smem:$0x3F9E] =	sst lr;
	_ =	strace $0xD0000000  }
0x3: {  	_ = 	snop  }
0x4: {  	_ = 	snop  }
0x5: {  	_ = 	snop  }
0x6: {  	_ = 	snop  }
0x7: {  	_ = 	snop  }
__scs_overlays_trampoline_lowered:
0x8: {  	[smem:$0x3FAD] =	sst s0  }
0x9: {  	[smem:$0x3FAE] =	sst s1  }
0xa: {  	[smem:$0x3FAF] =	sst s2  }
0xb: {  	[smem:$0x3FB0] =	sst s3  }
0xc: {  	[smem:$0x3FB1] =	sst s4  }
0xd: {  	[smem:$0x3FB2] =	sst s5  }
0xe: {  	[smem:$0x3FB3] =	sst s6  }
0xf: {  	[smem:$0x3FB4] =	sst s7  }
0x10: {  	[smem:$0x3FB5] =	sst s8  }
0x11: {  	[smem:$0x3FB6] =	sst s9;
	s0 =	simm.s32 @!p0 $0x0  }
0x12: {  	s1 =	sld [smem:$0x3F9C];
	s0 =	simm.s32 @p0 $0x1  }
0x13: {  	[smem:$0x3FB7] =	sst s0;
	s0 =	simm.s32 @!p1 $0x0  }
0x14: {  	s2 =	sld [smem:$0x3F9B];
	s0 =	simm.s32 @p1 $0x1  }
0x15: {  	[smem:$0x3FB8] =	sst s0;
	s0 =	simm.s32 @!p2 $0x0  }
0x16: {  	s3 =	sld [smem:$0x3FDB];
	s0 =	simm.s32 @p2 $0x1  }
0x17: {  	s4 =	simm.s32 $0x1BF5;
	[smem:$0x3FBA] =	sst s0  }
0x18: {  	s0 =	sld [smem:$0x3F9D];
	_ =	swait.ge [sflag:s4], $0x0  }
0x19: {  	s7 =	sld [smem:$0x3F9E]  }
0x1a: {  	s8 =	sadd.s32 $0xFFFFE003, lr  }
0x1b: {  	s9 =	sadd.s32 $0xFFFFFEF7, lr;
	s5 =	simm.s32 $0xFFFFFFFF;
	p2 =	slt.u32 s8, $0xFFFFF086  }
0x1c: {  	p1 =	slt.u32 s9, $0xF7A;
	s5 =	simm.s32 @!p2 $0x0  }
0x1d: {  	s5 =	simm.s32 @p1 $0x1;
	p0 =	seq.s32 s7, s2  }
0x1e: {  	s7 =	smul.u32 @!p0 $0xF7A, s2;
	p2 =	seq.s32 @!p0 s5, $0x0  }
0x1f: {  	s9 =	smul.u32 $0xF7A, s1;
	s8 =	simm.s32 @!p0 $0x1BF5;
	p2 =	por !p2, p0  }
0x20: {  	[sflag:s8] =	ssyncset.s32 @!p0 $0xFFFFF086;
	s6 =	sadd.s32 @!p0 s3, s7;
	s7 =	simm.s32 @!p0 $0x108  }
0x21: {  	s3 =	sadd.s32 s3, s9;
	s6 =	sadd.s32 @!p0 $0x88, s6;
	s7 =	simm.s32 @p2 $0x1082  }
0x22: {  	[simem:s7], [sflag:s8] =	dma.local @!p0 [hbm:s6], $0xF7A  }
0x23: {  	s9 =	sor.u32 $0xD0000000, s2;
	s6 =	simm.s32 $0x108;
	_ =	swait.ge @!p0 [sflag:s8], $0x0  }
0x24: {  	s3 =	sadd.s32 $0x88, s3;
	s6 =	simm.s32 @!p1 $0x1082;
	[sflag:s4] =	ssyncset.s32 $0xFFFFF086  }
0x25: {  	[simem:s6], [sflag:s4] =	dma.local [hbm:s3], $0xF7A  }
0x26: {  	[smem:$0x3F9E] =	sst s1;
	(tag) =	ssettag s2;
	_ =	strace s9  }
0x27: {  	s1 =	sld [smem:$0x3FAE]  }
0x28: {  	s2 =	sld [smem:$0x3FAF]  }
0x29: {  	s4 =	sld [smem:$0x3FB1]  }
0x2a: {  	p0 =	seq.s32 s5, $0x0;
	s5 =	sld [smem:$0x3FB2]  }
0x2b: {  	s6 =	sld [smem:$0x3FB3]  }
0x2c: {  	s7 =	sld [smem:$0x3FB4]  }
0x2d: {  	s3 =	simm.s32 $0x108;
	s8 =	sld [smem:$0x3FB5]  }
0x2e: {  	s3 =	simm.s32 @!p0 $0x1082;
	s9 =	sld [smem:$0x3FB6]  }
0x2f: {  	lr =	sadd.s32 s0, s3;
	s0 =	sld [smem:$0x3FAD]  }
0x30: {  	s3 =	sld [smem:$0x3FB0]  }
0x31: {  	[smem:$0x3FB9] =	sst s10  }
0x32: {  	s10 =	sld [smem:$0x3FB7];
	_ =	sdelay $0x3  }
0x33: {  	p0 =	seq.s32 s10, $0x1;
	s10 =	sld [smem:$0x3FB9];
	_ =	sdelay $0x3  }
0x34: {  	[smem:$0x3FB9] =	sst s10  }
0x35: {  	s10 =	sld [smem:$0x3FB8];
	_ =	sdelay $0x3  }
0x36: {  	p1 =	seq.s32 s10, $0x1;
	s10 =	sld [smem:$0x3FB9];
	_ =	sdelay $0x3  }
0x37: {  	[smem:$0x3FB9] =	sst s10  }
0x38: {  	s10 =	sld [smem:$0x3FBA]  }
0x39: {  	_ = 	snop;
	(pc) =	sbr.ind lr, $3  }
0x3a: {  	_ = 	snop  }
0x3b: {  	_ = 	snop  }
0x3c: {  	p2 =	seq.s32 s10, $0x1;
	s10 =	sld [smem:$0x3FB9]  }
0x3d: {  	_ =	shalt  }
0x3e: {  	_ =	shalt  }
0x3f: {  	_ =	shalt  }
0x40: {  	_ =	shalt  }
0x41: {  	_ =	shalt  }
0x42: {  	_ =	shalt  }
0x43: {  	_ =	shalt  }
0x44: {  	_ =	shalt  }
0x45: {  	_ =	shalt  }
0x46: {  	_ =	shalt  }
0x47: {  	_ =	shalt  }
0x48: {  	_ =	shalt  }
0x49: {  	_ =	shalt  }
0x4a: {  	_ =	shalt  }
0x4b: {  	_ =	shalt  }
0x4c: {  	_ =	shalt  }
0x4d: {  	_ =	shalt  }
0x4e: {  	_ =	shalt  }
0x4f: {  	_ =	shalt  }
0x50: {  	_ =	shalt  }
0x51: {  	_ =	shalt  }
0x52: {  	_ =	shalt  }
0x53: {  	_ =	shalt  }
0x54: {  	_ =	shalt  }
0x55: {  	_ =	shalt  }
0x56: {  	_ =	shalt  }
0x57: {  	_ =	shalt  }
0x58: {  	_ =	shalt  }
0x59: {  	_ =	shalt  }
0x5a: {  	_ =	shalt  }
0x5b: {  	_ =	shalt  }
0x5c: {  	_ =	shalt  }
0x5d: {  	_ =	shalt  }
0x5e: {  	_ =	shalt  }
0x5f: {  	_ =	shalt  }
0x60: {  	_ =	shalt  }
0x61: {  	_ =	shalt  }
0x62: {  	_ =	shalt  }
0x63: {  	_ =	shalt  }
0x64: {  	_ =	shalt  }
0x65: {  	_ =	shalt  }
0x66: {  	_ =	shalt  }
0x67: {  	_ =	shalt  }
0x68: {  	_ =	shalt  }
0x69: {  	_ =	shalt  }
0x6a: {  	_ =	shalt  }
0x6b: {  	_ =	shalt  }
0x6c: {  	_ =	shalt  }
0x6d: {  	_ =	shalt  }
0x6e: {  	_ =	shalt  }
0x6f: {  	_ =	shalt  }
0x70: {  	_ =	shalt  }
0x71: {  	_ =	shalt  }
0x72: {  	_ =	shalt  }
0x73: {  	_ =	shalt  }
0x74: {  	_ =	shalt  }
0x75: {  	_ =	shalt  }
0x76: {  	_ =	shalt  }
0x77: {  	_ =	shalt  }
0x78: {  	_ =	shalt  }
0x79: {  	_ =	shalt  }
0x7a: {  	_ =	shalt  }
0x7b: {  	_ =	shalt  }
0x7c: {  	_ =	shalt  }
0x7d: {  	_ =	shalt  }
0x7e: {  	_ =	shalt  }
0x7f: {  	_ =	shalt  }
0x80: {  	_ =	shalt  }
0x81: {  	_ =	shalt  }
0x82: {  	_ =	shalt  }
0x83: {  	_ =	shalt  }
0x84: {  	_ =	shalt  }
0x85: {  	_ =	shalt  }
0x86: {  	_ =	shalt  }
0x87: {  	_ =	shalt  }
.Lfunc_end0:
.L_simem_size_0:
called_computation.1_lowered:
.L_overlay_start_0:
0x88: {  	s2 =	sld [smem:$0x3FD9]  }
0x89: {  	s3 =	sld [smem:$0x3FFE];
	_ =	sdelay $0x1  }
0x8a: {  	s1 =	srdreg.scid  }
0x8b: {  	s0 =	sand.u32 $0x1, s1  }
0x8c: {  	s17 =	sshll.u32 s0, $0xA;
	s2 =	sadd.s32 s3, s2  }
0x8d: {  	s2 =	sadd.s32 s2, s17  }
0x8e: {  	[smem:$0x3FC5] =	sst s2  }
0x8f: {  	_ = 	snop  }
0x90: {  	s2 =	sld [smem:$0x3FD0];
	(tm) =	ssettm $0x1  }
0x91: {  	s18 =	sld [smem:$0x3FFB];
	_ =	sdelay $0x3  }
0x92: {  	_ =	strace s18  }
0x93: {  	s3 =	sld [smem:$0x3FFC];
	_ =	sdelay $0x3  }
0x94: {  	_ =	strace s3  }
0x95: {  	s3 =	sld [smem:$0x3FFD];
	_ =	sdelay $0x3  }
0x96: {  	_ =	strace s3  }
0x97: {  	_ =	strace $0x8FFFFFFF  }
0x98: {  	s19 =	sld [smem:$0x3FDB];
	_ =	sdelay $0x1  }
0x99: {  	s4 =	simm.s32 $_scs_section_size  }
0x9a: {  	s5 =	simm.s32 $_size__tile_overlayer_lowered;
	s6 =	simm.s32 $_tile_overlayer_lowered  }
0x9b: {  	s22 =	simm.s32 $0x1BFF;
	s21 =	sshll.u32 s6, $0x1;
	s3 =	sadd.s32 s4, s19  }
0x9c: {  	s7 =	simm.s32 $0x0;
	s20 =	sshll.u32 s5, $0x1;
	s5 =	sadd.s32 s21, s3  }
0x9d: {  	[timem:s7], [sflag:s22] =	dma.local [hbm:s5], s20  }
0x9e: {  	_ =	swait.ge [sflag:s22], s20  }
0x9f: {  	s4 =	ssub.s32 $0x0, s20;
	[sflag:s22] =	ssyncset.done $0x0  }
0xa0: {  	[sflag:s22] =	ssyncadd.s32 s4;
	_ =	sdelay $0x1  }
0xa1: {  	s23 =	simm.s32 $0x1B8B  }
0xa2: {  	_ =	swait.ge [sflag:s23], $0x1  }
0xa3: {  	[sflag:s23] =	ssyncset.done $0x0  }
0xa4: {  	s25 =	simm.s32 $0x1B8E;
	s24 =	sld [smem:$0x3FFE];
	[sflag:s23] =	ssyncadd.s32 $0xFFFFFFFF  }
0xa5: {  	s26 =	simm.s32 $execute0_lowered;
	[smem:$0x3FD2] =	sst s25  }
0xa6: {  	s5 =	sshll.u32 s26, $0x1;
	_ =	strace $0x80000046;
	[dreg:$0x1] =	wrdreg $0xFFFFFFFF  }
0xa7: {  	s28 =	simm.s32 $_size_execute0_lowered;
	s3 =	sadd.s32 s3, s5;
	[dreg:$0x0] =	wrdreg $0x0  }
0xa8: {  	s5 =	sshll.u32 s28, $0x1;
	[dreg:$0x2] =	wrdreg s3  }
0xa9: {  	[dreg:$0x3] =	wrdreg s5  }
0xaa: {  	[dreg:$0x4] =	wrdreg $0xC0  }
0xab: {  	_ =	task [dreg:s7], $0x5FFFF  }
0xac: {  	[dreg:$0x1] =	wrdreg $0xFFFFFFFF  }
0xad: {  	[dreg:$0x0] =	wrdreg $0x60  }
0xae: {  	[dreg:$0x2] =	wrdreg s24  }
0xaf: {  	[dreg:$0x3] =	wrdreg s2  }
0xb0: {  	[dreg:$0x4] =	wrdreg $0xC9A00  }
0xb1: {  	[dreg:$0x5] =	wrdreg $0x9  }
0xb2: {  	_ =	task.clear_ibuf [dreg:s7], $0x6FFFF;
	_ =	strace $0x90000046  }
0xb3: {  	s29 =	simm.s32 $0x9;
	_ =	strace $0x80000048  }
0xb4: {  	_ =	swait.ge [sflag:s29], $0x1  }
0xb5: {  	[sflag:s29] =	ssyncadd.s32 $0xFFFFFFFF  }
0xb6: {  	_ =	strace $0x90000048  }
0xb7: {  	_ =	sfence  }
0xb8: {  	s30 =	sld [smem:$0x0];
	_ =	sdelay $0x2  }
0xb9: {  	s31 =	sshll.u32 s1, $0xD;
	s1 =	sshrl.u32 s1, $0x2  }
0xba: {  	s3 =	sand.u32 $0x4000, s31;
	s1 =	sadd.s32 s1, s30  }
0xbb: {  	s0 =	sor.u32 s3, s0;
	s1 =	sshll.u32 s1, $0x11  }
0xbc: {  	s0 =	sor.u32 s1, s0  }
0xbd: {  	s0 =	sadd.s32 $0x8F2B, s0  }
0xbe: {  	[sflag:s0] =	ssyncadd.remote.s32 $0x1  }
0xbf: {  	_ =	sfence.sel $0xFFFF  }
0xc0: {  	[dreg:$0x0] =	wrdreg $0xFFFFFFFF;
	(pc) =	sbr.abs _section_cstart, $3  }
0xc1: {  	[dreg:$0x1] =	wrdreg $0xFFFFFFFF  }
0xc2: {  	_ =	task.clear_ibuf [dreg:s7], $0x2FFFF;
	_ =	strace $0x9FFFFFFF  }
0xc3: {  	(tm) =	ssettm $0x7FFFFFFF  }
tec
execute0_lowered:
.L_overlay_start_1:
0x0: {  	(tag) =	ssettag $0x1  }
0x1: {  	s1 =	srdreg.scid  }
0x2: {  	s0 =	stileid.u32;
	s4 =	sand.u32 $0x1, s1  }
0x3: {  	s19 =	sshll.u32 s0, $0x8;
	s2 =	sshll.u32 s4, $0x7  }
0x4: {  	s5 =	rddreg [dreg:$0x0];
	s7 =	sor.u32 s2, s19  }
0x5: {  	s6 =	rddreg [dreg:$0x1];
	s28 =	simm.s32 $0x64;
	s8 =	smul.u32 $0x1A, s7  }
0x6: {  	s29 =	simm.s32 $0x68;
	s31 =	simm.s32 $0xD0;
	s11 =	smul.u32 $0x640, s7  }
0x7: {  	s1 =	rddreg [dreg:$0x2];
	s9 =	sor.u32 $0x1, s7;
	s16 =	smul.u32 $0x3200, s7  }
0x8: {  	s14 =	sadd.s32 $0xC00, s5;
	s12 =	sor.u32 $0x2, s7;
	s10 =	smul.u32 $0x1A, s9  }
0x9: {  	s3 =	sadd.s32 $0xF43000, s5;
	s5 =	sadd.s32 $0x1AC00, s5;
	s13 =	smul.u32 $0x1A, s12  }
0xa: {  	p0 =	sne.s32 s0, $0x0;
	s20 =	ssub.s32 $0x2, s4;
	s9 =	smul.u32 $0x640, s9  }
0xb: {  	s2 =	simm.s32 $0x0;
	s17 =	sor.u32 $0x7D, s7;
	s12 =	smul.u32 $0x640, s12  }
0xc: {  	s15 =	sshrl.u32 s20, $0x1;
	s18 =	sor.u32 $0x7E, s7;
	s21 =	smul.u32 $0x1A, s17  }
0xd: {  	[smem:$0x7FF] =	sst s2;
	s7 =	sor.u32 $0x7F, s7;
	s23 =	smul.u32 $0x1A, s18  }
0xe: {  	_ =	strace $0x80000047;
	[dreg:$0x5] =	wrdreg s5;
	s26 =	smul.u32 $0x1A, s7  }
0xf: {  	s5 =	ssub.s32 s20, s15;
	s20 =	smul.u32 $0x640, s18;
	s24 =	sadd.s32 s6, s11  }
0x10: {  	s7 =	smul.u32 $0x640, s7;
	s19 =	sadd.s32 s14, s8;
	[dreg:$0x8] =	wrdreg s24  }
0x11: {  	s15 =	simm.s32 $0x6;
	s5 =	smax.u32 s5, $0x1;
	[dreg:$0x6] =	wrdreg s19  }
0x12: {  	s18 =	simm.s32 $0xC;
	s22 =	sadd.s32 s14, s10;
	[dreg:$0x16] =	wrdreg s5  }
0x13: {  	s11 =	simm.s32 $0x5;
	s25 =	sadd.s32 s14, s13;
	[dreg:$0x7] =	wrdreg s22  }
0x14: {  	s10 =	smul.u32 $0x640, s17;
	s9 =	sadd.s32 s6, s9;
	[dreg:$0x9] =	wrdreg s25  }
0x15: {  	s30 =	sadd.s32 $0x4E, s19;
	s12 =	sadd.s32 s6, s12;
	[dreg:$0xa] =	wrdreg s9  }
0x16: {  	s13 =	smul.u32 $0x1A00, s0;
	s17 =	sadd.s32 s14, s21;
	[dreg:$0xb] =	wrdreg s30  }
0x17: {  	s8 =	sadd.s32 s14, s23;
	s23 =	sadd.s32 $0x68, s19;
	[dreg:$0xc] =	wrdreg s12  }
0x18: {  	s24 =	sshrl.u32 s16, $0x3;
	s7 =	sadd.s32 s6, s7;
	[dreg:$0xd] =	wrdreg s17  }
0x19: {  	s19 =	simm.s32 $0xA;
	s16 =	simm.s32 $0xB0A0;
	[dreg:$0xe] =	wrdreg s8  }
0x1a: {  	s9 =	sadd.s32 s14, s26;
	s22 =	smul.u32 $0xD00, s4;
	[dreg:$0x10] =	wrdreg s23  }
0x1b: {  	s12 =	sadd.s32 s6, s24;
	s25 =	smul.u32 $0x64000, s0;
	s8 =	sadd.s32 s6, s20  }
0x1c: {  	s4 =	smul.u32 $0x32000, s4;
	[dreg:$0x13] =	wrdreg s7;
	s23 =	simm.s32 $0x1A0  }
0x1d: {  	s24 =	simm.s32 $0x33A0;
	s0 =	simm.s32 $0x65A0;
	s7 =	simm.s32 $0x138  }
0x1e: {  	s17 =	simm.s32 $0x9;
	s20 =	simm.s32 $0xD;
	[dreg:$0xf] =	wrdreg s9  }
0x1f: {  	s21 =	sadd.s32 s13, s14;
	s10 =	sadd.s32 s6, s10;
	[dreg:$0x12] =	wrdreg s8  }
0x20: {  	s26 =	sadd.s32 $0x300C0, s12;
	s30 =	sadd.s32 $0x30700, s12;
	s13 =	simm.s32 $0x8  }
0x21: {  	s14 =	simm.s32 $0xB;
	s8 =	simm.s32 $0x0;
	[dreg:$0x11] =	wrdreg s10  }
0x22: {  	s9 =	sadd.s32 s22, s21;
	s6 =	sadd.s32 s25, s6;
	[dreg:$0x14] =	wrdreg s26  }
0x23: {  	[dreg:$0x15] =	wrdreg s30;
	s25 =	simm.s32 $0x1;
	s26 =	simm.s32 $0x3  }
0x24: {  	s10 =	simm.s32 $0x97A0;
	s21 =	simm.s32 $0xE;
	s4 =	sadd.s32 s4, s6  }
0x25: {  	[dreg:$0x4] =	wrdreg s9;
	s6 =	simm.s32 $0x4;
	s4 =	sadd.s32 $0x2580, s4  }
0x26: {  	s9 =	simm.s32 $0x7;
	[dreg:$0x17] =	wrdreg s4;
	s4 =	simm.s32 $0x2  }
.LBB2_1:
0x27: {  	[dreg:$0x18] =	wrdreg s8  }
0x28: {  	s5 =	simm.s32 @!p0 $0x0;
	s22 =	simm.s32 @!p0 $0x1A0;
	s8 =	rddreg [dreg:$0x5]  }
0x29: {  	[tilespmem:s22], [sflag:$0xF] =	stream.linear.gather @!p0 [hbm4b:s8+s5], $0x3200, $0x38;
	[tilespmem:$0xCCC0] =	vst v63  }
0x2a: {  	s5 =	simm.s32 @!p0 $0xF  }
0x2b: {  	_ =	swait.ge @!p0 [sflag:s5], $0x3200  }
0x2c: {  	[sflag:s5] =	ssyncset.done @!p0 $0x0  }
0x2d: {  	[sflag:s5] =	ssyncadd.s32 @!p0 $0xFFFFCE00  }
0x2e: {  	[spmem:s1] =	stream.linear.scatter @!p0 [tilespmem:s22], [sflag:$0xF], $0x3200, $0x38;
	[tilespmem:$0xCCC0] =	vst v63  }
0x2f: {  	_ =	swait.ge @!p0 [sflag:s5], $0x3200  }
0x30: {  	[sflag:s5] =	ssyncset.done @!p0 $0x0  }
0x31: {  	[sflag:s5] =	ssyncadd.s32 @!p0 $0xFFFFCE00  }
0x32: {  	[bflag:$0x0] =	sbarrier.arrive $0xFFFF  }
0x33: {  	s8 =	rddreg [dreg:$0x6]  }
0x34: {  	[tilespmem:s2], [sflag:$0x1] =	stream.linear.gather [hbm4b:s8+s2], $0xD0, $0x38;
	[tilespmem:$0xCCC0] =	vst v63  }
0x35: {  	_ = 	snop  }
0x36: {  	[tilespmem:s23], [sflag:$0x3] =	stream.linear.gather [spmem:s1], $0x3200, $0x38;
	[tilespmem:$0xCCC0] =	vst v63  }
0x37: {  	_ = 	snop  }
0x38: {  	[tilespmem:s24], [sflag:$0x4] =	stream.linear.gather [spmem:s1], $0x3200, $0x38;
	[tilespmem:$0xCCC0] =	vst v63  }
0x39: {  	_ =	swait.ge [sflag:s25], $0xD0  }
0x3a: {  	[sflag:s25] =	ssyncset.done $0x0  }
0x3b: {  	[sflag:s25] =	ssyncadd.s32 $0xFFFFFF30  }
0x3c: {  	_ =	swait.ge [sflag:s26], $0x3200  }
0x3d: {  	[sflag:s26] =	ssyncset.done $0x0  }
0x3e: {  	[sflag:s26] =	ssyncadd.s32 $0xFFFFCE00  }
0x3f: {  	[tilespmem:s23], [sflag:$0x7] =	stream.indirect.gather.add.f32 [hbm:s3], $0x40, s2, s28, $0xb8;
	[tilespmem:$0xCCC0] =	vst v63  }
0x40: {  	s8 =	simm.s32 $0x1AA0  }
0x41: {  	[tilespmem:s8], [sflag:$0x7] =	stream.indirect.gather.add.f32 [hbm:s3], $0x40, s29, s28, $0xb8;
	[tilespmem:$0xCCC0] =	vst v63  }
0x42: {  	s12 =	rddreg [dreg:$0x7]  }
0x43: {  	[tilespmem:s31], [sflag:$0x2] =	stream.linear.gather [hbm4b:s12+s2], $0xD0, $0x38;
	[tilespmem:$0xCCC0] =	vst v63  }
0x44: {  	_ = 	snop  }
0x45: {  	[tilespmem:s0], [sflag:$0x5] =	stream.linear.gather [spmem:s1], $0x3200, $0x38;
	[tilespmem:$0xCCC0] =	vst v63  }
0x46: {  	_ =	swait.ge [sflag:s4], $0xD0  }
0x47: {  	[sflag:s4] =	ssyncset.done $0x0  }
0x48: {  	[sflag:s4] =	ssyncadd.s32 $0xFFFFFF30  }
0x49: {  	_ =	swait.ge [sflag:s6], $0x3200  }
0x4a: {  	[sflag:s6] =	ssyncset.done $0x0  }
0x4b: {  	[sflag:s6] =	ssyncadd.s32 $0xFFFFCE00  }
0x4c: {  	[tilespmem:s24], [sflag:$0x8] =	stream.indirect.gather.add.f32 [hbm:s3], $0x40, s31, s28, $0xb8;
	[tilespmem:$0xCCC0] =	vst v63  }
0x4d: {  	s12 =	simm.s32 $0x4CA0  }
0x4e: {  	[tilespmem:s12], [sflag:$0x8] =	stream.indirect.gather.add.f32 [hbm:s3], $0x40, s7, s28, $0xb8;
	[tilespmem:$0xCCC0] =	vst v63  }
0x4f: {  	_ =	swait.ge [sflag:s9], $0x1900  }
0x50: {  	[sflag:s9] =	ssyncset.done $0x0  }
0x51: {  	[sflag:s9] =	ssyncadd.s32 $0xFFFFE700  }
0x52: {  	_ =	swait.ge [sflag:s9], $0x1900  }
0x53: {  	[sflag:s9] =	ssyncset.done $0x0  }
0x54: {  	s22 =	rddreg [dreg:$0x8];
	[sflag:s9] =	ssyncadd.s32 $0xFFFFE700  }
0x55: {  	[hbm4b:s22+s2] =	stream.linear.scatter [tilespmem:s23], [sflag:$0xB], $0x3200, $0x38;
	[tilespmem:$0xCCC0] =	vst v63  }
0x56: {  	s30 =	rddreg [dreg:$0x9]  }
0x57: {  	[tilespmem:s2], [sflag:$0x1] =	stream.linear.gather [hbm4b:s30+s2], $0xD0, $0x38;
	[tilespmem:$0xCCC0] =	vst v63  }
0x58: {  	_ = 	snop  }
0x59: {  	[tilespmem:s10], [sflag:$0x6] =	stream.linear.gather [spmem:s1], $0x3200, $0x38;
	[tilespmem:$0xCCC0] =	vst v63  }
0x5a: {  	_ =	swait.ge [sflag:s25], $0xD0  }
0x5b: {  	[sflag:s25] =	ssyncset.done $0x0  }
0x5c: {  	[sflag:s25] =	ssyncadd.s32 $0xFFFFFF30  }
0x5d: {  	_ =	swait.ge [sflag:s11], $0x3200  }
0x5e: {  	[sflag:s11] =	ssyncset.done $0x0  }
0x5f: {  	[sflag:s11] =	ssyncadd.s32 $0xFFFFCE00  }
0x60: {  	[tilespmem:s0], [sflag:$0x9] =	stream.indirect.gather.add.f32 [hbm:s3], $0x40, s2, s28, $0xb8;
	[tilespmem:$0xCCC0] =	vst v63  }
0x61: {  	s30 =	simm.s32 $0x7EA0  }
0x62: {  	[tilespmem:s30], [sflag:$0x9] =	stream.indirect.gather.add.f32 [hbm:s3], $0x40, s29, s28, $0xb8;
	[tilespmem:$0xCCC0] =	vst v63  }
0x63: {  	_ =	swait.ge [sflag:s13], $0x1900  }
0x64: {  	[sflag:s13] =	ssyncset.done $0x0  }
0x65: {  	[sflag:s13] =	ssyncadd.s32 $0xFFFFE700  }
0x66: {  	_ =	swait.ge [sflag:s13], $0x1900  }
0x67: {  	[sflag:s13] =	ssyncset.done $0x0  }
0x68: {  	s22 =	rddreg [dreg:$0xa];
	[sflag:s13] =	ssyncadd.s32 $0xFFFFE700  }
0x69: {  	[hbm4b:s22+s2] =	stream.linear.scatter [tilespmem:s24], [sflag:$0xC], $0x3200, $0x38;
	[tilespmem:$0xCCC0] =	vst v63  }
0x6a: {  	s22 =	rddreg [dreg:$0xb]  }
0x6b: {  	[tilespmem:s31], [sflag:$0x2] =	stream.linear.gather [hbm4b:s22+s2], $0xD0, $0x38;
	[tilespmem:$0xCCC0] =	vst v63  }
0x6c: {  	_ =	swait.ge [sflag:s14], $0x3200  }
0x6d: {  	[sflag:s14] =	ssyncset.done $0x0  }
0x6e: {  	[sflag:s14] =	ssyncadd.s32 $0xFFFFCE00  }
0x6f: {  	[tilespmem:s23], [sflag:$0x3] =	stream.linear.gather [spmem:s1], $0x3200, $0x38;
	[tilespmem:$0xCCC0] =	vst v63  }
0x70: {  	_ =	swait.ge [sflag:s4], $0xD0  }
0x71: {  	[sflag:s4] =	ssyncset.done $0x0  }
0x72: {  	[sflag:s4] =	ssyncadd.s32 $0xFFFFFF30  }
0x73: {  	_ =	swait.ge [sflag:s15], $0x3200  }
0x74: {  	[sflag:s15] =	ssyncset.done $0x0  }
0x75: {  	[sflag:s15] =	ssyncadd.s32 $0xFFFFCE00  }
0x76: {  	[tilespmem:s10], [sflag:$0xA] =	stream.indirect.gather.add.f32 [hbm:s3], $0x40, s31, s28, $0xb8;
	[tilespmem:$0xCCC0] =	vst v63  }
0x77: {  	s22 =	simm.s32 $0xB0A0  }
0x78: {  	[tilespmem:s22], [sflag:$0xA] =	stream.indirect.gather.add.f32 [hbm:s3], $0x40, s7, s28, $0xb8;
	[tilespmem:$0xCCC0] =	vst v63  }
0x79: {  	_ =	swait.ge [sflag:s17], $0x1900  }
0x7a: {  	[sflag:s17] =	ssyncset.done $0x0  }
0x7b: {  	[sflag:s17] =	ssyncadd.s32 $0xFFFFE700  }
0x7c: {  	_ =	swait.ge [sflag:s17], $0x1900  }
0x7d: {  	[sflag:s17] =	ssyncset.done $0x0  }
0x7e: {  	s22 =	rddreg [dreg:$0xc];
	[sflag:s17] =	ssyncadd.s32 $0xFFFFE700  }
0x7f: {  	[hbm4b:s22+s2] =	stream.linear.scatter [tilespmem:s0], [sflag:$0xD], $0x3200, $0x38;
	[tilespmem:$0xCCC0] =	vst v63  }
0x80: {  	s22 =	rddreg [dreg:$0x10]  }
0x81: {  	[tilespmem:s2], [sflag:$0x1] =	stream.linear.gather [hbm4b:s22+s2], $0xD0, $0x38;
	[tilespmem:$0xCCC0] =	vst v63  }
0x82: {  	_ =	swait.ge [sflag:s18], $0x3200  }
0x83: {  	[sflag:s18] =	ssyncset.done $0x0  }
0x84: {  	[sflag:s18] =	ssyncadd.s32 $0xFFFFCE00  }
0x85: {  	[tilespmem:s24], [sflag:$0x4] =	stream.linear.gather [spmem:s1], $0x3200, $0x38;
	[tilespmem:$0xCCC0] =	vst v63  }
0x86: {  	_ =	swait.ge [sflag:s25], $0xD0  }
0x87: {  	[sflag:s25] =	ssyncset.done $0x0  }
0x88: {  	[sflag:s25] =	ssyncadd.s32 $0xFFFFFF30  }
0x89: {  	_ =	swait.ge [sflag:s26], $0x3200  }
0x8a: {  	[sflag:s26] =	ssyncset.done $0x0  }
0x8b: {  	[sflag:s26] =	ssyncadd.s32 $0xFFFFCE00  }
0x8c: {  	[tilespmem:s23], [sflag:$0x7] =	stream.indirect.gather.add.f32 [hbm:s3], $0x40, s2, s28, $0xb8;
	[tilespmem:$0xCCC0] =	vst v63  }
0x8d: {  	_ = 	snop  }
0x8e: {  	[tilespmem:s8], [sflag:$0x7] =	stream.indirect.gather.add.f32 [hbm:s3], $0x40, s29, s28, $0xb8;
	[tilespmem:$0xCCC0] =	vst v63  }
0x8f: {  	_ =	swait.ge [sflag:s19], $0x1900  }
0x90: {  	[sflag:s19] =	ssyncset.done $0x0  }
0x91: {  	[sflag:s19] =	ssyncadd.s32 $0xFFFFE700  }
0x92: {  	_ =	swait.ge [sflag:s19], $0x1900  }
0x93: {  	s5 =	rddreg [dreg:$0x4]  }
0x94: {  	[sflag:s19] =	ssyncset.done $0x0;
	s8 =	rddreg [dreg:$0x17]  }
0x95: {  	[sflag:s19] =	ssyncadd.s32 $0xFFFFE700;
	s22 =	sadd.s32 $0xFFFFED40, s8;
	s5 =	sadd.s32 $0x0, s5  }
0x96: {  	[hbm4b:s22+s2] =	stream.linear.scatter [tilespmem:s10], [sflag:$0xE], $0x3200, $0x38;
	[tilespmem:$0xCCC0] =	vst v63  }
0x97: {  	s22 =	sadd.s32 $0x82, s5  }
0x98: {  	[tilespmem:s31], [sflag:$0x2] =	stream.linear.gather [hbm4b:s22+s2], $0xD0, $0x38;
	[tilespmem:$0xCCC0] =	vst v63  }
0x99: {  	_ =	swait.ge [sflag:s20], $0x3200  }
0x9a: {  	[sflag:s20] =	ssyncset.done $0x0  }
0x9b: {  	[sflag:s20] =	ssyncadd.s32 $0xFFFFCE00  }
0x9c: {  	[tilespmem:s0], [sflag:$0x5] =	stream.linear.gather [spmem:s1], $0x3200, $0x38;
	[tilespmem:$0xCCC0] =	vst v63  }
0x9d: {  	_ =	swait.ge [sflag:s4], $0xD0  }
0x9e: {  	[sflag:s4] =	ssyncset.done $0x0  }
0x9f: {  	[sflag:s4] =	ssyncadd.s32 $0xFFFFFF30  }
0xa0: {  	_ =	swait.ge [sflag:s6], $0x3200  }
0xa1: {  	[sflag:s6] =	ssyncset.done $0x0  }
0xa2: {  	[sflag:s6] =	ssyncadd.s32 $0xFFFFCE00  }
0xa3: {  	[tilespmem:s24], [sflag:$0x8] =	stream.indirect.gather.add.f32 [hbm:s3], $0x40, s31, s28, $0xb8;
	[tilespmem:$0xCCC0] =	vst v63  }
0xa4: {  	_ = 	snop  }
0xa5: {  	[tilespmem:s12], [sflag:$0x8] =	stream.indirect.gather.add.f32 [hbm:s3], $0x40, s7, s28, $0xb8;
	[tilespmem:$0xCCC0] =	vst v63  }
0xa6: {  	_ =	swait.ge [sflag:s9], $0x1900  }
0xa7: {  	[sflag:s9] =	ssyncset.done $0x0  }
0xa8: {  	[sflag:s9] =	ssyncadd.s32 $0xFFFFE700  }
0xa9: {  	_ =	swait.ge [sflag:s9], $0x1900  }
0xaa: {  	[sflag:s9] =	ssyncset.done $0x0  }
0xab: {  	s12 =	sadd.s32 $0xFFFFF380, s8;
	[sflag:s9] =	ssyncadd.s32 $0xFFFFE700  }
0xac: {  	[hbm4b:s12+s2] =	stream.linear.scatter [tilespmem:s23], [sflag:$0xB], $0x3200, $0x38;
	[tilespmem:$0xCCC0] =	vst v63  }
0xad: {  	s12 =	sadd.s32 $0x9C, s5  }
0xae: {  	[tilespmem:s2], [sflag:$0x1] =	stream.linear.gather [hbm4b:s12+s2], $0xD0, $0x38;
	[tilespmem:$0xCCC0] =	vst v63  }
0xaf: {  	_ =	swait.ge [sflag:s21], $0x3200  }
0xb0: {  	[sflag:s21] =	ssyncset.done $0x0  }
0xb1: {  	[sflag:s21] =	ssyncadd.s32 $0xFFFFCE00  }
0xb2: {  	[tilespmem:s10], [sflag:$0x6] =	stream.linear.gather [spmem:s1], $0x3200, $0x38;
	[tilespmem:$0xCCC0] =	vst v63  }
0xb3: {  	_ =	swait.ge [sflag:s25], $0xD0  }
0xb4: {  	[sflag:s25] =	ssyncset.done $0x0  }
0xb5: {  	[sflag:s25] =	ssyncadd.s32 $0xFFFFFF30  }
0xb6: {  	_ =	swait.ge [sflag:s11], $0x3200  }
0xb7: {  	[sflag:s11] =	ssyncset.done $0x0  }
0xb8: {  	[sflag:s11] =	ssyncadd.s32 $0xFFFFCE00  }
0xb9: {  	[tilespmem:s0], [sflag:$0x9] =	stream.indirect.gather.add.f32 [hbm:s3], $0x40, s2, s28, $0xb8;
	[tilespmem:$0xCCC0] =	vst v63  }
0xba: {  	_ = 	snop  }
0xbb: {  	[tilespmem:s30], [sflag:$0x9] =	stream.indirect.gather.add.f32 [hbm:s3], $0x40, s29, s28, $0xb8;
	[tilespmem:$0xCCC0] =	vst v63  }
0xbc: {  	_ =	swait.ge [sflag:s13], $0x1900  }
0xbd: {  	[sflag:s13] =	ssyncset.done $0x0  }
0xbe: {  	[sflag:s13] =	ssyncadd.s32 $0xFFFFE700  }
0xbf: {  	_ =	swait.ge [sflag:s13], $0x1900  }
0xc0: {  	[sflag:s13] =	ssyncset.done $0x0  }
0xc1: {  	s30 =	sadd.s32 $0xFFFFF9C0, s8;
	[sflag:s13] =	ssyncadd.s32 $0xFFFFE700  }
0xc2: {  	[hbm4b:s30+s2] =	stream.linear.scatter [tilespmem:s24], [sflag:$0xC], $0x3200, $0x38;
	[tilespmem:$0xCCC0] =	vst v63  }
0xc3: {  	s12 =	sadd.s32 $0xB6, s5  }
0xc4: {  	[tilespmem:s31], [sflag:$0x2] =	stream.linear.gather [hbm4b:s12+s2], $0xD0, $0x38;
	[tilespmem:$0xCCC0] =	vst v63  }
0xc5: {  	_ =	swait.ge [sflag:s14], $0x3200  }
0xc6: {  	[sflag:s14] =	ssyncset.done $0x0  }
0xc7: {  	[sflag:s14] =	ssyncadd.s32 $0xFFFFCE00  }
0xc8: {  	[tilespmem:s23], [sflag:$0x3] =	stream.linear.gather [spmem:s1], $0x3200, $0x38;
	[tilespmem:$0xCCC0] =	vst v63  }
0xc9: {  	_ =	swait.ge [sflag:s4], $0xD0  }
0xca: {  	[sflag:s4] =	ssyncset.done $0x0  }
0xcb: {  	[sflag:s4] =	ssyncadd.s32 $0xFFFFFF30  }
0xcc: {  	_ =	swait.ge [sflag:s15], $0x3200  }
0xcd: {  	[sflag:s15] =	ssyncset.done $0x0  }
0xce: {  	[sflag:s15] =	ssyncadd.s32 $0xFFFFCE00  }
0xcf: {  	[tilespmem:s10], [sflag:$0xA] =	stream.indirect.gather.add.f32 [hbm:s3], $0x40, s31, s28, $0xb8;
	[tilespmem:$0xCCC0] =	vst v63  }
0xd0: {  	s30 =	simm.s32 $0xB0A0  }
0xd1: {  	[tilespmem:s30], [sflag:$0xA] =	stream.indirect.gather.add.f32 [hbm:s3], $0x40, s7, s28, $0xb8;
	[tilespmem:$0xCCC0] =	vst v63  }
0xd2: {  	_ =	swait.ge [sflag:s17], $0x1900  }
0xd3: {  	[sflag:s17] =	ssyncset.done $0x0  }
0xd4: {  	[sflag:s17] =	ssyncadd.s32 $0xFFFFE700  }
0xd5: {  	_ =	swait.ge [sflag:s17], $0x1900  }
0xd6: {  	[sflag:s17] =	ssyncset.done $0x0  }
0xd7: {  	[sflag:s17] =	ssyncadd.s32 $0xFFFFE700  }
0xd8: {  	[hbm4b:s8+s2] =	stream.linear.scatter [tilespmem:s0], [sflag:$0xD], $0x3200, $0x38;
	[tilespmem:$0xCCC0] =	vst v63  }
0xd9: {  	s5 =	sadd.s32 $0xD0, s5  }
0xda: {  	[tilespmem:s2], [sflag:$0x1] =	stream.linear.gather [hbm4b:s5+s2], $0xD0, $0x38;
	[tilespmem:$0xCCC0] =	vst v63  }
0xdb: {  	_ =	swait.ge [sflag:s18], $0x3200  }
0xdc: {  	s22 =	simm.s32 $0x68;
	s5 =	smov.u32 s8;
	[sflag:s18] =	ssyncset.done $0x0  }
.LBB2_2:
0xdd: {  	[sflag:s18] =	ssyncadd.s32 $0xFFFFCE00  }
0xde: {  	[tilespmem:s24], [sflag:$0x4] =	stream.linear.gather [spmem:s1], $0x3200, $0x38;
	[tilespmem:$0xCCC0] =	vst v63  }
0xdf: {  	_ =	swait.ge [sflag:s25], $0xD0  }
0xe0: {  	[sflag:s25] =	ssyncset.done $0x0  }
0xe1: {  	[sflag:s25] =	ssyncadd.s32 $0xFFFFFF30  }
0xe2: {  	_ =	swait.ge [sflag:s26], $0x3200  }
0xe3: {  	[sflag:s26] =	ssyncset.done $0x0  }
0xe4: {  	[sflag:s26] =	ssyncadd.s32 $0xFFFFCE00  }
0xe5: {  	[tilespmem:s23], [sflag:$0x7] =	stream.indirect.gather.add.f32 [hbm:s3], $0x40, s2, s28, $0xb8;
	[tilespmem:$0xCCC0] =	vst v63  }
0xe6: {  	s8 =	simm.s32 $0x1AA0  }
0xe7: {  	[tilespmem:s8], [sflag:$0x7] =	stream.indirect.gather.add.f32 [hbm:s3], $0x40, s29, s28, $0xb8;
	[tilespmem:$0xCCC0] =	vst v63  }
0xe8: {  	_ =	swait.ge [sflag:s19], $0x1900  }
0xe9: {  	[sflag:s19] =	ssyncset.done $0x0  }
0xea: {  	[sflag:s19] =	ssyncadd.s32 $0xFFFFE700  }
0xeb: {  	s5 =	sadd.s32 $0x1900, s5;
	_ =	swait.ge [sflag:s19], $0x1900  }
0xec: {  	s30 =	smov.u32 s22;
	[sflag:s19] =	ssyncset.done $0x0;
	s8 =	rddreg [dreg:$0x4]  }
0xed: {  	s12 =	sadd.s32 $0xFFFFED40, s5;
	[sflag:s19] =	ssyncadd.s32 $0xFFFFE700;
	s30 =	sadd.s32 s30, s8  }
0xee: {  	[hbm4b:s12+s2] =	stream.linear.scatter [tilespmem:s10], [sflag:$0xE], $0x3200, $0x38;
	[tilespmem:$0xCCC0] =	vst v63  }
0xef: {  	s8 =	sadd.s32 $0x82, s30  }
0xf0: {  	[tilespmem:s31], [sflag:$0x2] =	stream.linear.gather [hbm4b:s8+s2], $0xD0, $0x38;
	[tilespmem:$0xCCC0] =	vst v63  }
0xf1: {  	_ =	swait.ge [sflag:s20], $0x3200  }
0xf2: {  	[sflag:s20] =	ssyncset.done $0x0  }
0xf3: {  	[sflag:s20] =	ssyncadd.s32 $0xFFFFCE00  }
0xf4: {  	[tilespmem:s0], [sflag:$0x5] =	stream.linear.gather [spmem:s1], $0x3200, $0x38;
	[tilespmem:$0xCCC0] =	vst v63  }
0xf5: {  	_ =	swait.ge [sflag:s4], $0xD0  }
0xf6: {  	[sflag:s4] =	ssyncset.done $0x0  }
0xf7: {  	[sflag:s4] =	ssyncadd.s32 $0xFFFFFF30  }
0xf8: {  	_ =	swait.ge [sflag:s6], $0x3200  }
0xf9: {  	[sflag:s6] =	ssyncset.done $0x0  }
0xfa: {  	[sflag:s6] =	ssyncadd.s32 $0xFFFFCE00  }
0xfb: {  	[tilespmem:s24], [sflag:$0x8] =	stream.indirect.gather.add.f32 [hbm:s3], $0x40, s31, s28, $0xb8;
	[tilespmem:$0xCCC0] =	vst v63  }
0xfc: {  	s12 =	simm.s32 $0x4CA0  }
0xfd: {  	[tilespmem:s12], [sflag:$0x8] =	stream.indirect.gather.add.f32 [hbm:s3], $0x40, s7, s28, $0xb8;
	[tilespmem:$0xCCC0] =	vst v63  }
0xfe: {  	_ =	swait.ge [sflag:s9], $0x1900  }
0xff: {  	[sflag:s9] =	ssyncset.done $0x0  }
0x100: {  	[sflag:s9] =	ssyncadd.s32 $0xFFFFE700  }
0x101: {  	_ =	swait.ge [sflag:s9], $0x1900  }
0x102: {  	[sflag:s9] =	ssyncset.done $0x0  }
0x103: {  	s8 =	sadd.s32 $0xFFFFF380, s5;
	[sflag:s9] =	ssyncadd.s32 $0xFFFFE700  }
0x104: {  	[hbm4b:s8+s2] =	stream.linear.scatter [tilespmem:s23], [sflag:$0xB], $0x3200, $0x38;
	[tilespmem:$0xCCC0] =	vst v63  }
0x105: {  	s12 =	sadd.s32 $0x9C, s30  }
0x106: {  	[tilespmem:s2], [sflag:$0x1] =	stream.linear.gather [hbm4b:s12+s2], $0xD0, $0x38;
	[tilespmem:$0xCCC0] =	vst v63  }
0x107: {  	_ =	swait.ge [sflag:s21], $0x3200  }
0x108: {  	[sflag:s21] =	ssyncset.done $0x0  }
0x109: {  	[sflag:s21] =	ssyncadd.s32 $0xFFFFCE00  }
0x10a: {  	[tilespmem:s10], [sflag:$0x6] =	stream.linear.gather [spmem:s1], $0x3200, $0x38;
	[tilespmem:$0xCCC0] =	vst v63  }
0x10b: {  	_ =	swait.ge [sflag:s25], $0xD0  }
0x10c: {  	[sflag:s25] =	ssyncset.done $0x0  }
0x10d: {  	[sflag:s25] =	ssyncadd.s32 $0xFFFFFF30  }
0x10e: {  	_ =	swait.ge [sflag:s11], $0x3200  }
0x10f: {  	[sflag:s11] =	ssyncset.done $0x0  }
0x110: {  	[sflag:s11] =	ssyncadd.s32 $0xFFFFCE00  }
0x111: {  	[tilespmem:s0], [sflag:$0x9] =	stream.indirect.gather.add.f32 [hbm:s3], $0x40, s2, s28, $0xb8;
	[tilespmem:$0xCCC0] =	vst v63  }
0x112: {  	s12 =	simm.s32 $0x7EA0  }
0x113: {  	[tilespmem:s12], [sflag:$0x9] =	stream.indirect.gather.add.f32 [hbm:s3], $0x40, s29, s28, $0xb8;
	[tilespmem:$0xCCC0] =	vst v63  }
0x114: {  	_ =	swait.ge [sflag:s13], $0x1900  }
0x115: {  	[sflag:s13] =	ssyncset.done $0x0  }
0x116: {  	[sflag:s13] =	ssyncadd.s32 $0xFFFFE700  }
0x117: {  	_ =	swait.ge [sflag:s13], $0x1900  }
0x118: {  	[sflag:s13] =	ssyncset.done $0x0  }
0x119: {  	s8 =	sadd.s32 $0xFFFFF9C0, s5;
	[sflag:s13] =	ssyncadd.s32 $0xFFFFE700  }
0x11a: {  	[hbm4b:s8+s2] =	stream.linear.scatter [tilespmem:s24], [sflag:$0xC], $0x3200, $0x38;
	[tilespmem:$0xCCC0] =	vst v63  }
0x11b: {  	s12 =	sadd.s32 $0xB6, s30  }
0x11c: {  	[tilespmem:s31], [sflag:$0x2] =	stream.linear.gather [hbm4b:s12+s2], $0xD0, $0x38;
	[tilespmem:$0xCCC0] =	vst v63  }
0x11d: {  	_ =	swait.ge [sflag:s14], $0x3200  }
0x11e: {  	[sflag:s14] =	ssyncset.done $0x0  }
0x11f: {  	[sflag:s14] =	ssyncadd.s32 $0xFFFFCE00  }
0x120: {  	[tilespmem:s23], [sflag:$0x3] =	stream.linear.gather [spmem:s1], $0x3200, $0x38;
	[tilespmem:$0xCCC0] =	vst v63  }
0x121: {  	_ =	swait.ge [sflag:s4], $0xD0  }
0x122: {  	[sflag:s4] =	ssyncset.done $0x0  }
0x123: {  	[sflag:s4] =	ssyncadd.s32 $0xFFFFFF30  }
0x124: {  	_ =	swait.ge [sflag:s15], $0x3200  }
0x125: {  	[sflag:s15] =	ssyncset.done $0x0  }
0x126: {  	[sflag:s15] =	ssyncadd.s32 $0xFFFFCE00  }
0x127: {  	[tilespmem:s10], [sflag:$0xA] =	stream.indirect.gather.add.f32 [hbm:s3], $0x40, s31, s28, $0xb8;
	[tilespmem:$0xCCC0] =	vst v63  }
0x128: {  	_ = 	snop  }
0x129: {  	[tilespmem:s16], [sflag:$0xA] =	stream.indirect.gather.add.f32 [hbm:s3], $0x40, s7, s28, $0xb8;
	[tilespmem:$0xCCC0] =	vst v63  }
0x12a: {  	_ =	swait.ge [sflag:s17], $0x1900  }
0x12b: {  	[sflag:s17] =	ssyncset.done $0x0  }
0x12c: {  	[sflag:s17] =	ssyncadd.s32 $0xFFFFE700  }
0x12d: {  	_ =	swait.ge [sflag:s17], $0x1900  }
0x12e: {  	[sflag:s17] =	ssyncset.done $0x0  }
0x12f: {  	p1 =	sne.s32 s22, $0xBC8;
	[sflag:s17] =	ssyncadd.s32 $0xFFFFE700  }
0x130: {  	[hbm4b:s5+s2] =	stream.linear.scatter [tilespmem:s0], [sflag:$0xD], $0x3200, $0x38;
	[tilespmem:$0xCCC0] =	vst v63  }
.Ltmp0:
0x131: {  	_ = 	snop;
	(pc) =	sbr.rel @p1 .LBB2_2-.Ltmp0, $4  }
0x132: {  	s30 =	sadd.s32 $0xD0, s30  }
0x133: {  	[tilespmem:s2], [sflag:$0x1] =	stream.linear.gather [hbm4b:s30+s2], $0xD0, $0x38;
	[tilespmem:$0xCCC0] =	vst v63  }
0x134: {  	_ =	swait.ge [sflag:s18], $0x3200  }
0x135: {  	s22 =	sadd.s32 $0x68, s22;
	[sflag:s18] =	ssyncset.done $0x0  }
0x136: {  	[sflag:s18] =	ssyncadd.s32 $0xFFFFCE00  }
0x137: {  	[tilespmem:s24], [sflag:$0x4] =	stream.linear.gather [spmem:s1], $0x3200, $0x38;
	[tilespmem:$0xCCC0] =	vst v63  }
0x138: {  	_ =	swait.ge [sflag:s25], $0xD0  }
0x139: {  	[sflag:s25] =	ssyncset.done $0x0  }
0x13a: {  	[sflag:s25] =	ssyncadd.s32 $0xFFFFFF30  }
0x13b: {  	_ =	swait.ge [sflag:s26], $0x3200  }
0x13c: {  	[sflag:s26] =	ssyncset.done $0x0  }
0x13d: {  	[sflag:s26] =	ssyncadd.s32 $0xFFFFCE00  }
0x13e: {  	[tilespmem:s23], [sflag:$0x7] =	stream.indirect.gather.add.f32 [hbm:s3], $0x40, s2, s28, $0xb8;
	[tilespmem:$0xCCC0] =	vst v63  }
0x13f: {  	s5 =	simm.s32 $0x1AA0  }
0x140: {  	[tilespmem:s5], [sflag:$0x7] =	stream.indirect.gather.add.f32 [hbm:s3], $0x40, s29, s28, $0xb8;
	[tilespmem:$0xCCC0] =	vst v63  }
0x141: {  	_ =	swait.ge [sflag:s19], $0x1900  }
0x142: {  	[sflag:s19] =	ssyncset.done $0x0  }
0x143: {  	[sflag:s19] =	ssyncadd.s32 $0xFFFFE700  }
0x144: {  	_ =	swait.ge [sflag:s19], $0x1900  }
0x145: {  	[sflag:s19] =	ssyncset.done $0x0  }
0x146: {  	s12 =	rddreg [dreg:$0x14];
	[sflag:s19] =	ssyncadd.s32 $0xFFFFE700  }
0x147: {  	[hbm4b:s12+s2] =	stream.linear.scatter [tilespmem:s10], [sflag:$0xE], $0x3200, $0x38;
	[tilespmem:$0xCCC0] =	vst v63  }
0x148: {  	s22 =	rddreg [dreg:$0xd]  }
0x149: {  	[tilespmem:s31], [sflag:$0x2] =	stream.linear.gather [hbm4b:s22+s2], $0xD0, $0x38;
	[tilespmem:$0xCCC0] =	vst v63  }
0x14a: {  	_ =	swait.ge [sflag:s20], $0x3200  }
0x14b: {  	[sflag:s20] =	ssyncset.done $0x0  }
0x14c: {  	[sflag:s20] =	ssyncadd.s32 $0xFFFFCE00  }
0x14d: {  	[tilespmem:s0], [sflag:$0x5] =	stream.linear.gather [spmem:s1], $0x3200, $0x38;
	[tilespmem:$0xCCC0] =	vst v63  }
0x14e: {  	_ =	swait.ge [sflag:s4], $0xD0  }
0x14f: {  	[sflag:s4] =	ssyncset.done $0x0  }
0x150: {  	[sflag:s4] =	ssyncadd.s32 $0xFFFFFF30  }
0x151: {  	_ =	swait.ge [sflag:s6], $0x3200  }
0x152: {  	[sflag:s6] =	ssyncset.done $0x0  }
0x153: {  	[sflag:s6] =	ssyncadd.s32 $0xFFFFCE00  }
0x154: {  	[tilespmem:s24], [sflag:$0x8] =	stream.indirect.gather.add.f32 [hbm:s3], $0x40, s31, s28, $0xb8;
	[tilespmem:$0xCCC0] =	vst v63  }
0x155: {  	s30 =	simm.s32 $0x4CA0  }
0x156: {  	[tilespmem:s30], [sflag:$0x8] =	stream.indirect.gather.add.f32 [hbm:s3], $0x40, s7, s28, $0xb8;
	[tilespmem:$0xCCC0] =	vst v63  }
0x157: {  	_ =	swait.ge [sflag:s9], $0x1900  }
0x158: {  	[sflag:s9] =	ssyncset.done $0x0  }
0x159: {  	[sflag:s9] =	ssyncadd.s32 $0xFFFFE700  }
0x15a: {  	_ =	swait.ge [sflag:s9], $0x1900  }
0x15b: {  	[sflag:s9] =	ssyncset.done $0x0  }
0x15c: {  	s8 =	rddreg [dreg:$0x15];
	[sflag:s9] =	ssyncadd.s32 $0xFFFFE700  }
0x15d: {  	[hbm4b:s8+s2] =	stream.linear.scatter [tilespmem:s23], [sflag:$0xB], $0x3200, $0x38;
	[tilespmem:$0xCCC0] =	vst v63  }
0x15e: {  	s12 =	rddreg [dreg:$0xe]  }
0x15f: {  	[tilespmem:s2], [sflag:$0x1] =	stream.linear.gather [hbm4b:s12+s2], $0xD0, $0x38;
	[tilespmem:$0xCCC0] =	vst v63  }
0x160: {  	_ =	swait.ge [sflag:s21], $0x3200  }
0x161: {  	[sflag:s21] =	ssyncset.done $0x0  }
0x162: {  	[sflag:s21] =	ssyncadd.s32 $0xFFFFCE00  }
0x163: {  	[tilespmem:s10], [sflag:$0x6] =	stream.linear.gather [spmem:s1], $0x3200, $0x38;
	[tilespmem:$0xCCC0] =	vst v63  }
0x164: {  	_ =	swait.ge [sflag:s25], $0xD0  }
0x165: {  	[sflag:s25] =	ssyncset.done $0x0  }
0x166: {  	[sflag:s25] =	ssyncadd.s32 $0xFFFFFF30  }
0x167: {  	_ =	swait.ge [sflag:s11], $0x3200  }
0x168: {  	[sflag:s11] =	ssyncset.done $0x0  }
0x169: {  	[sflag:s11] =	ssyncadd.s32 $0xFFFFCE00  }
0x16a: {  	[tilespmem:s0], [sflag:$0x9] =	stream.indirect.gather.add.f32 [hbm:s3], $0x40, s2, s28, $0xb8;
	[tilespmem:$0xCCC0] =	vst v63  }
0x16b: {  	s22 =	simm.s32 $0x7EA0  }
0x16c: {  	[tilespmem:s22], [sflag:$0x9] =	stream.indirect.gather.add.f32 [hbm:s3], $0x40, s29, s28, $0xb8;
	[tilespmem:$0xCCC0] =	vst v63  }
0x16d: {  	_ =	swait.ge [sflag:s13], $0x1900  }
0x16e: {  	[sflag:s13] =	ssyncset.done $0x0  }
0x16f: {  	[sflag:s13] =	ssyncadd.s32 $0xFFFFE700  }
0x170: {  	_ =	swait.ge [sflag:s13], $0x1900  }
0x171: {  	[sflag:s13] =	ssyncset.done $0x0  }
0x172: {  	s30 =	rddreg [dreg:$0x11];
	[sflag:s13] =	ssyncadd.s32 $0xFFFFE700  }
0x173: {  	[hbm4b:s30+s2] =	stream.linear.scatter [tilespmem:s24], [sflag:$0xC], $0x3200, $0x38;
	[tilespmem:$0xCCC0] =	vst v63  }
0x174: {  	s8 =	rddreg [dreg:$0xf]  }
0x175: {  	[tilespmem:s31], [sflag:$0x2] =	stream.linear.gather [hbm4b:s8+s2], $0xD0, $0x38;
	[tilespmem:$0xCCC0] =	vst v63  }
0x176: {  	_ =	swait.ge [sflag:s14], $0x3200  }
0x177: {  	[sflag:s14] =	ssyncset.done $0x0  }
0x178: {  	[sflag:s14] =	ssyncadd.s32 $0xFFFFCE00  }
0x179: {  	_ =	swait.ge [sflag:s4], $0xD0  }
0x17a: {  	[sflag:s4] =	ssyncset.done $0x0  }
0x17b: {  	[sflag:s4] =	ssyncadd.s32 $0xFFFFFF30  }
0x17c: {  	_ =	swait.ge [sflag:s15], $0x3200  }
0x17d: {  	[sflag:s15] =	ssyncset.done $0x0  }
0x17e: {  	[sflag:s15] =	ssyncadd.s32 $0xFFFFCE00  }
0x17f: {  	[tilespmem:s10], [sflag:$0xA] =	stream.indirect.gather.add.f32 [hbm:s3], $0x40, s31, s28, $0xb8;
	[tilespmem:$0xCCC0] =	vst v63  }
0x180: {  	_ = 	snop  }
0x181: {  	[tilespmem:s16], [sflag:$0xA] =	stream.indirect.gather.add.f32 [hbm:s3], $0x40, s7, s28, $0xb8;
	[tilespmem:$0xCCC0] =	vst v63  }
0x182: {  	_ =	swait.ge [sflag:s17], $0x1900  }
0x183: {  	[sflag:s17] =	ssyncset.done $0x0  }
0x184: {  	[sflag:s17] =	ssyncadd.s32 $0xFFFFE700  }
0x185: {  	_ =	swait.ge [sflag:s17], $0x1900  }
0x186: {  	[sflag:s17] =	ssyncset.done $0x0  }
0x187: {  	s12 =	rddreg [dreg:$0x12];
	[sflag:s17] =	ssyncadd.s32 $0xFFFFE700  }
0x188: {  	[hbm4b:s12+s2] =	stream.linear.scatter [tilespmem:s0], [sflag:$0xD], $0x3200, $0x38;
	[tilespmem:$0xCCC0] =	vst v63  }
0x189: {  	_ =	swait.ge [sflag:s18], $0x3200  }
0x18a: {  	[sflag:s18] =	ssyncset.done $0x0  }
0x18b: {  	[sflag:s18] =	ssyncadd.s32 $0xFFFFCE00  }
0x18c: {  	_ =	swait.ge [sflag:s19], $0x1900  }
0x18d: {  	[sflag:s19] =	ssyncset.done $0x0  }
0x18e: {  	[sflag:s19] =	ssyncadd.s32 $0xFFFFE700  }
0x18f: {  	_ =	swait.ge [sflag:s19], $0x1900  }
0x190: {  	[sflag:s19] =	ssyncset.done $0x0  }
0x191: {  	s22 =	rddreg [dreg:$0x13];
	[sflag:s19] =	ssyncadd.s32 $0xFFFFE700  }
0x192: {  	[hbm4b:s22+s2] =	stream.linear.scatter [tilespmem:s10], [sflag:$0xE], $0x3200, $0x38;
	[tilespmem:$0xCCC0] =	vst v63  }
0x193: {  	_ =	swait.ge [sflag:s20], $0x3200  }
0x194: {  	[sflag:s20] =	ssyncset.done $0x0  }
0x195: {  	[sflag:s20] =	ssyncadd.s32 $0xFFFFCE00  }
0x196: {  	_ =	swait.ge [sflag:s21], $0x3200  }
0x197: {  	s8 =	rddreg [dreg:$0x18]  }
0x198: {  	s30 =	rddreg [dreg:$0x16];
	s8 =	sadd.s32 $0x1, s8  }
0x199: {  	p1 =	sne.s32 s8, s30  }
.Ltmp1:
0x19a: {  	_ = 	snop;
	(pc) =	sbr.rel @p1 .LBB2_1-.Ltmp1, $3  }
0x19b: {  	_ =	sdelay $0x1  }
0x19c: {  	[sflag:s21] =	ssyncset.done $0x0  }
0x19d: {  	[sflag:s21] =	ssyncadd.s32 $0xFFFFCE00  }
0x19e: {  	_ =	sfence.sel $0x180000  }
0x19f: {  	[bflag:$0x0] =	sbarrier.arrive $0xFFFF  }
0x1a0: {  	_ =	strace $0x90000047  }
0x1a1: {  	[bflag:$0x2] =	sbarrier.arrive $0xFFFF  }
0x1a2: {  	s0 =	rddreg [dreg:$0x3]  }
0x1a3: {  	s0 =	sadd.s32 @!p0 $0x100000, s0  }
0x1a4: {  	[sflag:s0] =	ssyncadd.tile.s32 @!p0 $0x1;
	_ =	shalt  }
.Lfunc_end2:
_tile_overlayer_lowered:
.L_overlay_start_2:
0x1a5: {  	(tag) =	ssettag $0x2  }
0x1a6: {  	s0 =	rddreg [dreg:$0x0];
	s2 =	stileid.u32  }
0x1a7: {  	s1 =	rddreg [dreg:$0x1];
	p0 =	sne.s32 s2, $0x0  }
0x1a8: {  	s3 =	rddreg [dreg:$0x2];
	[bflag:$0x3] =	sbarrier.arrive $0xFFFF;
	s2 =	simm.s32 @!p0 $0x1C0F  }
0x1a9: {  	[timem:s3], [sflag:s2] =	dma.local @!p0 [hbm:s0], s1  }
0x1aa: {  	s0 =	simm.s32 @!p0 $0xF  }
0x1ab: {  	_ =	swait.ge @!p0 [sflag:s0], s1  }
0x1ac: {  	s1 =	ssub.s32 @!p0 $0x0, s1;
	[sflag:s0] =	ssyncset.done @!p0 $0x0  }
0x1ad: {  	[sflag:s0] =	ssyncadd.s32 @!p0 s1  }
0x1ae: {  	[bflag:$0x3] =	sbarrier.arrive $0xFFFF  }
0x1af: {  	_ =	shalt  }

// kernel: sparse-core-data-format-call.cloned.1.call-start
scs
called_computation_lowered:
.L_overlay_start_0:
0x0: {  	s2 =	sld [smem:$0x3FD9]  }
0x1: {  	s3 =	sld [smem:$0x3FFE];
	_ =	sdelay $0x1  }
0x2: {  	s1 =	srdreg.scid  }
0x3: {  	s0 =	sand.u32 $0x1, s1  }
0x4: {  	s18 =	sshll.u32 s0, $0xA;
	s2 =	sadd.s32 s3, s2  }
0x5: {  	s2 =	sadd.s32 s2, s18  }
0x6: {  	[smem:$0x3FC5] =	sst s2  }
0x7: {  	_ = 	snop  }
0x8: {  	s2 =	sld [smem:$0x3FD0];
	(tm) =	ssettm $0x1  }
0x9: {  	s19 =	sld [smem:$0x3FFB];
	_ =	sdelay $0x3  }
0xa: {  	_ =	strace s19  }
0xb: {  	s3 =	sld [smem:$0x3FFC];
	_ =	sdelay $0x3  }
0xc: {  	_ =	strace s3  }
0xd: {  	s3 =	sld [smem:$0x3FFD];
	_ =	sdelay $0x3  }
0xe: {  	_ =	strace s3  }
0xf: {  	_ =	strace $0x8FFFFFFF  }
0x10: {  	s20 =	sld [smem:$0x3FDB];
	_ =	sdelay $0x1  }
0x11: {  	s4 =	simm.s32 $_scs_section_size  }
0x12: {  	s5 =	simm.s32 $_size__tile_overlayer_lowered;
	s6 =	simm.s32 $_tile_overlayer_lowered  }
0x13: {  	s23 =	simm.s32 $0x1BFF;
	s22 =	sshll.u32 s6, $0x1;
	s3 =	sadd.s32 s4, s20  }
0x14: {  	s7 =	simm.s32 $0x0;
	s21 =	sshll.u32 s5, $0x1;
	s5 =	sadd.s32 s22, s3  }
0x15: {  	[timem:s7], [sflag:s23] =	dma.local [hbm:s5], s21  }
0x16: {  	_ =	swait.ge [sflag:s23], s21  }
0x17: {  	s4 =	ssub.s32 $0x0, s21;
	[sflag:s23] =	ssyncset.done $0x0  }
0x18: {  	[sflag:s23] =	ssyncadd.s32 s4;
	_ =	sdelay $0x1  }
0x19: {  	s24 =	simm.s32 $0x1B8B  }
0x1a: {  	_ =	swait.ge [sflag:s24], $0x1  }
0x1b: {  	[sflag:s24] =	ssyncset.done $0x0  }
0x1c: {  	s26 =	simm.s32 $0x1B8E;
	s25 =	sld [smem:$0x3FFE];
	[sflag:s24] =	ssyncadd.s32 $0xFFFFFFFF  }
0x1d: {  	s27 =	simm.s32 $execute0_lowered;
	[smem:$0x3FD2] =	sst s26  }
0x1e: {  	s5 =	sshll.u32 s27, $0x1;
	_ =	strace $0x80000049;
	[dreg:$0x1] =	wrdreg $0xFFFFFFFF  }
0x1f: {  	s28 =	simm.s32 $_size_execute0_lowered;
	s3 =	sadd.s32 s3, s5;
	[dreg:$0x0] =	wrdreg $0x0  }
0x20: {  	s5 =	sshll.u32 s28, $0x1;
	[dreg:$0x2] =	wrdreg s3  }
0x21: {  	[dreg:$0x3] =	wrdreg s5  }
0x22: {  	[dreg:$0x4] =	wrdreg $0xC0  }
0x23: {  	_ =	task [dreg:s7], $0x5FFFF  }
0x24: {  	[dreg:$0x1] =	wrdreg $0xFFFFFFFF  }
0x25: {  	[dreg:$0x0] =	wrdreg $0x60  }
0x26: {  	[dreg:$0x2] =	wrdreg s25  }
0x27: {  	[dreg:$0x3] =	wrdreg s2  }
0x28: {  	[dreg:$0x4] =	wrdreg $0x9  }
0x29: {  	_ =	task.clear_ibuf [dreg:s7], $0x5FFFF;
	_ =	strace $0x90000049  }
0x2a: {  	s29 =	simm.s32 $0x9;
	_ =	strace $0x8000004B  }
0x2b: {  	_ =	swait.ge [sflag:s29], $0x1  }
0x2c: {  	[sflag:s29] =	ssyncadd.s32 $0xFFFFFFFF  }
0x2d: {  	_ =	strace $0x9000004B  }
0x2e: {  	_ =	sfence  }
0x2f: {  	s30 =	sld [smem:$0x0];
	_ =	sdelay $0x2  }
0x30: {  	s31 =	sshll.u32 s1, $0xD;
	s1 =	sshrl.u32 s1, $0x2  }
0x31: {  	s3 =	sand.u32 $0x4000, s31;
	s1 =	sadd.s32 s1, s30  }
0x32: {  	s0 =	sor.u32 s3, s0;
	s1 =	sshll.u32 s1, $0x11  }
0x33: {  	s0 =	sor.u32 s1, s0  }
0x34: {  	s0 =	sadd.s32 $0x8F2B, s0  }
0x35: {  	[sflag:s0] =	ssyncadd.remote.s32 $0x1  }
0x36: {  	_ =	sfence.sel $0xFFFF  }
0x37: {  	[dreg:$0x0] =	wrdreg $0xFFFFFFFF;
	(pc) =	sbr.abs _section_cstart, $3  }
0x38: {  	[dreg:$0x1] =	wrdreg $0xFFFFFFFF  }
0x39: {  	_ =	task.clear_ibuf [dreg:s7], $0x2FFFF;
	_ =	strace $0x9FFFFFFF  }
0x3a: {  	(tm) =	ssettm $0x7FFFFFFF  }
0x3b: {  	_ =	shalt  }
tec
execute0_lowered:
.L_overlay_start_1:
0x0: {  	(tag) =	ssettag $0x1  }
0x1: {  	s0 =	srdreg.scid  }
0x2: {  	s1 =	sshll.u32 s0, $0x4  }
0x3: {  	s0 =	stileid.u32;
	s1 =	sand.u32 $0x10, s1  }
0x4: {  	s1 =	sor.u32 s0, s1  }
0x5: {  	s6 =	rddreg [dreg:$0x0];
	s4 =	simm.s32 $0x1;
	s2 =	sshll.u32 s1, $0x7  }
0x6: {  	s7 =	simm.s32 $0x2;
	s12 =	simm.s32 $0x0;
	s1 =	ssub.s32 $0x1000, s2  }
0x7: {  	s8 =	simm.s32 $0x8000;
	s13 =	simm.s32 $0x0;
	s3 =	sand.u32 $0xF80, s1  }
0x8: {  	s9 =	simm.s32 $0x0;
	s5 =	sshrl.u32 s1, $0xC;
	p0 =	sne.s32 s3, $0x0  }
.Ltmp0:
0x9: {  	s1 =	rddreg [dreg:$0x2];
	s4 =	simm.s32 @!p0 $0x0;
	(pc) =	sbr.rel .LBB1_1-.Ltmp0, $4  }
0xa: {  	s11 =	simm.s32 $0x0;
	s3 =	rddreg [dreg:$0x1];
	s5 =	sadd.s32 s4, s5  }
0xb: {  	_ =	strace $0x8000004A;
	s4 =	simm.s32 $0x1;
	s5 =	smul.u32 $0xC8, s5  }
0xc: {  	s6 =	sadd.s32 $0xC00, s6;
	s10 =	smov.u32 s2;
	[sflag:s4] =	ssyncpa.u1 $0x0  }
0xd: {  	p0 =	por $0x0, $0x0;
	[sflag:s7] =	ssyncpa.u1 $0x0;
	s7 =	sor.u32 $0x1, s5  }
.LBB1_4:
0xe: {  	s16 =	sshll.u32 s13, $0x3;
	s17 =	sand.u32 $0x78, s13  }
0xf: {  	s30 =	sand.u32 $0x7E00, s13;
	s12 =	sshll.u32 s12, $0xF;
	s16 =	sand.u32 $0xC00, s16  }
0x10: {  	[tilespmem:s15+$0x810 ss:$0x81] =	vst.msk $0xffff, v2;
	s31 =	sand.u32 $0x7, s13;
	s16 =	sor.u32 s17, s16;
	s17 =	sadd.s32 s3, s30  }
0x11: {  	[tilespmem:s15+$0x1020 ss:$0x81] =	vst.msk $0xffff, v0;
	s13 =	sshll.u32 s31, $0x12;
	s12 =	sadd.s32 s12, s17;
	s16 =	sshrl.u32 s16, $0x3  }
0x12: {  	[tilespmem:s15+$0x0 ss:$0x81] =	vst.msk $0xffff, v1;
	s13 =	sor.u32 $0x400, s13;
	s12 =	sadd.s32 s16, s12  }
0x13: {  	[hbm4b:s12+s13] =	stream.strided.scatter [tilespmem:s14], [sflag:$0x2], $0x2000, s8, s13, $0x20;
	[tilespmem:$0x8080] =	vst v63  }
.LBB1_5:
0x14: {  	s14 =	sadd.s32 $0x1, s9  }
0x15: {  	s12 =	sadd.s32 $0x1000, s10;
	s16 =	smov.u32 s10;
	p2 =	sgt.s32 s14, $0xC7  }
0x16: {  	s16 =	smov.u32 @p2 s12  }
0x17: {  	s14 =	simm.s32 @p2 $0x0;
	p2 =	sgt.s32 s16, $0xFFF  }
0x18: {  	s16 =	smov.u32 @p2 s2;
	p2 =	sne.s32 s11, s7  }
.Ltmp1:
0x19: {  	p1 =	slt.u32 s11, $0x2;
	(pc) =	sbr.rel @!p2 .LBB1_6-.Ltmp1, $4  }
0x1a: {  	s15 =	simm.s32 @!p1 $0x2  }
0x1b: {  	s13 =	smov.u32 s10;
	p0 =	por !p0, !p0;
	_ =	swait.ge @!p1 [sflag:s15], $0x2000  }
0x1c: {  	s12 =	smov.u32 s9;
	[sflag:s15] =	ssyncset.done @!p1 $0x0;
	s9 =	smov.u32 s14  }
0x1d: {  	s11 =	sadd.s32 $0x1, s11;
	[sflag:s15] =	ssyncadd.s32 @!p1 $0xFFFFE000;
	s10 =	smov.u32 s16  }
.LBB1_1:
0x1e: {  	p1 =	sge.u32 s11, s5  }
0x1f: {  	s14 =	sand.u32 @!p1 $0x1FFFFFF, s9  }
0x20: {  	s15 =	smulhi.u32 @!p1 $0x147AE15, s14;
	_ =	sdelay $0x1  }
0x21: {  	s15 =	smul.u32 @!p1 $0xC8, s15  }
0x22: {  	s16 =	sxor.u32 @!p1 $0xFFFFFFFF, s11;
	s17 =	smul.u32 @!p1 $0xC80, s10  }
0x23: {  	s31 =	sadd.s32 $0xFFFFFFFF, s11;
	s16 =	sshll.u32 @!p1 s16, $0xD;
	s14 =	ssub.s32 @!p1 s14, s15  }
0x24: {  	s15 =	sand.u32 @!p1 $0x2000, s16;
	s16 =	sadd.s32 @!p1 s6, s17;
	s14 =	sshll.u32 @!p1 s14, $0x4  }
0x25: {  	s17 =	simm.s32 @!p1 $0x6400;
	s14 =	sadd.s32 @!p1 s14, s16;
	s16 =	simm.s32 @!p1 $0x40  }
0x26: {  	[tilespmem:s15], [sflag:$0x1] =	stream.strided.gather @!p1 [hbm4b:s14+s16], $0x2000, s17, s16, $0x38;
	[tilespmem:$0x8080] =	vst v63  }
0x27: {  	p1 =	sge.u32 s31, s5  }
.Ltmp2:
0x28: {  	_ = 	snop;
	(pc) =	sbr.rel @p1 .LBB1_5-.Ltmp2, $1  }
0x29: {  	_ =	sdelay $0x3  }
0x2a: {  	s14 =	simm.s32 $0x1  }
0x2b: {  	_ =	swait.ge [sflag:s4], $0x2000;
	s14 =	simm.s32 @!p0 $0x0  }
0x2c: {  	[sflag:s4] =	ssyncset.done $0x0;
	s15 =	sshll.u32 s14, $0xD  }
0x2d: {  	[sflag:s4] =	ssyncadd.s32 $0xFFFFE000;
	s18 =	sor.u32 $0x20, s15  }
0x2e: {  	s14 =	smul.u32 $0x8100, s14;
	v3 =	vld [tilespmem:s18+$0x10]  }
0x2f: {  	s30 =	sand.u32 $0x1, s11;
	v2 =	vld [tilespmem:s18+$0xFFFFFFF0]  }
0x30: {  	s15 =	smul.u32 $0x8100, s30;
	s14 =	sshrl.u32 s14, $0x2;
	v0 =	vld [tilespmem:s18+$0x0]  }
0x31: {  	v1 =	vld [tilespmem:s18+$0xFFFFFFE0];
	s16 =	sor.u32 $0x4000, s14  }
0x32: {  	s31 =	sshrl.u32 s15, $0x2;
	s15 =	sadd.s32 $0x0, s16  }
0x33: {  	s17 =	simm.s32 $0x4;
	s18 =	sadd.s32 $0x40, s18;
	s14 =	sor.u32 $0x4000, s31;
	[tilespmem:s15+$0x1830 ss:$0x81] =	vst.msk $0xffff, v3  }
.LBB1_3:
0x34: {  	v3 =	vld [tilespmem:s18+$0x10];
	p1 =	sne.s32 s17, $0x1FC;
	[tilespmem:s15+$0x810 ss:$0x81] =	vst.msk $0xffff, v2;
	s19 =	smov.u32 s17;
	s17 =	sadd.s32 $0x4, s17  }
.Ltmp3:
0x35: {  	v2 =	vld [tilespmem:s18+$0xFFFFFFF0];
	[tilespmem:s15+$0x1020 ss:$0x81] =	vst.msk $0xffff, v0;
	(pc) =	sbr.rel @p1 .LBB1_3-.Ltmp3, $4  }
0x36: {  	v0 =	vld [tilespmem:s18+$0x0];
	[tilespmem:s15+$0x0 ss:$0x81] =	vst.msk $0xffff, v1  }
0x37: {  	s15 =	sshra.s32 s19, $0x2;
	v1 =	vld [tilespmem:s18+$0xFFFFFFE0]  }
0x38: {  	s15 =	sadd.s32 s15, s16  }
0x39: {  	s18 =	sadd.s32 $0x40, s18;
	[tilespmem:s15+$0x1830 ss:$0x81] =	vst.msk $0xffff, v3  }
.Ltmp4:
0x3a: {  	_ = 	snop;
	(pc) =	sbr.rel .LBB1_4-.Ltmp4, $1  }
0x3b: {  	_ =	sdelay $0x3  }
.LBB1_6:
0x3c: {  	_ =	sfence.sel $0x180000  }
0x3d: {  	s2 =	simm.s32 $0x1;
	[bflag:$0x0] =	sbarrier.arrive $0xFFFF  }
0x3e: {  	s31 =	simm.s32 $0x2;
	[sflag:s2] =	ssyncpa.u1 $0x1  }
0x3f: {  	[sflag:s31] =	ssyncpa.u1 $0x1  }
0x40: {  	p0 =	sne.s32 s0, $0x0;
	_ =	strace $0x9000004A  }
0x41: {  	s0 =	sadd.s32 @!p0 $0x100000, s1;
	[bflag:$0x2] =	sbarrier.arrive $0xFFFF  }
0x42: {  	[sflag:s0] =	ssyncadd.tile.s32 @!p0 $0x1;
	_ =	shalt  }
.Lfunc_end1:
_tile_overlayer_lowered:
.L_overlay_start_2:
0x43: {  	(tag) =	ssettag $0x2  }
0x44: {  	s0 =	rddreg [dreg:$0x0];
	s2 =	stileid.u32  }
0x45: {  	s1 =	rddreg [dreg:$0x1];
	p0 =	sne.s32 s2, $0x0  }
0x46: {  	s3 =	rddreg [dreg:$0x2];
	[bflag:$0x3] =	sbarrier.arrive $0xFFFF;
	s2 =	simm.s32 @!p0 $0x1C01  }
0x47: {  	[timem:s3], [sflag:s2] =	dma.local @!p0 [hbm:s0], s1  }
0x48: {  	s0 =	simm.s32 @!p0 $0x1  }
0x49: {  	_ =	swait.ge @!p0 [sflag:s0], s1  }
0x4a: {  	s1 =	ssub.s32 @!p0 $0x0, s1;
	[sflag:s0] =	ssyncset.done @!p0 $0x0  }
0x4b: {  	[sflag:s0] =	ssyncadd.s32 @!p0 s1  }
0x4c: {  	[bflag:$0x3] =	sbarrier.arrive $0xFFFF  }
0x4d: {  	_ =	shalt  }

</sc_bundles>
